<compile_context>
chip_gen: v7x
topology: tpu7x:2x2x1
jax: 0.10.2.dev20260603
libtpu: 0.0.44.dev20260713+nightly
codegen_flags: <defaults>
</compile_context>

<pallas_src>
import functools

import jax
import jax.numpy as jnp
from jax import lax
from jax.experimental import pallas as pl
from jax.experimental.pallas import tpu as pltpu
from jax.experimental.pallas import tpu_sc as plsc

N = 10000
E = 320000
G = 256
H = 128
DH = 64
NC = 2
NS = 16
NW = NC * NS
CH = 80
EPW = E // NW
NCH_W = EPW // CH
SLAB = (N // NS) // 8 * 8
TAIL = N - NS * SLAB
DEGW = 16

_mesh = plsc.VectorSubcoreMesh(
    core_axis_name="c", subcore_axis_name="s", num_cores=NC, num_subcores=NS
)


def _each_slab(s, fn):
    fn(s * SLAB, SLAB)

    @pl.when(s == NS - 1)
    def _():
        fn(NS * SLAB, TAIL)


@functools.partial(
    pl.kernel,
    out_type=jax.ShapeDtypeStruct((NC, N, H), jnp.float32),
    mesh=_mesh,
    scratch_types=[
        pltpu.VMEM((1, CH), jnp.int32),
        pltpu.VMEM((1, CH), jnp.int32),
        pltpu.VMEM((NCH_W, CH), jnp.int32),
        pltpu.VMEM((CH, H), jnp.float32),
        pltpu.VMEM((CH, H), jnp.float32),
        pltpu.VMEM_SHARED((N, H), jnp.float32),
        pltpu.SemaphoreType.DMA,
        pltpu.SemaphoreType.DMA,
        pltpu.SemaphoreType.DMA,
        pltpu.SemaphoreType.DMA,
    ],
)
def _agg_kernel(h_hbm, src3d, dst3d, zeros_h, accp,
                idx_s0, idx_s1, idx_d_all, rows0, rows1, acc_sp,
                sem0, sem1, isem0, isem1):
    c = lax.axis_index("c")
    s = lax.axis_index("s")
    wid = s * NC + c

    _each_slab(s, lambda start, size: pltpu.sync_copy(
        zeros_h.at[pl.ds(start, size)], acc_sp.at[pl.ds(start, size)]))
    pltpu.sync_copy(dst3d.at[wid], idx_d_all)
    plsc.subcore_barrier()

    slot = ((idx_s0, rows0, sem0, isem0), (idx_s1, rows1, sem1, isem1))

    def _istart(g, ibuf, isem):
        pltpu.async_copy(
            src3d.at[wid, jnp.minimum(g, NCH_W - 1)], ibuf.at[0], isem)

    def _iwait(ibuf, isem):
        pltpu.make_async_copy(src3d.at[wid, 0], ibuf.at[0], isem).wait()

    def _gstart(ibuf, rbuf, sem):
        pltpu.async_copy(h_hbm.at[ibuf.at[0]], rbuf, sem)

    def _gwait(ibuf, rbuf, sem):
        pltpu.make_async_copy(h_hbm.at[ibuf.at[0]], rbuf, sem).wait()

    def _scatter(g, rbuf):
        pltpu.sync_copy(rbuf, acc_sp.at[idx_d_all.at[g]], add=True)

    _istart(0, idx_s0, isem0)
    _istart(1, idx_s1, isem1)
    _iwait(idx_s0, isem0)
    _gstart(idx_s0, rows0, sem0)

    def step(g, b):
        ib, rb, gs, isem = slot[b]
        ib2, rb2, gs2, isem2 = slot[1 - b]
        _iwait(ib2, isem2)
        _gwait(ib, rb, gs)
        _istart(g + 2, ib, isem)
        _gstart(ib2, rb2, gs2)
        _scatter(g, rb)

    def pair(p, carry):
        g = 2 * p
        step(g, 0)
        step(g + 1, 1)
        return carry

    lax.fori_loop(0, (NCH_W - 1) // 2, pair, 0)
    _iwait(idx_s1, isem1)
    _gwait(idx_s0, rows0, sem0)
    _scatter(NCH_W - 1, rows0)
    plsc.subcore_barrier()

    _each_slab(s, lambda start, size: pltpu.sync_copy(
        acc_sp.at[pl.ds(start, size)], accp.at[c, pl.ds(start, size)]))


@functools.partial(
    pl.kernel,
    out_type=jax.ShapeDtypeStruct((NC, N, H), jnp.float32),
    mesh=_mesh,
    scratch_types=[
        pltpu.VMEM((NCH_W, CH), jnp.int32),
        pltpu.VMEM((CH, H), jnp.float32),
        pltpu.VMEM_SHARED((N, H), jnp.float32),
        pltpu.SemaphoreType.DMA,
        pltpu.SemaphoreType.DMA,
    ],
)
def _deg_kernel(dst3d, zeros_d, ones_hbm, degp, idx_d_all, ones_v, deg_sp,
                scsem0, scsem1):
    c = lax.axis_index("c")
    s = lax.axis_index("s")
    wid = s * NC + c

    _each_slab(s, lambda start, size: pltpu.sync_copy(
        zeros_d.at[pl.ds(start, size)], deg_sp.at[pl.ds(start, size)]))
    pltpu.sync_copy(ones_hbm, ones_v)
    pltpu.sync_copy(dst3d.at[wid], idx_d_all)
    plsc.subcore_barrier()

    def _scstart(g, sem):
        pltpu.async_copy(ones_v, deg_sp.at[idx_d_all.at[g]], sem, add=True)

    def _scwait(sem):
        pltpu.make_async_copy(ones_v, deg_sp.at[idx_d_all.at[0]], sem).wait()

    _scstart(0, scsem0)
    _scstart(1, scsem1)

    def pair(p, carry):
        g = 2 * p
        _scwait(scsem0)
        _scstart(g, scsem0)
        _scwait(scsem1)
        _scstart(g + 1, scsem1)
        return carry

    lax.fori_loop(1, (NCH_W - 1) // 2, pair, 0)
    _scwait(scsem0)
    _scstart(NCH_W - 1, scsem0)
    _scwait(scsem1)
    _scwait(scsem0)
    plsc.subcore_barrier()

    _each_slab(s, lambda start, size: pltpu.sync_copy(
        deg_sp.at[pl.ds(start, size)], degp.at[c, pl.ds(start, size)]))


def _layer_pre(accp_ref, degp_ref, h_ref, wlT_ref, bl_ref, wrT_ref,
               gamma_ref, beta_ref):
    acc = accp_ref[0] + accp_ref[1]
    deg = degp_ref[0, :, 0:1] + degp_ref[1, :, 0:1]
    mean = acc / jnp.maximum(deg, 1.0)
    pre = (jnp.dot(mean, wlT_ref[...], preferred_element_type=jnp.float32)
           + bl_ref[...]
           + jnp.dot(h_ref[...], wrT_ref[...],
                     preferred_element_type=jnp.float32))
    m = jnp.mean(pre, axis=0, keepdims=True)
    v = jnp.mean((pre - m) ** 2, axis=0, keepdims=True)
    hn = (pre - m) * lax.rsqrt(v + 1e-5) * gamma_ref[...] + beta_ref[...]
    return jnp.maximum(hn, 0.0)


def _dense_body(accp_ref, degp_ref, h_ref, wlT_ref, bl_ref, wrT_ref,
                gamma_ref, beta_ref, out_ref):
    out_ref[...] = _layer_pre(accp_ref, degp_ref, h_ref, wlT_ref, bl_ref,
                              wrT_ref, gamma_ref, beta_ref)


def _final_body(accp_ref, degp_ref, h_ref, wlT_ref, bl_ref, wrT_ref,
                gamma_ref, beta_ref, batch_ref, w1T_ref, b1_ref, w2T_ref,
                b2_ref, out_ref):
    h3 = _layer_pre(accp_ref, degp_ref, h_ref, wlT_ref, bl_ref, wrT_ref,
                    gamma_ref, beta_ref)
    onehot = (lax.broadcasted_iota(jnp.int32, (G, N), 0)
              == batch_ref[...]).astype(jnp.float32)
    psum = jnp.dot(onehot, h3, preferred_element_type=jnp.float32)
    cnt = jnp.sum(onehot, axis=1, keepdims=True)
    pooled = psum / jnp.maximum(cnt, 1.0)
    hid = jnp.maximum(
        jnp.dot(pooled, w1T_ref[...], preferred_element_type=jnp.float32)
        + b1_ref[...], 0.0)
    out_ref[...] = (jnp.dot(hid, w2T_ref[...],
                            preferred_element_type=jnp.float32)
                    + b2_ref[...])


_dense_call = pl.pallas_call(
    _dense_body, out_shape=jax.ShapeDtypeStruct((N, H), jnp.float32))

_final_call = pl.pallas_call(
    _final_body, out_shape=jax.ShapeDtypeStruct((G, 1), jnp.float32))


def kernel(x, edge_index, batch, Wl0, bl0, Wr0, gamma0, beta0,
           Wl1, bl1, Wr1, gamma1, beta1, Wl2, bl2, Wr2, gamma2, beta2,
           W1, b1, W2, b2):
    src = edge_index[0]
    dst = edge_index[1]
    src3d = src.reshape(NW, NCH_W, CH)
    dst3d = dst.reshape(NW, NCH_W, CH)
    zeros_h = jnp.zeros((N, H), jnp.float32)
    ones_hbm = jnp.ones((CH, H), jnp.float32)
    batch2d = batch.reshape(1, N)

    degp = _deg_kernel(dst3d, zeros_h, ones_hbm)
    accp0 = _agg_kernel(x, src3d, dst3d, zeros_h)
    h1 = _dense_call(accp0, degp, x, Wl0.T, bl0.reshape(1, H), Wr0.T,
                     gamma0.reshape(1, H), beta0.reshape(1, H))
    accp1 = _agg_kernel(h1, src3d, dst3d, zeros_h)
    h2 = _dense_call(accp1, degp, h1, Wl1.T, bl1.reshape(1, H), Wr1.T,
                     gamma1.reshape(1, H), beta1.reshape(1, H))
    accp2 = _agg_kernel(h2, src3d, dst3d, zeros_h)
    out = _final_call(accp2, degp, h2, Wl2.T, bl2.reshape(1, H), Wr2.T,
                      gamma2.reshape(1, H), beta2.reshape(1, H),
                      batch2d, W1.T, b1.reshape(1, DH), W2.T,
                      b2.reshape(1, 1))
    return out

# --- scband reference (transcript-rebuilt; emitter-appended) ---
"""Pipeline reference for scband-mol-graph-sage-72645076844772 (READ-ONLY COPY).

The authoritative reference and input builder live on the scoring server;
editing this copy changes nothing except your own understanding.
"""

import jax, jax.numpy as jnp
import numpy as np

N = 10000
E = 320000
G = 256
D_IN = 128
H = 128
DH = 64
OUT = 1
NUM_LAYERS = 3


def _sage_conv(x, src, dst, Wl, bl, Wr, num_nodes):
    msgs = x[src]
    agg = jax.ops.segment_sum(msgs, dst, num_segments=num_nodes)
    deg = jax.ops.segment_sum(jnp.ones((src.shape[0],), jnp.float32), dst, num_segments=num_nodes)
    mean = agg / jnp.clip(deg, 1.0)[:, None]
    return mean @ Wl.T + bl + x @ Wr.T


def _bn(h, gamma, beta):
    m = h.mean(axis=0)
    v = h.var(axis=0)
    return (h - m) / jnp.sqrt(v + 1e-5) * gamma + beta


def setup_inputs(seed: int = 0):
    key = jax.random.key(seed)
    ks = jax.random.split(key, 32)
    inp = {}
    inp["x"] = jax.random.normal(ks[0], (N, D_IN), jnp.float32)
    inp["edge_index"] = jax.random.randint(ks[1], (2, E), 0, N, jnp.int32)
    inp["batch"] = jnp.sort(jax.random.randint(ks[2], (N,), 0, G, jnp.int32))
    dims = [D_IN, H, H, H]
    for i in range(NUM_LAYERS):
        fi = dims[i]
        inp[f"Wl{i}"] = jax.random.normal(ks[3 + 4 * i], (H, fi), jnp.float32) * (1.0 / np.sqrt(fi))
        inp[f"bl{i}"] = jnp.zeros((H,), jnp.float32)
        inp[f"Wr{i}"] = jax.random.normal(ks[4 + 4 * i], (H, fi), jnp.float32) * (1.0 / np.sqrt(fi))
        inp[f"gamma{i}"] = jnp.ones((H,), jnp.float32)
        inp[f"beta{i}"] = jnp.zeros((H,), jnp.float32)
    inp["W1"] = jax.random.normal(ks[20], (DH, H), jnp.float32) * (1.0 / np.sqrt(H))
    inp["b1"] = jnp.zeros((DH,), jnp.float32)
    inp["W2"] = jax.random.normal(ks[21], (OUT, DH), jnp.float32) * (1.0 / np.sqrt(DH))
    inp["b2"] = jnp.zeros((OUT,), jnp.float32)
    return inp


def reference(x, edge_index, batch, Wl0, bl0, Wr0, gamma0, beta0, Wl1, bl1, Wr1, gamma1, beta1, Wl2, bl2, Wr2, gamma2, beta2, W1, b1, W2, b2):
    src = edge_index[0]
    dst = edge_index[1]
    h = x
    params = [(Wl0, bl0, Wr0, gamma0, beta0), (Wl1, bl1, Wr1, gamma1, beta1), (Wl2, bl2, Wr2, gamma2, beta2)]
    for (Wl, bl, Wr, gamma, beta) in params:
        h = _sage_conv(h, src, dst, Wl, bl, Wr, N)
        h = _bn(h, gamma, beta)
        h = jax.nn.relu(h)
    pooled = jax.ops.segment_sum(h, batch, num_segments=G)
    cnt = jax.ops.segment_sum(jnp.ones((N,), jnp.float32), batch, num_segments=G)
    pooled = pooled / jnp.clip(cnt, 1.0)[:, None]
    hid = jax.nn.relu(pooled @ W1.T + b1)
    return hid @ W2.T + b2

if __name__ == "__main__":
    import jax
    _d = setup_inputs()
    print(jax.jit(kernel)(*tuple(_d.values())))

</pallas_src>

<mosaic_0001>
#map = affine_map<(d0, d1) -> (0, 0)>
#map1 = affine_map<(d0, d1) -> (0, 0, 0)>
module attributes {stable_mosaic.version = 14 : i64} {
  func.func @_agg_kernel(%arg0: i32, %arg1: i32, %arg2: memref<10000x128xf32, #tpu.memory_space<hbm>>, %arg3: memref<32x125x80xi32, #tpu.memory_space<hbm>>, %arg4: memref<32x125x80xi32, #tpu.memory_space<hbm>>, %arg5: memref<10000x128xf32, #tpu.memory_space<hbm>>, %arg6: memref<2x10000x128xf32, #tpu.memory_space<hbm>>, %arg7: memref<1x80xi32, #tpu.memory_space<vmem>>, %arg8: memref<1x80xi32, #tpu.memory_space<vmem>>, %arg9: memref<125x80xi32, #tpu.memory_space<vmem>>, %arg10: memref<80x128xf32, #tpu.memory_space<vmem>>, %arg11: memref<80x128xf32, #tpu.memory_space<vmem>>, %arg12: memref<10000x128xf32, #tpu.memory_space<vmem_shared>>, %arg13: memref<!tpu.dma_semaphore, #tpu.memory_space<semaphore_mem>>, %arg14: memref<!tpu.dma_semaphore, #tpu.memory_space<semaphore_mem>>, %arg15: memref<!tpu.dma_semaphore, #tpu.memory_space<semaphore_mem>>, %arg16: memref<!tpu.dma_semaphore, #tpu.memory_space<semaphore_mem>>) attributes {dimension_semantics = [#tpu.dimension_semantics<core_parallel>, #tpu.dimension_semantics<subcore_parallel>], iteration_bounds = array<i64: 2, 16>, scalar_prefetch = 0 : i64, scratch_operands = 10 : i64, tpu.core_type = #tpu.core_type<sc_vector_subcore>, window_params = [{transform_indices = #map}, {transform_indices = #map1}, {transform_indices = #map1}, {transform_indices = #map}, {transform_indices = #map1}]} {
    %mul3A = arith.constant 2 : i32
    %mul3A_0 = arith.muli %arg1, %mul3A : i32
    %add3A = arith.addi %mul3A_0, %arg0 : i32
    %mul3A_1 = arith.constant 624 : i32
    %mul3A_2 = arith.muli %arg1, %mul3A_1 : i32
    "tpu.region"() ({
      %run_scoped3A_89 = tpu.sem_alloc : memref<!tpu.dma_semaphore, #tpu.memory_space<semaphore_mem>>
      %dma_start3A_90 = arith.constant 0 : i32
      %dma_start3A_91 = tpu.memref_slice %arg12[%mul3A_2, %dma_start3A_90] : memref<10000x128xf32, #tpu.memory_space<vmem_shared>> -> memref<624x128xf32, #tpu.memory_space<vmem_shared>>
      %dma_start3A_92 = arith.constant 0 : i32
      %dma_start3A_93 = tpu.memref_slice %arg5[%mul3A_2, %dma_start3A_92] : memref<10000x128xf32, #tpu.memory_space<hbm>> -> memref<624x128xf32, #tpu.memory_space<hbm>>
      tpu.enqueue_dma source(%dma_start3A_93 : memref<624x128xf32, #tpu.memory_space<hbm>>) target(%dma_start3A_91 : memref<624x128xf32, #tpu.memory_space<vmem_shared>>) target_semaphore(%run_scoped3A_89 : memref<!tpu.dma_semaphore, #tpu.memory_space<semaphore_mem>>)
      %dma_wait3A_94 = arith.constant 0 : i32
      %dma_wait3A_95 = tpu.memref_slice %arg12[%mul3A_2, %dma_wait3A_94] : memref<10000x128xf32, #tpu.memory_space<vmem_shared>> -> memref<624x128xf32, #tpu.memory_space<vmem_shared>>
      %dma_wait3A_96 = arith.constant 0 : i32
      %dma_wait3A_97 = tpu.memref_slice %arg5[%mul3A_2, %dma_wait3A_96] : memref<10000x128xf32, #tpu.memory_space<hbm>> -> memref<624x128xf32, #tpu.memory_space<hbm>>
      tpu.wait_dma2 semaphore(%run_scoped3A_89 : memref<!tpu.dma_semaphore, #tpu.memory_space<semaphore_mem>>) src(%dma_wait3A_97 : memref<624x128xf32, #tpu.memory_space<hbm>>) dst(%dma_wait3A_95 : memref<624x128xf32, #tpu.memory_space<vmem_shared>>)
      tpu.yield
    }) : () -> ()
    %eq3A = arith.constant 15 : i32
    %eq3A_3 = arith.cmpi eq, %arg1, %eq3A : i32
    %convert_element_type3A = arith.extui %eq3A_3 : i1 to i32
    %cond3A = arith.constant 0 : i32
    %cond3A_4 = arith.cmpi ne, %convert_element_type3A, %cond3A : i32
    scf.if %cond3A_4 {
      "tpu.region"() ({
        %run_scoped3A_89 = tpu.sem_alloc : memref<!tpu.dma_semaphore, #tpu.memory_space<semaphore_mem>>
        %dma_start3A_90 = arith.constant 9984 : i32
        %dma_start3A_91 = arith.constant 0 : i32
        %dma_start3A_92 = tpu.memref_slice %arg12[%dma_start3A_90, %dma_start3A_91] : memref<10000x128xf32, #tpu.memory_space<vmem_shared>> -> memref<16x128xf32, #tpu.memory_space<vmem_shared>>
        %dma_start3A_93 = arith.constant 9984 : i32
        %dma_start3A_94 = arith.constant 0 : i32
        %dma_start3A_95 = tpu.memref_slice %arg5[%dma_start3A_93, %dma_start3A_94] : memref<10000x128xf32, #tpu.memory_space<hbm>> -> memref<16x128xf32, #tpu.memory_space<hbm>>
        tpu.enqueue_dma source(%dma_start3A_95 : memref<16x128xf32, #tpu.memory_space<hbm>>) target(%dma_start3A_92 : memref<16x128xf32, #tpu.memory_space<vmem_shared>>) target_semaphore(%run_scoped3A_89 : memref<!tpu.dma_semaphore, #tpu.memory_space<semaphore_mem>>)
        %dma_wait3A_96 = arith.constant 9984 : i32
        %dma_wait3A_97 = arith.constant 0 : i32
        %dma_wait3A_98 = tpu.memref_slice %arg12[%dma_wait3A_96, %dma_wait3A_97] : memref<10000x128xf32, #tpu.memory_space<vmem_shared>> -> memref<16x128xf32, #tpu.memory_space<vmem_shared>>
        %dma_wait3A_99 = arith.constant 9984 : i32
        %dma_wait3A_100 = arith.constant 0 : i32
        %dma_wait3A_101 = tpu.memref_slice %arg5[%dma_wait3A_99, %dma_wait3A_100] : memref<10000x128xf32, #tpu.memory_space<hbm>> -> memref<16x128xf32, #tpu.memory_space<hbm>>
        tpu.wait_dma2 semaphore(%run_scoped3A_89 : memref<!tpu.dma_semaphore, #tpu.memory_space<semaphore_mem>>) src(%dma_wait3A_101 : memref<16x128xf32, #tpu.memory_space<hbm>>) dst(%dma_wait3A_98 : memref<16x128xf32, #tpu.memory_space<vmem_shared>>)
        tpu.yield
      }) : () -> ()
    } else {
    }
    "tpu.region"() ({
      %run_scoped3A_89 = tpu.sem_alloc : memref<!tpu.dma_semaphore, #tpu.memory_space<semaphore_mem>>
      %dma_start3A_90 = arith.constant 0 : i32
      %dma_start3A_91 = arith.constant 0 : i32
      %dma_start3A_92 = tpu.memref_slice %arg4[%add3A, %dma_start3A_90, %dma_start3A_91] : memref<32x125x80xi32, #tpu.memory_space<hbm>> -> memref<1x125x80xi32, #tpu.memory_space<hbm>>
      %dma_start3A_93 = tpu.memref_squeeze %dma_start3A_92 : memref<1x125x80xi32, #tpu.memory_space<hbm>> -> memref<125x80xi32, #tpu.memory_space<hbm>>
      %dma_start3A_94 = arith.constant 0 : i32
      %dma_start3A_95 = arith.constant 0 : i32
      %dma_start3A_96 = tpu.memref_slice %arg4[%add3A, %dma_start3A_94, %dma_start3A_95] : memref<32x125x80xi32, #tpu.memory_space<hbm>> -> memref<1x125x80xi32, #tpu.memory_space<hbm>>
      %dma_start3A_97 = tpu.memref_squeeze %dma_start3A_96 : memref<1x125x80xi32, #tpu.memory_space<hbm>> -> memref<125x80xi32, #tpu.memory_space<hbm>>
      tpu.enqueue_dma source(%dma_start3A_97 : memref<125x80xi32, #tpu.memory_space<hbm>>) target(%arg9 : memref<125x80xi32, #tpu.memory_space<vmem>>) target_semaphore(%run_scoped3A_89 : memref<!tpu.dma_semaphore, #tpu.memory_space<semaphore_mem>>)
      %dma_wait3A_98 = arith.constant 0 : i32
      %dma_wait3A_99 = arith.constant 0 : i32
      %dma_wait3A_100 = tpu.memref_slice %arg4[%add3A, %dma_wait3A_98, %dma_wait3A_99] : memref<32x125x80xi32, #tpu.memory_space<hbm>> -> memref<1x125x80xi32, #tpu.memory_space<hbm>>
      %dma_wait3A_101 = tpu.memref_squeeze %dma_wait3A_100 : memref<1x125x80xi32, #tpu.memory_space<hbm>> -> memref<125x80xi32, #tpu.memory_space<hbm>>
      %dma_wait3A_102 = arith.constant 0 : i32
      %dma_wait3A_103 = arith.constant 0 : i32
      %dma_wait3A_104 = tpu.memref_slice %arg4[%add3A, %dma_wait3A_102, %dma_wait3A_103] : memref<32x125x80xi32, #tpu.memory_space<hbm>> -> memref<1x125x80xi32, #tpu.memory_space<hbm>>
      %dma_wait3A_105 = tpu.memref_squeeze %dma_wait3A_104 : memref<1x125x80xi32, #tpu.memory_space<hbm>> -> memref<125x80xi32, #tpu.memory_space<hbm>>
      tpu.wait_dma2 semaphore(%run_scoped3A_89 : memref<!tpu.dma_semaphore, #tpu.memory_space<semaphore_mem>>) src(%dma_wait3A_105 : memref<125x80xi32, #tpu.memory_space<hbm>>) dst(%arg9 : memref<125x80xi32, #tpu.memory_space<vmem>>)
      tpu.yield
    }) : () -> ()
    %barrier3A = arith.constant 0 : index
    tpu.barrier barrier_id(%barrier3A)
    %min3A = arith.constant 0 : i32
    %min3A_5 = arith.constant 124 : i32
    %min3A_6 = arith.minsi %min3A, %min3A_5 : i32
    %dma_start3A = arith.constant 0 : i32
    %dma_start3A_7 = arith.constant 0 : i32
    %dma_start3A_8 = tpu.memref_slice %arg7[%dma_start3A, %dma_start3A_7] : memref<1x80xi32, #tpu.memory_space<vmem>> -> memref<1x80xi32, #tpu.memory_space<vmem>>
    %dma_start3A_9 = tpu.memref_squeeze %dma_start3A_8 : memref<1x80xi32, #tpu.memory_space<vmem>> -> memref<80xi32, #tpu.memory_space<vmem>>
    %dma_start3A_10 = arith.constant 0 : i32
    %dma_start3A_11 = tpu.memref_slice %arg3[%add3A, %min3A_6, %dma_start3A_10] : memref<32x125x80xi32, #tpu.memory_space<hbm>> -> memref<1x1x80xi32, #tpu.memory_space<hbm>>
    %dma_start3A_12 = tpu.memref_squeeze %dma_start3A_11 : memref<1x1x80xi32, #tpu.memory_space<hbm>> -> memref<80xi32, #tpu.memory_space<hbm>>
    %dma_start3A_13 = arith.constant 0 : i32
    %dma_start3A_14 = tpu.memref_slice %arg7[%dma_start3A, %dma_start3A_13] : memref<1x80xi32, #tpu.memory_space<vmem>> -> memref<1x80xi32, #tpu.memory_space<vmem>>
    %dma_start3A_15 = tpu.memref_squeeze %dma_start3A_14 : memref<1x80xi32, #tpu.memory_space<vmem>> -> memref<80xi32, #tpu.memory_space<vmem>>
    %dma_start3A_16 = arith.constant 0 : i32
    %dma_start3A_17 = tpu.memref_slice %arg3[%add3A, %min3A_6, %dma_start3A_16] : memref<32x125x80xi32, #tpu.memory_space<hbm>> -> memref<1x1x80xi32, #tpu.memory_space<hbm>>
    %dma_start3A_18 = tpu.memref_squeeze %dma_start3A_17 : memref<1x1x80xi32, #tpu.memory_space<hbm>> -> memref<80xi32, #tpu.memory_space<hbm>>
    tpu.enqueue_dma source(%dma_start3A_18 : memref<80xi32, #tpu.memory_space<hbm>>) target(%dma_start3A_15 : memref<80xi32, #tpu.memory_space<vmem>>) target_semaphore(%arg15 : memref<!tpu.dma_semaphore, #tpu.memory_space<semaphore_mem>>)
    %min3A_19 = arith.constant 1 : i32
    %min3A_20 = arith.constant 124 : i32
    %min3A_21 = arith.minsi %min3A_19, %min3A_20 : i32
    %dma_start3A_22 = arith.constant 0 : i32
    %dma_start3A_23 = arith.constant 0 : i32
    %dma_start3A_24 = tpu.memref_slice %arg8[%dma_start3A_22, %dma_start3A_23] : memref<1x80xi32, #tpu.memory_space<vmem>> -> memref<1x80xi32, #tpu.memory_space<vmem>>
    %dma_start3A_25 = tpu.memref_squeeze %dma_start3A_24 : memref<1x80xi32, #tpu.memory_space<vmem>> -> memref<80xi32, #tpu.memory_space<vmem>>
    %dma_start3A_26 = arith.constant 0 : i32
    %dma_start3A_27 = tpu.memref_slice %arg3[%add3A, %min3A_21, %dma_start3A_26] : memref<32x125x80xi32, #tpu.memory_space<hbm>> -> memref<1x1x80xi32, #tpu.memory_space<hbm>>
    %dma_start3A_28 = tpu.memref_squeeze %dma_start3A_27 : memref<1x1x80xi32, #tpu.memory_space<hbm>> -> memref<80xi32, #tpu.memory_space<hbm>>
    %dma_start3A_29 = arith.constant 0 : i32
    %dma_start3A_30 = tpu.memref_slice %arg8[%dma_start3A_22, %dma_start3A_29] : memref<1x80xi32, #tpu.memory_space<vmem>> -> memref<1x80xi32, #tpu.memory_space<vmem>>
    %dma_start3A_31 = tpu.memref_squeeze %dma_start3A_30 : memref<1x80xi32, #tpu.memory_space<vmem>> -> memref<80xi32, #tpu.memory_space<vmem>>
    %dma_start3A_32 = arith.constant 0 : i32
    %dma_start3A_33 = tpu.memref_slice %arg3[%add3A, %min3A_21, %dma_start3A_32] : memref<32x125x80xi32, #tpu.memory_space<hbm>> -> memref<1x1x80xi32, #tpu.memory_space<hbm>>
    %dma_start3A_34 = tpu.memref_squeeze %dma_start3A_33 : memref<1x1x80xi32, #tpu.memory_space<hbm>> -> memref<80xi32, #tpu.memory_space<hbm>>
    tpu.enqueue_dma source(%dma_start3A_34 : memref<80xi32, #tpu.memory_space<hbm>>) target(%dma_start3A_31 : memref<80xi32, #tpu.memory_space<vmem>>) target_semaphore(%arg16 : memref<!tpu.dma_semaphore, #tpu.memory_space<semaphore_mem>>)
    %dma_wait3A = arith.constant 0 : i32
    %dma_wait3A_35 = arith.constant 0 : i32
    %dma_wait3A_36 = arith.constant 0 : i32
    %dma_wait3A_37 = tpu.memref_slice %arg7[%dma_wait3A_35, %dma_wait3A_36] : memref<1x80xi32, #tpu.memory_space<vmem>> -> memref<1x80xi32, #tpu.memory_space<vmem>>
    %dma_wait3A_38 = tpu.memref_squeeze %dma_wait3A_37 : memref<1x80xi32, #tpu.memory_space<vmem>> -> memref<80xi32, #tpu.memory_space<vmem>>
    %dma_wait3A_39 = arith.constant 0 : i32
    %dma_wait3A_40 = tpu.memref_slice %arg3[%add3A, %dma_wait3A, %dma_wait3A_39] : memref<32x125x80xi32, #tpu.memory_space<hbm>> -> memref<1x1x80xi32, #tpu.memory_space<hbm>>
    %dma_wait3A_41 = tpu.memref_squeeze %dma_wait3A_40 : memref<1x1x80xi32, #tpu.memory_space<hbm>> -> memref<80xi32, #tpu.memory_space<hbm>>
    %dma_wait3A_42 = arith.constant 0 : i32
    %dma_wait3A_43 = tpu.memref_slice %arg7[%dma_wait3A_35, %dma_wait3A_42] : memref<1x80xi32, #tpu.memory_space<vmem>> -> memref<1x80xi32, #tpu.memory_space<vmem>>
    %dma_wait3A_44 = tpu.memref_squeeze %dma_wait3A_43 : memref<1x80xi32, #tpu.memory_space<vmem>> -> memref<80xi32, #tpu.memory_space<vmem>>
    %dma_wait3A_45 = arith.constant 0 : i32
    %dma_wait3A_46 = tpu.memref_slice %arg3[%add3A, %dma_wait3A, %dma_wait3A_45] : memref<32x125x80xi32, #tpu.memory_space<hbm>> -> memref<1x1x80xi32, #tpu.memory_space<hbm>>
    %dma_wait3A_47 = tpu.memref_squeeze %dma_wait3A_46 : memref<1x1x80xi32, #tpu.memory_space<hbm>> -> memref<80xi32, #tpu.memory_space<hbm>>
    tpu.wait_dma2 semaphore(%arg15 : memref<!tpu.dma_semaphore, #tpu.memory_space<semaphore_mem>>) src(%dma_wait3A_47 : memref<80xi32, #tpu.memory_space<hbm>>) dst(%dma_wait3A_44 : memref<80xi32, #tpu.memory_space<vmem>>)
    %dma_start3A_48 = arith.constant 0 : i32
    %dma_start3A_49 = arith.constant 0 : i32
    %dma_start3A_50 = tpu.memref_slice %arg7[%dma_start3A_48, %dma_start3A_49] : memref<1x80xi32, #tpu.memory_space<vmem>> -> memref<1x80xi32, #tpu.memory_space<vmem>>
    %dma_start3A_51 = tpu.memref_squeeze %dma_start3A_50 : memref<1x80xi32, #tpu.memory_space<vmem>> -> memref<80xi32, #tpu.memory_space<vmem>>
    %dma_start3A_52 = arith.constant 0 : i32
    %dma_start3A_53 = arith.constant 0 : i32
    %dma_start3A_54 = tpu.memref_slice %arg2[%dma_start3A_52, %dma_start3A_53] : memref<10000x128xf32, #tpu.memory_space<hbm>> -> memref<10000x128xf32, #tpu.memory_space<hbm>>
    tpu.enqueue_indirect_dma source(%dma_start3A_54 : memref<10000x128xf32, #tpu.memory_space<hbm>>) target(%arg10 : memref<80x128xf32, #tpu.memory_space<vmem>>) offsets(%dma_start3A_51 : memref<80xi32, #tpu.memory_space<vmem>>) semaphore(%arg13 : memref<!tpu.dma_semaphore, #tpu.memory_space<semaphore_mem>>)
    %scan3A = arith.constant 0 : i32
    %scan3A_55 = arith.constant 0 : i32
    %scan3A_56 = arith.constant 62 : i32
    %scan3A_57 = arith.addi %scan3A_55, %scan3A_56 : i32
    %scan3A_58 = arith.constant 1 : i32
    scf.for %scan3A_89 = %scan3A_55 to %scan3A_57 step %scan3A_58  : i32 {
      %mul3A_90 = arith.constant 2 : i32
      %mul3A_91 = arith.muli %mul3A_90, %scan3A_89 : i32
      %dma_wait3A_92 = arith.constant 0 : i32
      %dma_wait3A_93 = arith.constant 0 : i32
      %dma_wait3A_94 = arith.constant 0 : i32
      %dma_wait3A_95 = tpu.memref_slice %arg8[%dma_wait3A_93, %dma_wait3A_94] : memref<1x80xi32, #tpu.memory_space<vmem>> -> memref<1x80xi32, #tpu.memory_space<vmem>>
      %dma_wait3A_96 = tpu.memref_squeeze %dma_wait3A_95 : memref<1x80xi32, #tpu.memory_space<vmem>> -> memref<80xi32, #tpu.memory_space<vmem>>
      %dma_wait3A_97 = arith.constant 0 : i32
      %dma_wait3A_98 = tpu.memref_slice %arg3[%add3A, %dma_wait3A_92, %dma_wait3A_97] : memref<32x125x80xi32, #tpu.memory_space<hbm>> -> memref<1x1x80xi32, #tpu.memory_space<hbm>>
      %dma_wait3A_99 = tpu.memref_squeeze %dma_wait3A_98 : memref<1x1x80xi32, #tpu.memory_space<hbm>> -> memref<80xi32, #tpu.memory_space<hbm>>
      %dma_wait3A_100 = arith.constant 0 : i32
      %dma_wait3A_101 = tpu.memref_slice %arg8[%dma_wait3A_93, %dma_wait3A_100] : memref<1x80xi32, #tpu.memory_space<vmem>> -> memref<1x80xi32, #tpu.memory_space<vmem>>
      %dma_wait3A_102 = tpu.memref_squeeze %dma_wait3A_101 : memref<1x80xi32, #tpu.memory_space<vmem>> -> memref<80xi32, #tpu.memory_space<vmem>>
      %dma_wait3A_103 = arith.constant 0 : i32
      %dma_wait3A_104 = tpu.memref_slice %arg3[%add3A, %dma_wait3A_92, %dma_wait3A_103] : memref<32x125x80xi32, #tpu.memory_space<hbm>> -> memref<1x1x80xi32, #tpu.memory_space<hbm>>
      %dma_wait3A_105 = tpu.memref_squeeze %dma_wait3A_104 : memref<1x1x80xi32, #tpu.memory_space<hbm>> -> memref<80xi32, #tpu.memory_space<hbm>>
      tpu.wait_dma2 semaphore(%arg16 : memref<!tpu.dma_semaphore, #tpu.memory_space<semaphore_mem>>) src(%dma_wait3A_105 : memref<80xi32, #tpu.memory_space<hbm>>) dst(%dma_wait3A_102 : memref<80xi32, #tpu.memory_space<vmem>>)
      %dma_wait3A_106 = arith.constant 0 : i32
      %dma_wait3A_107 = arith.constant 0 : i32
      %dma_wait3A_108 = tpu.memref_slice %arg7[%dma_wait3A_106, %dma_wait3A_107] : memref<1x80xi32, #tpu.memory_space<vmem>> -> memref<1x80xi32, #tpu.memory_space<vmem>>
      %dma_wait3A_109 = tpu.memref_squeeze %dma_wait3A_108 : memref<1x80xi32, #tpu.memory_space<vmem>> -> memref<80xi32, #tpu.memory_space<vmem>>
      %dma_wait3A_110 = arith.constant 0 : i32
      %dma_wait3A_111 = arith.constant 0 : i32
      %dma_wait3A_112 = tpu.memref_slice %arg2[%dma_wait3A_110, %dma_wait3A_111] : memref<10000x128xf32, #tpu.memory_space<hbm>> -> memref<10000x128xf32, #tpu.memory_space<hbm>>
      tpu.wait_indirect_dma semaphore(%arg13 : memref<!tpu.dma_semaphore, #tpu.memory_space<semaphore_mem>>) src(%dma_wait3A_112 : memref<10000x128xf32, #tpu.memory_space<hbm>>) dst(%arg10 : memref<80x128xf32, #tpu.memory_space<vmem>>)
      %add3A_113 = arith.constant 2 : i32
      %add3A_114 = arith.addi %mul3A_91, %add3A_113 : i32
      %min3A_115 = arith.constant 124 : i32
      %min3A_116 = arith.minsi %add3A_114, %min3A_115 : i32
      %dma_start3A_117 = arith.constant 0 : i32
      %dma_start3A_118 = arith.constant 0 : i32
      %dma_start3A_119 = tpu.memref_slice %arg7[%dma_start3A_117, %dma_start3A_118] : memref<1x80xi32, #tpu.memory_space<vmem>> -> memref<1x80xi32, #tpu.memory_space<vmem>>
      %dma_start3A_120 = tpu.memref_squeeze %dma_start3A_119 : memref<1x80xi32, #tpu.memory_space<vmem>> -> memref<80xi32, #tpu.memory_space<vmem>>
      %dma_start3A_121 = arith.constant 0 : i32
      %dma_start3A_122 = tpu.memref_slice %arg3[%add3A, %min3A_116, %dma_start3A_121] : memref<32x125x80xi32, #tpu.memory_space<hbm>> -> memref<1x1x80xi32, #tpu.memory_space<hbm>>
      %dma_start3A_123 = tpu.memref_squeeze %dma_start3A_122 : memref<1x1x80xi32, #tpu.memory_space<hbm>> -> memref<80xi32, #tpu.memory_space<hbm>>
      %dma_start3A_124 = arith.constant 0 : i32
      %dma_start3A_125 = tpu.memref_slice %arg7[%dma_start3A_117, %dma_start3A_124] : memref<1x80xi32, #tpu.memory_space<vmem>> -> memref<1x80xi32, #tpu.memory_space<vmem>>
      %dma_start3A_126 = tpu.memref_squeeze %dma_start3A_125 : memref<1x80xi32, #tpu.memory_space<vmem>> -> memref<80xi32, #tpu.memory_space<vmem>>
      %dma_start3A_127 = arith.constant 0 : i32
      %dma_start3A_128 = tpu.memref_slice %arg3[%add3A, %min3A_116, %dma_start3A_127] : memref<32x125x80xi32, #tpu.memory_space<hbm>> -> memref<1x1x80xi32, #tpu.memory_space<hbm>>
      %dma_start3A_129 = tpu.memref_squeeze %dma_start3A_128 : memref<1x1x80xi32, #tpu.memory_space<hbm>> -> memref<80xi32, #tpu.memory_space<hbm>>
      tpu.enqueue_dma source(%dma_start3A_129 : memref<80xi32, #tpu.memory_space<hbm>>) target(%dma_start3A_126 : memref<80xi32, #tpu.memory_space<vmem>>) target_semaphore(%arg15 : memref<!tpu.dma_semaphore, #tpu.memory_space<semaphore_mem>>)
      %dma_start3A_130 = arith.constant 0 : i32
      %dma_start3A_131 = arith.constant 0 : i32
      %dma_start3A_132 = tpu.memref_slice %arg8[%dma_start3A_130, %dma_start3A_131] : memref<1x80xi32, #tpu.memory_space<vmem>> -> memref<1x80xi32, #tpu.memory_space<vmem>>
      %dma_start3A_133 = tpu.memref_squeeze %dma_start3A_132 : memref<1x80xi32, #tpu.memory_space<vmem>> -> memref<80xi32, #tpu.memory_space<vmem>>
      %dma_start3A_134 = arith.constant 0 : i32
      %dma_start3A_135 = arith.constant 0 : i32
      %dma_start3A_136 = tpu.memref_slice %arg2[%dma_start3A_134, %dma_start3A_135] : memref<10000x128xf32, #tpu.memory_space<hbm>> -> memref<10000x128xf32, #tpu.memory_space<hbm>>
      tpu.enqueue_indirect_dma source(%dma_start3A_136 : memref<10000x128xf32, #tpu.memory_space<hbm>>) target(%arg11 : memref<80x128xf32, #tpu.memory_space<vmem>>) offsets(%dma_start3A_133 : memref<80xi32, #tpu.memory_space<vmem>>) semaphore(%arg14 : memref<!tpu.dma_semaphore, #tpu.memory_space<semaphore_mem>>)
      "tpu.region"() ({
        %run_scoped3A_184 = tpu.sem_alloc : memref<!tpu.dma_semaphore, #tpu.memory_space<semaphore_mem>>
        %dma_start3A_185 = arith.constant 0 : i32
        %dma_start3A_186 = tpu.memref_slice %arg9[%mul3A_91, %dma_start3A_185] : memref<125x80xi32, #tpu.memory_space<vmem>> -> memref<1x80xi32, #tpu.memory_space<vmem>>
        %dma_start3A_187 = tpu.memref_squeeze %dma_start3A_186 : memref<1x80xi32, #tpu.memory_space<vmem>> -> memref<80xi32, #tpu.memory_space<vmem>>
        %dma_start3A_188 = arith.constant 0 : i32
        %dma_start3A_189 = arith.constant 0 : i32
        %dma_start3A_190 = tpu.memref_slice %arg12[%dma_start3A_188, %dma_start3A_189] : memref<10000x128xf32, #tpu.memory_space<vmem_shared>> -> memref<10000x128xf32, #tpu.memory_space<vmem_shared>>
        tpu.enqueue_indirect_dma source(%arg10 : memref<80x128xf32, #tpu.memory_space<vmem>>) target(%dma_start3A_190 : memref<10000x128xf32, #tpu.memory_space<vmem_shared>>) offsets(%dma_start3A_187 : memref<80xi32, #tpu.memory_space<vmem>>) semaphore(%run_scoped3A_184 : memref<!tpu.dma_semaphore, #tpu.memory_space<semaphore_mem>>) {add = true}
        %dma_wait3A_191 = arith.constant 0 : i32
        %dma_wait3A_192 = tpu.memref_slice %arg9[%mul3A_91, %dma_wait3A_191] : memref<125x80xi32, #tpu.memory_space<vmem>> -> memref<1x80xi32, #tpu.memory_space<vmem>>
        %dma_wait3A_193 = tpu.memref_squeeze %dma_wait3A_192 : memref<1x80xi32, #tpu.memory_space<vmem>> -> memref<80xi32, #tpu.memory_space<vmem>>
        %dma_wait3A_194 = arith.constant 0 : i32
        %dma_wait3A_195 = arith.constant 0 : i32
        %dma_wait3A_196 = tpu.memref_slice %arg12[%dma_wait3A_194, %dma_wait3A_195] : memref<10000x128xf32, #tpu.memory_space<vmem_shared>> -> memref<10000x128xf32, #tpu.memory_space<vmem_shared>>
        tpu.wait_indirect_dma semaphore(%run_scoped3A_184 : memref<!tpu.dma_semaphore, #tpu.memory_space<semaphore_mem>>) src(%arg10 : memref<80x128xf32, #tpu.memory_space<vmem>>) dst(%dma_wait3A_196 : memref<10000x128xf32, #tpu.memory_space<vmem_shared>>)
        tpu.yield
      }) : () -> ()
      %add3A_137 = arith.constant 1 : i32
      %add3A_138 = arith.addi %mul3A_91, %add3A_137 : i32
      %dma_wait3A_139 = arith.constant 0 : i32
      %dma_wait3A_140 = arith.constant 0 : i32
      %dma_wait3A_141 = arith.constant 0 : i32
      %dma_wait3A_142 = tpu.memref_slice %arg7[%dma_wait3A_140, %dma_wait3A_141] : memref<1x80xi32, #tpu.memory_space<vmem>> -> memref<1x80xi32, #tpu.memory_space<vmem>>
      %dma_wait3A_143 = tpu.memref_squeeze %dma_wait3A_142 : memref<1x80xi32, #tpu.memory_space<vmem>> -> memref<80xi32, #tpu.memory_space<vmem>>
      %dma_wait3A_144 = arith.constant 0 : i32
      %dma_wait3A_145 = tpu.memref_slice %arg3[%add3A, %dma_wait3A_139, %dma_wait3A_144] : memref<32x125x80xi32, #tpu.memory_space<hbm>> -> memref<1x1x80xi32, #tpu.memory_space<hbm>>
      %dma_wait3A_146 = tpu.memref_squeeze %dma_wait3A_145 : memref<1x1x80xi32, #tpu.memory_space<hbm>> -> memref<80xi32, #tpu.memory_space<hbm>>
      %dma_wait3A_147 = arith.constant 0 : i32
      %dma_wait3A_148 = tpu.memref_slice %arg7[%dma_wait3A_140, %dma_wait3A_147] : memref<1x80xi32, #tpu.memory_space<vmem>> -> memref<1x80xi32, #tpu.memory_space<vmem>>
      %dma_wait3A_149 = tpu.memref_squeeze %dma_wait3A_148 : memref<1x80xi32, #tpu.memory_space<vmem>> -> memref<80xi32, #tpu.memory_space<vmem>>
      %dma_wait3A_150 = arith.constant 0 : i32
      %dma_wait3A_151 = tpu.memref_slice %arg3[%add3A, %dma_wait3A_139, %dma_wait3A_150] : memref<32x125x80xi32, #tpu.memory_space<hbm>> -> memref<1x1x80xi32, #tpu.memory_space<hbm>>
      %dma_wait3A_152 = tpu.memref_squeeze %dma_wait3A_151 : memref<1x1x80xi32, #tpu.memory_space<hbm>> -> memref<80xi32, #tpu.memory_space<hbm>>
      tpu.wait_dma2 semaphore(%arg15 : memref<!tpu.dma_semaphore, #tpu.memory_space<semaphore_mem>>) src(%dma_wait3A_152 : memref<80xi32, #tpu.memory_space<hbm>>) dst(%dma_wait3A_149 : memref<80xi32, #tpu.memory_space<vmem>>)
      %dma_wait3A_153 = arith.constant 0 : i32
      %dma_wait3A_154 = arith.constant 0 : i32
      %dma_wait3A_155 = tpu.memref_slice %arg8[%dma_wait3A_153, %dma_wait3A_154] : memref<1x80xi32, #tpu.memory_space<vmem>> -> memref<1x80xi32, #tpu.memory_space<vmem>>
      %dma_wait3A_156 = tpu.memref_squeeze %dma_wait3A_155 : memref<1x80xi32, #tpu.memory_space<vmem>> -> memref<80xi32, #tpu.memory_space<vmem>>
      %dma_wait3A_157 = arith.constant 0 : i32
      %dma_wait3A_158 = arith.constant 0 : i32
      %dma_wait3A_159 = tpu.memref_slice %arg2[%dma_wait3A_157, %dma_wait3A_158] : memref<10000x128xf32, #tpu.memory_space<hbm>> -> memref<10000x128xf32, #tpu.memory_space<hbm>>
      tpu.wait_indirect_dma semaphore(%arg14 : memref<!tpu.dma_semaphore, #tpu.memory_space<semaphore_mem>>) src(%dma_wait3A_159 : memref<10000x128xf32, #tpu.memory_space<hbm>>) dst(%arg11 : memref<80x128xf32, #tpu.memory_space<vmem>>)
      %add3A_160 = arith.constant 2 : i32
      %add3A_161 = arith.addi %add3A_138, %add3A_160 : i32
      %min3A_162 = arith.constant 124 : i32
      %min3A_163 = arith.minsi %add3A_161, %min3A_162 : i32
      %dma_start3A_164 = arith.constant 0 : i32
      %dma_start3A_165 = arith.constant 0 : i32
      %dma_start3A_166 = tpu.memref_slice %arg8[%dma_start3A_164, %dma_start3A_165] : memref<1x80xi32, #tpu.memory_space<vmem>> -> memref<1x80xi32, #tpu.memory_space<vmem>>
      %dma_start3A_167 = tpu.memref_squeeze %dma_start3A_166 : memref<1x80xi32, #tpu.memory_space<vmem>> -> memref<80xi32, #tpu.memory_space<vmem>>
      %dma_start3A_168 = arith.constant 0 : i32
      %dma_start3A_169 = tpu.memref_slice %arg3[%add3A, %min3A_163, %dma_start3A_168] : memref<32x125x80xi32, #tpu.memory_space<hbm>> -> memref<1x1x80xi32, #tpu.memory_space<hbm>>
      %dma_start3A_170 = tpu.memref_squeeze %dma_start3A_169 : memref<1x1x80xi32, #tpu.memory_space<hbm>> -> memref<80xi32, #tpu.memory_space<hbm>>
      %dma_start3A_171 = arith.constant 0 : i32
      %dma_start3A_172 = tpu.memref_slice %arg8[%dma_start3A_164, %dma_start3A_171] : memref<1x80xi32, #tpu.memory_space<vmem>> -> memref<1x80xi32, #tpu.memory_space<vmem>>
      %dma_start3A_173 = tpu.memref_squeeze %dma_start3A_172 : memref<1x80xi32, #tpu.memory_space<vmem>> -> memref<80xi32, #tpu.memory_space<vmem>>
      %dma_start3A_174 = arith.constant 0 : i32
      %dma_start3A_175 = tpu.memref_slice %arg3[%add3A, %min3A_163, %dma_start3A_174] : memref<32x125x80xi32, #tpu.memory_space<hbm>> -> memref<1x1x80xi32, #tpu.memory_space<hbm>>
      %dma_start3A_176 = tpu.memref_squeeze %dma_start3A_175 : memref<1x1x80xi32, #tpu.memory_space<hbm>> -> memref<80xi32, #tpu.memory_space<hbm>>
      tpu.enqueue_dma source(%dma_start3A_176 : memref<80xi32, #tpu.memory_space<hbm>>) target(%dma_start3A_173 : memref<80xi32, #tpu.memory_space<vmem>>) target_semaphore(%arg16 : memref<!tpu.dma_semaphore, #tpu.memory_space<semaphore_mem>>)
      %dma_start3A_177 = arith.constant 0 : i32
      %dma_start3A_178 = arith.constant 0 : i32
      %dma_start3A_179 = tpu.memref_slice %arg7[%dma_start3A_177, %dma_start3A_178] : memref<1x80xi32, #tpu.memory_space<vmem>> -> memref<1x80xi32, #tpu.memory_space<vmem>>
      %dma_start3A_180 = tpu.memref_squeeze %dma_start3A_179 : memref<1x80xi32, #tpu.memory_space<vmem>> -> memref<80xi32, #tpu.memory_space<vmem>>
      %dma_start3A_181 = arith.constant 0 : i32
      %dma_start3A_182 = arith.constant 0 : i32
      %dma_start3A_183 = tpu.memref_slice %arg2[%dma_start3A_181, %dma_start3A_182] : memref<10000x128xf32, #tpu.memory_space<hbm>> -> memref<10000x128xf32, #tpu.memory_space<hbm>>
      tpu.enqueue_indirect_dma source(%dma_start3A_183 : memref<10000x128xf32, #tpu.memory_space<hbm>>) target(%arg10 : memref<80x128xf32, #tpu.memory_space<vmem>>) offsets(%dma_start3A_180 : memref<80xi32, #tpu.memory_space<vmem>>) semaphore(%arg13 : memref<!tpu.dma_semaphore, #tpu.memory_space<semaphore_mem>>)
      "tpu.region"() ({
        %run_scoped3A_184 = tpu.sem_alloc : memref<!tpu.dma_semaphore, #tpu.memory_space<semaphore_mem>>
        %dma_start3A_185 = arith.constant 0 : i32
        %dma_start3A_186 = tpu.memref_slice %arg9[%add3A_138, %dma_start3A_185] : memref<125x80xi32, #tpu.memory_space<vmem>> -> memref<1x80xi32, #tpu.memory_space<vmem>>
        %dma_start3A_187 = tpu.memref_squeeze %dma_start3A_186 : memref<1x80xi32, #tpu.memory_space<vmem>> -> memref<80xi32, #tpu.memory_space<vmem>>
        %dma_start3A_188 = arith.constant 0 : i32
        %dma_start3A_189 = arith.constant 0 : i32
        %dma_start3A_190 = tpu.memref_slice %arg12[%dma_start3A_188, %dma_start3A_189] : memref<10000x128xf32, #tpu.memory_space<vmem_shared>> -> memref<10000x128xf32, #tpu.memory_space<vmem_shared>>
        tpu.enqueue_indirect_dma source(%arg11 : memref<80x128xf32, #tpu.memory_space<vmem>>) target(%dma_start3A_190 : memref<10000x128xf32, #tpu.memory_space<vmem_shared>>) offsets(%dma_start3A_187 : memref<80xi32, #tpu.memory_space<vmem>>) semaphore(%run_scoped3A_184 : memref<!tpu.dma_semaphore, #tpu.memory_space<semaphore_mem>>) {add = true}
        %dma_wait3A_191 = arith.constant 0 : i32
        %dma_wait3A_192 = tpu.memref_slice %arg9[%add3A_138, %dma_wait3A_191] : memref<125x80xi32, #tpu.memory_space<vmem>> -> memref<1x80xi32, #tpu.memory_space<vmem>>
        %dma_wait3A_193 = tpu.memref_squeeze %dma_wait3A_192 : memref<1x80xi32, #tpu.memory_space<vmem>> -> memref<80xi32, #tpu.memory_space<vmem>>
        %dma_wait3A_194 = arith.constant 0 : i32
        %dma_wait3A_195 = arith.constant 0 : i32
        %dma_wait3A_196 = tpu.memref_slice %arg12[%dma_wait3A_194, %dma_wait3A_195] : memref<10000x128xf32, #tpu.memory_space<vmem_shared>> -> memref<10000x128xf32, #tpu.memory_space<vmem_shared>>
        tpu.wait_indirect_dma semaphore(%run_scoped3A_184 : memref<!tpu.dma_semaphore, #tpu.memory_space<semaphore_mem>>) src(%arg11 : memref<80x128xf32, #tpu.memory_space<vmem>>) dst(%dma_wait3A_196 : memref<10000x128xf32, #tpu.memory_space<vmem_shared>>)
        tpu.yield
      }) : () -> ()
    }
    %scan3A_59 = arith.constant 62 : i32
    %dma_wait3A_60 = arith.constant 0 : i32
    %dma_wait3A_61 = arith.constant 0 : i32
    %dma_wait3A_62 = arith.constant 0 : i32
    %dma_wait3A_63 = tpu.memref_slice %arg8[%dma_wait3A_61, %dma_wait3A_62] : memref<1x80xi32, #tpu.memory_space<vmem>> -> memref<1x80xi32, #tpu.memory_space<vmem>>
    %dma_wait3A_64 = tpu.memref_squeeze %dma_wait3A_63 : memref<1x80xi32, #tpu.memory_space<vmem>> -> memref<80xi32, #tpu.memory_space<vmem>>
    %dma_wait3A_65 = arith.constant 0 : i32
    %dma_wait3A_66 = tpu.memref_slice %arg3[%add3A, %dma_wait3A_60, %dma_wait3A_65] : memref<32x125x80xi32, #tpu.memory_space<hbm>> -> memref<1x1x80xi32, #tpu.memory_space<hbm>>
    %dma_wait3A_67 = tpu.memref_squeeze %dma_wait3A_66 : memref<1x1x80xi32, #tpu.memory_space<hbm>> -> memref<80xi32, #tpu.memory_space<hbm>>
    %dma_wait3A_68 = arith.constant 0 : i32
    %dma_wait3A_69 = tpu.memref_slice %arg8[%dma_wait3A_61, %dma_wait3A_68] : memref<1x80xi32, #tpu.memory_space<vmem>> -> memref<1x80xi32, #tpu.memory_space<vmem>>
    %dma_wait3A_70 = tpu.memref_squeeze %dma_wait3A_69 : memref<1x80xi32, #tpu.memory_space<vmem>> -> memref<80xi32, #tpu.memory_space<vmem>>
    %dma_wait3A_71 = arith.constant 0 : i32
    %dma_wait3A_72 = tpu.memref_slice %arg3[%add3A, %dma_wait3A_60, %dma_wait3A_71] : memref<32x125x80xi32, #tpu.memory_space<hbm>> -> memref<1x1x80xi32, #tpu.memory_space<hbm>>
    %dma_wait3A_73 = tpu.memref_squeeze %dma_wait3A_72 : memref<1x1x80xi32, #tpu.memory_space<hbm>> -> memref<80xi32, #tpu.memory_space<hbm>>
    tpu.wait_dma2 semaphore(%arg16 : memref<!tpu.dma_semaphore, #tpu.memory_space<semaphore_mem>>) src(%dma_wait3A_73 : memref<80xi32, #tpu.memory_space<hbm>>) dst(%dma_wait3A_70 : memref<80xi32, #tpu.memory_space<vmem>>)
    %dma_wait3A_74 = arith.constant 0 : i32
    %dma_wait3A_75 = arith.constant 0 : i32
    %dma_wait3A_76 = tpu.memref_slice %arg7[%dma_wait3A_74, %dma_wait3A_75] : memref<1x80xi32, #tpu.memory_space<vmem>> -> memref<1x80xi32, #tpu.memory_space<vmem>>
    %dma_wait3A_77 = tpu.memref_squeeze %dma_wait3A_76 : memref<1x80xi32, #tpu.memory_space<vmem>> -> memref<80xi32, #tpu.memory_space<vmem>>
    %dma_wait3A_78 = arith.constant 0 : i32
    %dma_wait3A_79 = arith.constant 0 : i32
    %dma_wait3A_80 = tpu.memref_slice %arg2[%dma_wait3A_78, %dma_wait3A_79] : memref<10000x128xf32, #tpu.memory_space<hbm>> -> memref<10000x128xf32, #tpu.memory_space<hbm>>
    tpu.wait_indirect_dma semaphore(%arg13 : memref<!tpu.dma_semaphore, #tpu.memory_space<semaphore_mem>>) src(%dma_wait3A_80 : memref<10000x128xf32, #tpu.memory_space<hbm>>) dst(%arg10 : memref<80x128xf32, #tpu.memory_space<vmem>>)
    %run_scoped3A = arith.constant 124 : i32
    "tpu.region"() ({
      %run_scoped3A_89 = tpu.sem_alloc : memref<!tpu.dma_semaphore, #tpu.memory_space<semaphore_mem>>
      %dma_start3A_90 = arith.constant 0 : i32
      %dma_start3A_91 = tpu.memref_slice %arg9[%run_scoped3A, %dma_start3A_90] : memref<125x80xi32, #tpu.memory_space<vmem>> -> memref<1x80xi32, #tpu.memory_space<vmem>>
      %dma_start3A_92 = tpu.memref_squeeze %dma_start3A_91 : memref<1x80xi32, #tpu.memory_space<vmem>> -> memref<80xi32, #tpu.memory_space<vmem>>
      %dma_start3A_93 = arith.constant 0 : i32
      %dma_start3A_94 = arith.constant 0 : i32
      %dma_start3A_95 = tpu.memref_slice %arg12[%dma_start3A_93, %dma_start3A_94] : memref<10000x128xf32, #tpu.memory_space<vmem_shared>> -> memref<10000x128xf32, #tpu.memory_space<vmem_shared>>
      tpu.enqueue_indirect_dma source(%arg10 : memref<80x128xf32, #tpu.memory_space<vmem>>) target(%dma_start3A_95 : memref<10000x128xf32, #tpu.memory_space<vmem_shared>>) offsets(%dma_start3A_92 : memref<80xi32, #tpu.memory_space<vmem>>) semaphore(%run_scoped3A_89 : memref<!tpu.dma_semaphore, #tpu.memory_space<semaphore_mem>>) {add = true}
      %dma_wait3A_96 = arith.constant 0 : i32
      %dma_wait3A_97 = tpu.memref_slice %arg9[%run_scoped3A, %dma_wait3A_96] : memref<125x80xi32, #tpu.memory_space<vmem>> -> memref<1x80xi32, #tpu.memory_space<vmem>>
      %dma_wait3A_98 = tpu.memref_squeeze %dma_wait3A_97 : memref<1x80xi32, #tpu.memory_space<vmem>> -> memref<80xi32, #tpu.memory_space<vmem>>
      %dma_wait3A_99 = arith.constant 0 : i32
      %dma_wait3A_100 = arith.constant 0 : i32
      %dma_wait3A_101 = tpu.memref_slice %arg12[%dma_wait3A_99, %dma_wait3A_100] : memref<10000x128xf32, #tpu.memory_space<vmem_shared>> -> memref<10000x128xf32, #tpu.memory_space<vmem_shared>>
      tpu.wait_indirect_dma semaphore(%run_scoped3A_89 : memref<!tpu.dma_semaphore, #tpu.memory_space<semaphore_mem>>) src(%arg10 : memref<80x128xf32, #tpu.memory_space<vmem>>) dst(%dma_wait3A_101 : memref<10000x128xf32, #tpu.memory_space<vmem_shared>>)
      tpu.yield
    }) : () -> ()
    %barrier3A_81 = arith.constant 0 : index
    tpu.barrier barrier_id(%barrier3A_81)
    %mul3A_82 = arith.constant 624 : i32
    %mul3A_83 = arith.muli %arg1, %mul3A_82 : i32
    "tpu.region"() ({
      %run_scoped3A_89 = tpu.sem_alloc : memref<!tpu.dma_semaphore, #tpu.memory_space<semaphore_mem>>
      %dma_start3A_90 = arith.constant 0 : i32
      %dma_start3A_91 = tpu.memref_slice %arg6[%arg0, %mul3A_83, %dma_start3A_90] : memref<2x10000x128xf32, #tpu.memory_space<hbm>> -> memref<1x624x128xf32, #tpu.memory_space<hbm>>
      %dma_start3A_92 = tpu.memref_squeeze %dma_start3A_91 : memref<1x624x128xf32, #tpu.memory_space<hbm>> -> memref<624x128xf32, #tpu.memory_space<hbm>>
      %dma_start3A_93 = arith.constant 0 : i32
      %dma_start3A_94 = tpu.memref_slice %arg12[%mul3A_83, %dma_start3A_93] : memref<10000x128xf32, #tpu.memory_space<vmem_shared>> -> memref<624x128xf32, #tpu.memory_space<vmem_shared>>
      tpu.enqueue_dma source(%dma_start3A_94 : memref<624x128xf32, #tpu.memory_space<vmem_shared>>) target(%dma_start3A_92 : memref<624x128xf32, #tpu.memory_space<hbm>>) target_semaphore(%run_scoped3A_89 : memref<!tpu.dma_semaphore, #tpu.memory_space<semaphore_mem>>)
      %dma_wait3A_95 = arith.constant 0 : i32
      %dma_wait3A_96 = tpu.memref_slice %arg6[%arg0, %mul3A_83, %dma_wait3A_95] : memref<2x10000x128xf32, #tpu.memory_space<hbm>> -> memref<1x624x128xf32, #tpu.memory_space<hbm>>
      %dma_wait3A_97 = tpu.memref_squeeze %dma_wait3A_96 : memref<1x624x128xf32, #tpu.memory_space<hbm>> -> memref<624x128xf32, #tpu.memory_space<hbm>>
      %dma_wait3A_98 = arith.constant 0 : i32
      %dma_wait3A_99 = tpu.memref_slice %arg12[%mul3A_83, %dma_wait3A_98] : memref<10000x128xf32, #tpu.memory_space<vmem_shared>> -> memref<624x128xf32, #tpu.memory_space<vmem_shared>>
      tpu.wait_dma2 semaphore(%run_scoped3A_89 : memref<!tpu.dma_semaphore, #tpu.memory_space<semaphore_mem>>) src(%dma_wait3A_99 : memref<624x128xf32, #tpu.memory_space<vmem_shared>>) dst(%dma_wait3A_97 : memref<624x128xf32, #tpu.memory_space<hbm>>)
      tpu.yield
    }) : () -> ()
    %eq3A_84 = arith.constant 15 : i32
    %eq3A_85 = arith.cmpi eq, %arg1, %eq3A_84 : i32
    %convert_element_type3A_86 = arith.extui %eq3A_85 : i1 to i32
    %cond3A_87 = arith.constant 0 : i32
    %cond3A_88 = arith.cmpi ne, %convert_element_type3A_86, %cond3A_87 : i32
    scf.if %cond3A_88 {
      "tpu.region"() ({
        %run_scoped3A_89 = tpu.sem_alloc : memref<!tpu.dma_semaphore, #tpu.memory_space<semaphore_mem>>
        %dma_start3A_90 = arith.constant 9984 : i32
        %dma_start3A_91 = arith.constant 0 : i32
        %dma_start3A_92 = tpu.memref_slice %arg6[%arg0, %dma_start3A_90, %dma_start3A_91] : memref<2x10000x128xf32, #tpu.memory_space<hbm>> -> memref<1x16x128xf32, #tpu.memory_space<hbm>>
        %dma_start3A_93 = tpu.memref_squeeze %dma_start3A_92 : memref<1x16x128xf32, #tpu.memory_space<hbm>> -> memref<16x128xf32, #tpu.memory_space<hbm>>
        %dma_start3A_94 = arith.constant 9984 : i32
        %dma_start3A_95 = arith.constant 0 : i32
        %dma_start3A_96 = tpu.memref_slice %arg12[%dma_start3A_94, %dma_start3A_95] : memref<10000x128xf32, #tpu.memory_space<vmem_shared>> -> memref<16x128xf32, #tpu.memory_space<vmem_shared>>
        tpu.enqueue_dma source(%dma_start3A_96 : memref<16x128xf32, #tpu.memory_space<vmem_shared>>) target(%dma_start3A_93 : memref<16x128xf32, #tpu.memory_space<hbm>>) target_semaphore(%run_scoped3A_89 : memref<!tpu.dma_semaphore, #tpu.memory_space<semaphore_mem>>)
        %dma_wait3A_97 = arith.constant 9984 : i32
        %dma_wait3A_98 = arith.constant 0 : i32
        %dma_wait3A_99 = tpu.memref_slice %arg6[%arg0, %dma_wait3A_97, %dma_wait3A_98] : memref<2x10000x128xf32, #tpu.memory_space<hbm>> -> memref<1x16x128xf32, #tpu.memory_space<hbm>>
        %dma_wait3A_100 = tpu.memref_squeeze %dma_wait3A_99 : memref<1x16x128xf32, #tpu.memory_space<hbm>> -> memref<16x128xf32, #tpu.memory_space<hbm>>
        %dma_wait3A_101 = arith.constant 9984 : i32
        %dma_wait3A_102 = arith.constant 0 : i32
        %dma_wait3A_103 = tpu.memref_slice %arg12[%dma_wait3A_101, %dma_wait3A_102] : memref<10000x128xf32, #tpu.memory_space<vmem_shared>> -> memref<16x128xf32, #tpu.memory_space<vmem_shared>>
        tpu.wait_dma2 semaphore(%run_scoped3A_89 : memref<!tpu.dma_semaphore, #tpu.memory_space<semaphore_mem>>) src(%dma_wait3A_103 : memref<16x128xf32, #tpu.memory_space<vmem_shared>>) dst(%dma_wait3A_100 : memref<16x128xf32, #tpu.memory_space<hbm>>)
        tpu.yield
      }) : () -> ()
    } else {
    }
    return
  }
}

#map = affine_map<(d0, d1) -> (0, 0, 0)>
#map1 = affine_map<(d0, d1) -> (0, 0)>
module attributes {stable_mosaic.version = 14 : i64} {
  func.func @_deg_kernel(%arg0: i32, %arg1: i32, %arg2: memref<32x125x80xi32, #tpu.memory_space<hbm>>, %arg3: memref<10000x128xf32, #tpu.memory_space<hbm>>, %arg4: memref<80x128xf32, #tpu.memory_space<hbm>>, %arg5: memref<2x10000x128xf32, #tpu.memory_space<hbm>>, %arg6: memref<125x80xi32, #tpu.memory_space<vmem>>, %arg7: memref<80x128xf32, #tpu.memory_space<vmem>>, %arg8: memref<10000x128xf32, #tpu.memory_space<vmem_shared>>, %arg9: memref<!tpu.dma_semaphore, #tpu.memory_space<semaphore_mem>>, %arg10: memref<!tpu.dma_semaphore, #tpu.memory_space<semaphore_mem>>) attributes {dimension_semantics = [#tpu.dimension_semantics<core_parallel>, #tpu.dimension_semantics<subcore_parallel>], iteration_bounds = array<i64: 2, 16>, scalar_prefetch = 0 : i64, scratch_operands = 5 : i64, tpu.core_type = #tpu.core_type<sc_vector_subcore>, window_params = [{transform_indices = #map}, {transform_indices = #map1}, {transform_indices = #map1}, {transform_indices = #map}]} {
    %mul3A = arith.constant 2 : i32
    %mul3A_0 = arith.muli %arg1, %mul3A : i32
    %add3A = arith.addi %mul3A_0, %arg0 : i32
    %mul3A_1 = arith.constant 624 : i32
    %mul3A_2 = arith.muli %arg1, %mul3A_1 : i32
    "tpu.region"() ({
      %run_scoped3A = tpu.sem_alloc : memref<!tpu.dma_semaphore, #tpu.memory_space<semaphore_mem>>
      %dma_start3A_58 = arith.constant 0 : i32
      %dma_start3A_59 = tpu.memref_slice %arg8[%mul3A_2, %dma_start3A_58] : memref<10000x128xf32, #tpu.memory_space<vmem_shared>> -> memref<624x128xf32, #tpu.memory_space<vmem_shared>>
      %dma_start3A_60 = arith.constant 0 : i32
      %dma_start3A_61 = tpu.memref_slice %arg3[%mul3A_2, %dma_start3A_60] : memref<10000x128xf32, #tpu.memory_space<hbm>> -> memref<624x128xf32, #tpu.memory_space<hbm>>
      tpu.enqueue_dma source(%dma_start3A_61 : memref<624x128xf32, #tpu.memory_space<hbm>>) target(%dma_start3A_59 : memref<624x128xf32, #tpu.memory_space<vmem_shared>>) target_semaphore(%run_scoped3A : memref<!tpu.dma_semaphore, #tpu.memory_space<semaphore_mem>>)
      %dma_wait3A_62 = arith.constant 0 : i32
      %dma_wait3A_63 = tpu.memref_slice %arg8[%mul3A_2, %dma_wait3A_62] : memref<10000x128xf32, #tpu.memory_space<vmem_shared>> -> memref<624x128xf32, #tpu.memory_space<vmem_shared>>
      %dma_wait3A_64 = arith.constant 0 : i32
      %dma_wait3A_65 = tpu.memref_slice %arg3[%mul3A_2, %dma_wait3A_64] : memref<10000x128xf32, #tpu.memory_space<hbm>> -> memref<624x128xf32, #tpu.memory_space<hbm>>
      tpu.wait_dma2 semaphore(%run_scoped3A : memref<!tpu.dma_semaphore, #tpu.memory_space<semaphore_mem>>) src(%dma_wait3A_65 : memref<624x128xf32, #tpu.memory_space<hbm>>) dst(%dma_wait3A_63 : memref<624x128xf32, #tpu.memory_space<vmem_shared>>)
      tpu.yield
    }) : () -> ()
    %eq3A = arith.constant 15 : i32
    %eq3A_3 = arith.cmpi eq, %arg1, %eq3A : i32
    %convert_element_type3A = arith.extui %eq3A_3 : i1 to i32
    %cond3A = arith.constant 0 : i32
    %cond3A_4 = arith.cmpi ne, %convert_element_type3A, %cond3A : i32
    scf.if %cond3A_4 {
      "tpu.region"() ({
        %run_scoped3A = tpu.sem_alloc : memref<!tpu.dma_semaphore, #tpu.memory_space<semaphore_mem>>
        %dma_start3A_58 = arith.constant 9984 : i32
        %dma_start3A_59 = arith.constant 0 : i32
        %dma_start3A_60 = tpu.memref_slice %arg8[%dma_start3A_58, %dma_start3A_59] : memref<10000x128xf32, #tpu.memory_space<vmem_shared>> -> memref<16x128xf32, #tpu.memory_space<vmem_shared>>
        %dma_start3A_61 = arith.constant 9984 : i32
        %dma_start3A_62 = arith.constant 0 : i32
        %dma_start3A_63 = tpu.memref_slice %arg3[%dma_start3A_61, %dma_start3A_62] : memref<10000x128xf32, #tpu.memory_space<hbm>> -> memref<16x128xf32, #tpu.memory_space<hbm>>
        tpu.enqueue_dma source(%dma_start3A_63 : memref<16x128xf32, #tpu.memory_space<hbm>>) target(%dma_start3A_60 : memref<16x128xf32, #tpu.memory_space<vmem_shared>>) target_semaphore(%run_scoped3A : memref<!tpu.dma_semaphore, #tpu.memory_space<semaphore_mem>>)
        %dma_wait3A_64 = arith.constant 9984 : i32
        %dma_wait3A_65 = arith.constant 0 : i32
        %dma_wait3A_66 = tpu.memref_slice %arg8[%dma_wait3A_64, %dma_wait3A_65] : memref<10000x128xf32, #tpu.memory_space<vmem_shared>> -> memref<16x128xf32, #tpu.memory_space<vmem_shared>>
        %dma_wait3A_67 = arith.constant 9984 : i32
        %dma_wait3A_68 = arith.constant 0 : i32
        %dma_wait3A_69 = tpu.memref_slice %arg3[%dma_wait3A_67, %dma_wait3A_68] : memref<10000x128xf32, #tpu.memory_space<hbm>> -> memref<16x128xf32, #tpu.memory_space<hbm>>
        tpu.wait_dma2 semaphore(%run_scoped3A : memref<!tpu.dma_semaphore, #tpu.memory_space<semaphore_mem>>) src(%dma_wait3A_69 : memref<16x128xf32, #tpu.memory_space<hbm>>) dst(%dma_wait3A_66 : memref<16x128xf32, #tpu.memory_space<vmem_shared>>)
        tpu.yield
      }) : () -> ()
    } else {
    }
    "tpu.region"() ({
      %run_scoped3A = tpu.sem_alloc : memref<!tpu.dma_semaphore, #tpu.memory_space<semaphore_mem>>
      tpu.enqueue_dma source(%arg4 : memref<80x128xf32, #tpu.memory_space<hbm>>) target(%arg7 : memref<80x128xf32, #tpu.memory_space<vmem>>) target_semaphore(%run_scoped3A : memref<!tpu.dma_semaphore, #tpu.memory_space<semaphore_mem>>)
      tpu.wait_dma2 semaphore(%run_scoped3A : memref<!tpu.dma_semaphore, #tpu.memory_space<semaphore_mem>>) src(%arg4 : memref<80x128xf32, #tpu.memory_space<hbm>>) dst(%arg7 : memref<80x128xf32, #tpu.memory_space<vmem>>)
      tpu.yield
    }) : () -> ()
    "tpu.region"() ({
      %run_scoped3A = tpu.sem_alloc : memref<!tpu.dma_semaphore, #tpu.memory_space<semaphore_mem>>
      %dma_start3A_58 = arith.constant 0 : i32
      %dma_start3A_59 = arith.constant 0 : i32
      %dma_start3A_60 = tpu.memref_slice %arg2[%add3A, %dma_start3A_58, %dma_start3A_59] : memref<32x125x80xi32, #tpu.memory_space<hbm>> -> memref<1x125x80xi32, #tpu.memory_space<hbm>>
      %dma_start3A_61 = tpu.memref_squeeze %dma_start3A_60 : memref<1x125x80xi32, #tpu.memory_space<hbm>> -> memref<125x80xi32, #tpu.memory_space<hbm>>
      %dma_start3A_62 = arith.constant 0 : i32
      %dma_start3A_63 = arith.constant 0 : i32
      %dma_start3A_64 = tpu.memref_slice %arg2[%add3A, %dma_start3A_62, %dma_start3A_63] : memref<32x125x80xi32, #tpu.memory_space<hbm>> -> memref<1x125x80xi32, #tpu.memory_space<hbm>>
      %dma_start3A_65 = tpu.memref_squeeze %dma_start3A_64 : memref<1x125x80xi32, #tpu.memory_space<hbm>> -> memref<125x80xi32, #tpu.memory_space<hbm>>
      tpu.enqueue_dma source(%dma_start3A_65 : memref<125x80xi32, #tpu.memory_space<hbm>>) target(%arg6 : memref<125x80xi32, #tpu.memory_space<vmem>>) target_semaphore(%run_scoped3A : memref<!tpu.dma_semaphore, #tpu.memory_space<semaphore_mem>>)
      %dma_wait3A_66 = arith.constant 0 : i32
      %dma_wait3A_67 = arith.constant 0 : i32
      %dma_wait3A_68 = tpu.memref_slice %arg2[%add3A, %dma_wait3A_66, %dma_wait3A_67] : memref<32x125x80xi32, #tpu.memory_space<hbm>> -> memref<1x125x80xi32, #tpu.memory_space<hbm>>
      %dma_wait3A_69 = tpu.memref_squeeze %dma_wait3A_68 : memref<1x125x80xi32, #tpu.memory_space<hbm>> -> memref<125x80xi32, #tpu.memory_space<hbm>>
      %dma_wait3A_70 = arith.constant 0 : i32
      %dma_wait3A_71 = arith.constant 0 : i32
      %dma_wait3A_72 = tpu.memref_slice %arg2[%add3A, %dma_wait3A_70, %dma_wait3A_71] : memref<32x125x80xi32, #tpu.memory_space<hbm>> -> memref<1x125x80xi32, #tpu.memory_space<hbm>>
      %dma_wait3A_73 = tpu.memref_squeeze %dma_wait3A_72 : memref<1x125x80xi32, #tpu.memory_space<hbm>> -> memref<125x80xi32, #tpu.memory_space<hbm>>
      tpu.wait_dma2 semaphore(%run_scoped3A : memref<!tpu.dma_semaphore, #tpu.memory_space<semaphore_mem>>) src(%dma_wait3A_73 : memref<125x80xi32, #tpu.memory_space<hbm>>) dst(%arg6 : memref<125x80xi32, #tpu.memory_space<vmem>>)
      tpu.yield
    }) : () -> ()
    %barrier3A = arith.constant 0 : index
    tpu.barrier barrier_id(%barrier3A)
    %dma_start3A = arith.constant 0 : i32
    %dma_start3A_5 = arith.constant 0 : i32
    %dma_start3A_6 = tpu.memref_slice %arg6[%dma_start3A, %dma_start3A_5] : memref<125x80xi32, #tpu.memory_space<vmem>> -> memref<1x80xi32, #tpu.memory_space<vmem>>
    %dma_start3A_7 = tpu.memref_squeeze %dma_start3A_6 : memref<1x80xi32, #tpu.memory_space<vmem>> -> memref<80xi32, #tpu.memory_space<vmem>>
    %dma_start3A_8 = arith.constant 0 : i32
    %dma_start3A_9 = arith.constant 0 : i32
    %dma_start3A_10 = tpu.memref_slice %arg8[%dma_start3A_8, %dma_start3A_9] : memref<10000x128xf32, #tpu.memory_space<vmem_shared>> -> memref<10000x128xf32, #tpu.memory_space<vmem_shared>>
    tpu.enqueue_indirect_dma source(%arg7 : memref<80x128xf32, #tpu.memory_space<vmem>>) target(%dma_start3A_10 : memref<10000x128xf32, #tpu.memory_space<vmem_shared>>) offsets(%dma_start3A_7 : memref<80xi32, #tpu.memory_space<vmem>>) semaphore(%arg9 : memref<!tpu.dma_semaphore, #tpu.memory_space<semaphore_mem>>) {add = true}
    %dma_start3A_11 = arith.constant 1 : i32
    %dma_start3A_12 = arith.constant 0 : i32
    %dma_start3A_13 = tpu.memref_slice %arg6[%dma_start3A_11, %dma_start3A_12] : memref<125x80xi32, #tpu.memory_space<vmem>> -> memref<1x80xi32, #tpu.memory_space<vmem>>
    %dma_start3A_14 = tpu.memref_squeeze %dma_start3A_13 : memref<1x80xi32, #tpu.memory_space<vmem>> -> memref<80xi32, #tpu.memory_space<vmem>>
    %dma_start3A_15 = arith.constant 0 : i32
    %dma_start3A_16 = arith.constant 0 : i32
    %dma_start3A_17 = tpu.memref_slice %arg8[%dma_start3A_15, %dma_start3A_16] : memref<10000x128xf32, #tpu.memory_space<vmem_shared>> -> memref<10000x128xf32, #tpu.memory_space<vmem_shared>>
    tpu.enqueue_indirect_dma source(%arg7 : memref<80x128xf32, #tpu.memory_space<vmem>>) target(%dma_start3A_17 : memref<10000x128xf32, #tpu.memory_space<vmem_shared>>) offsets(%dma_start3A_14 : memref<80xi32, #tpu.memory_space<vmem>>) semaphore(%arg10 : memref<!tpu.dma_semaphore, #tpu.memory_space<semaphore_mem>>) {add = true}
    %scan3A = arith.constant 0 : i32
    %scan3A_18 = arith.constant 1 : i32
    %scan3A_19 = arith.constant 61 : i32
    %scan3A_20 = arith.addi %scan3A_18, %scan3A_19 : i32
    %scan3A_21 = arith.constant 1 : i32
    scf.for %scan3A_58 = %scan3A_18 to %scan3A_20 step %scan3A_21  : i32 {
      %mul3A_59 = arith.constant 2 : i32
      %mul3A_60 = arith.muli %mul3A_59, %scan3A_58 : i32
      %dma_wait3A_61 = arith.constant 0 : i32
      %dma_wait3A_62 = arith.constant 0 : i32
      %dma_wait3A_63 = tpu.memref_slice %arg6[%dma_wait3A_61, %dma_wait3A_62] : memref<125x80xi32, #tpu.memory_space<vmem>> -> memref<1x80xi32, #tpu.memory_space<vmem>>
      %dma_wait3A_64 = tpu.memref_squeeze %dma_wait3A_63 : memref<1x80xi32, #tpu.memory_space<vmem>> -> memref<80xi32, #tpu.memory_space<vmem>>
      %dma_wait3A_65 = arith.constant 0 : i32
      %dma_wait3A_66 = arith.constant 0 : i32
      %dma_wait3A_67 = tpu.memref_slice %arg8[%dma_wait3A_65, %dma_wait3A_66] : memref<10000x128xf32, #tpu.memory_space<vmem_shared>> -> memref<10000x128xf32, #tpu.memory_space<vmem_shared>>
      tpu.wait_indirect_dma semaphore(%arg9 : memref<!tpu.dma_semaphore, #tpu.memory_space<semaphore_mem>>) src(%arg7 : memref<80x128xf32, #tpu.memory_space<vmem>>) dst(%dma_wait3A_67 : memref<10000x128xf32, #tpu.memory_space<vmem_shared>>)
      %dma_start3A_68 = arith.constant 0 : i32
      %dma_start3A_69 = tpu.memref_slice %arg6[%mul3A_60, %dma_start3A_68] : memref<125x80xi32, #tpu.memory_space<vmem>> -> memref<1x80xi32, #tpu.memory_space<vmem>>
      %dma_start3A_70 = tpu.memref_squeeze %dma_start3A_69 : memref<1x80xi32, #tpu.memory_space<vmem>> -> memref<80xi32, #tpu.memory_space<vmem>>
      %dma_start3A_71 = arith.constant 0 : i32
      %dma_start3A_72 = arith.constant 0 : i32
      %dma_start3A_73 = tpu.memref_slice %arg8[%dma_start3A_71, %dma_start3A_72] : memref<10000x128xf32, #tpu.memory_space<vmem_shared>> -> memref<10000x128xf32, #tpu.memory_space<vmem_shared>>
      tpu.enqueue_indirect_dma source(%arg7 : memref<80x128xf32, #tpu.memory_space<vmem>>) target(%dma_start3A_73 : memref<10000x128xf32, #tpu.memory_space<vmem_shared>>) offsets(%dma_start3A_70 : memref<80xi32, #tpu.memory_space<vmem>>) semaphore(%arg9 : memref<!tpu.dma_semaphore, #tpu.memory_space<semaphore_mem>>) {add = true}
      %dma_wait3A_74 = arith.constant 0 : i32
      %dma_wait3A_75 = arith.constant 0 : i32
      %dma_wait3A_76 = tpu.memref_slice %arg6[%dma_wait3A_74, %dma_wait3A_75] : memref<125x80xi32, #tpu.memory_space<vmem>> -> memref<1x80xi32, #tpu.memory_space<vmem>>
      %dma_wait3A_77 = tpu.memref_squeeze %dma_wait3A_76 : memref<1x80xi32, #tpu.memory_space<vmem>> -> memref<80xi32, #tpu.memory_space<vmem>>
      %dma_wait3A_78 = arith.constant 0 : i32
      %dma_wait3A_79 = arith.constant 0 : i32
      %dma_wait3A_80 = tpu.memref_slice %arg8[%dma_wait3A_78, %dma_wait3A_79] : memref<10000x128xf32, #tpu.memory_space<vmem_shared>> -> memref<10000x128xf32, #tpu.memory_space<vmem_shared>>
      tpu.wait_indirect_dma semaphore(%arg10 : memref<!tpu.dma_semaphore, #tpu.memory_space<semaphore_mem>>) src(%arg7 : memref<80x128xf32, #tpu.memory_space<vmem>>) dst(%dma_wait3A_80 : memref<10000x128xf32, #tpu.memory_space<vmem_shared>>)
      %add3A_81 = arith.constant 1 : i32
      %add3A_82 = arith.addi %mul3A_60, %add3A_81 : i32
      %dma_start3A_83 = arith.constant 0 : i32
      %dma_start3A_84 = tpu.memref_slice %arg6[%add3A_82, %dma_start3A_83] : memref<125x80xi32, #tpu.memory_space<vmem>> -> memref<1x80xi32, #tpu.memory_space<vmem>>
      %dma_start3A_85 = tpu.memref_squeeze %dma_start3A_84 : memref<1x80xi32, #tpu.memory_space<vmem>> -> memref<80xi32, #tpu.memory_space<vmem>>
      %dma_start3A_86 = arith.constant 0 : i32
      %dma_start3A_87 = arith.constant 0 : i32
      %dma_start3A_88 = tpu.memref_slice %arg8[%dma_start3A_86, %dma_start3A_87] : memref<10000x128xf32, #tpu.memory_space<vmem_shared>> -> memref<10000x128xf32, #tpu.memory_space<vmem_shared>>
      tpu.enqueue_indirect_dma source(%arg7 : memref<80x128xf32, #tpu.memory_space<vmem>>) target(%dma_start3A_88 : memref<10000x128xf32, #tpu.memory_space<vmem_shared>>) offsets(%dma_start3A_85 : memref<80xi32, #tpu.memory_space<vmem>>) semaphore(%arg10 : memref<!tpu.dma_semaphore, #tpu.memory_space<semaphore_mem>>) {add = true}
    }
    %scan3A_22 = arith.constant 61 : i32
    %dma_wait3A = arith.constant 0 : i32
    %dma_wait3A_23 = arith.constant 0 : i32
    %dma_wait3A_24 = tpu.memref_slice %arg6[%dma_wait3A, %dma_wait3A_23] : memref<125x80xi32, #tpu.memory_space<vmem>> -> memref<1x80xi32, #tpu.memory_space<vmem>>
    %dma_wait3A_25 = tpu.memref_squeeze %dma_wait3A_24 : memref<1x80xi32, #tpu.memory_space<vmem>> -> memref<80xi32, #tpu.memory_space<vmem>>
    %dma_wait3A_26 = arith.constant 0 : i32
    %dma_wait3A_27 = arith.constant 0 : i32
    %dma_wait3A_28 = tpu.memref_slice %arg8[%dma_wait3A_26, %dma_wait3A_27] : memref<10000x128xf32, #tpu.memory_space<vmem_shared>> -> memref<10000x128xf32, #tpu.memory_space<vmem_shared>>
    tpu.wait_indirect_dma semaphore(%arg9 : memref<!tpu.dma_semaphore, #tpu.memory_space<semaphore_mem>>) src(%arg7 : memref<80x128xf32, #tpu.memory_space<vmem>>) dst(%dma_wait3A_28 : memref<10000x128xf32, #tpu.memory_space<vmem_shared>>)
    %dma_start3A_29 = arith.constant 124 : i32
    %dma_start3A_30 = arith.constant 0 : i32
    %dma_start3A_31 = tpu.memref_slice %arg6[%dma_start3A_29, %dma_start3A_30] : memref<125x80xi32, #tpu.memory_space<vmem>> -> memref<1x80xi32, #tpu.memory_space<vmem>>
    %dma_start3A_32 = tpu.memref_squeeze %dma_start3A_31 : memref<1x80xi32, #tpu.memory_space<vmem>> -> memref<80xi32, #tpu.memory_space<vmem>>
    %dma_start3A_33 = arith.constant 0 : i32
    %dma_start3A_34 = arith.constant 0 : i32
    %dma_start3A_35 = tpu.memref_slice %arg8[%dma_start3A_33, %dma_start3A_34] : memref<10000x128xf32, #tpu.memory_space<vmem_shared>> -> memref<10000x128xf32, #tpu.memory_space<vmem_shared>>
    tpu.enqueue_indirect_dma source(%arg7 : memref<80x128xf32, #tpu.memory_space<vmem>>) target(%dma_start3A_35 : memref<10000x128xf32, #tpu.memory_space<vmem_shared>>) offsets(%dma_start3A_32 : memref<80xi32, #tpu.memory_space<vmem>>) semaphore(%arg9 : memref<!tpu.dma_semaphore, #tpu.memory_space<semaphore_mem>>) {add = true}
    %dma_wait3A_36 = arith.constant 0 : i32
    %dma_wait3A_37 = arith.constant 0 : i32
    %dma_wait3A_38 = tpu.memref_slice %arg6[%dma_wait3A_36, %dma_wait3A_37] : memref<125x80xi32, #tpu.memory_space<vmem>> -> memref<1x80xi32, #tpu.memory_space<vmem>>
    %dma_wait3A_39 = tpu.memref_squeeze %dma_wait3A_38 : memref<1x80xi32, #tpu.memory_space<vmem>> -> memref<80xi32, #tpu.memory_space<vmem>>
    %dma_wait3A_40 = arith.constant 0 : i32
    %dma_wait3A_41 = arith.constant 0 : i32
    %dma_wait3A_42 = tpu.memref_slice %arg8[%dma_wait3A_40, %dma_wait3A_41] : memref<10000x128xf32, #tpu.memory_space<vmem_shared>> -> memref<10000x128xf32, #tpu.memory_space<vmem_shared>>
    tpu.wait_indirect_dma semaphore(%arg10 : memref<!tpu.dma_semaphore, #tpu.memory_space<semaphore_mem>>) src(%arg7 : memref<80x128xf32, #tpu.memory_space<vmem>>) dst(%dma_wait3A_42 : memref<10000x128xf32, #tpu.memory_space<vmem_shared>>)
    %dma_wait3A_43 = arith.constant 0 : i32
    %dma_wait3A_44 = arith.constant 0 : i32
    %dma_wait3A_45 = tpu.memref_slice %arg6[%dma_wait3A_43, %dma_wait3A_44] : memref<125x80xi32, #tpu.memory_space<vmem>> -> memref<1x80xi32, #tpu.memory_space<vmem>>
    %dma_wait3A_46 = tpu.memref_squeeze %dma_wait3A_45 : memref<1x80xi32, #tpu.memory_space<vmem>> -> memref<80xi32, #tpu.memory_space<vmem>>
    %dma_wait3A_47 = arith.constant 0 : i32
    %dma_wait3A_48 = arith.constant 0 : i32
    %dma_wait3A_49 = tpu.memref_slice %arg8[%dma_wait3A_47, %dma_wait3A_48] : memref<10000x128xf32, #tpu.memory_space<vmem_shared>> -> memref<10000x128xf32, #tpu.memory_space<vmem_shared>>
    tpu.wait_indirect_dma semaphore(%arg9 : memref<!tpu.dma_semaphore, #tpu.memory_space<semaphore_mem>>) src(%arg7 : memref<80x128xf32, #tpu.memory_space<vmem>>) dst(%dma_wait3A_49 : memref<10000x128xf32, #tpu.memory_space<vmem_shared>>)
    %barrier3A_50 = arith.constant 0 : index
    tpu.barrier barrier_id(%barrier3A_50)
    %mul3A_51 = arith.constant 624 : i32
    %mul3A_52 = arith.muli %arg1, %mul3A_51 : i32
    "tpu.region"() ({
      %run_scoped3A = tpu.sem_alloc : memref<!tpu.dma_semaphore, #tpu.memory_space<semaphore_mem>>
      %dma_start3A_58 = arith.constant 0 : i32
      %dma_start3A_59 = tpu.memref_slice %arg5[%arg0, %mul3A_52, %dma_start3A_58] : memref<2x10000x128xf32, #tpu.memory_space<hbm>> -> memref<1x624x128xf32, #tpu.memory_space<hbm>>
      %dma_start3A_60 = tpu.memref_squeeze %dma_start3A_59 : memref<1x624x128xf32, #tpu.memory_space<hbm>> -> memref<624x128xf32, #tpu.memory_space<hbm>>
      %dma_start3A_61 = arith.constant 0 : i32
      %dma_start3A_62 = tpu.memref_slice %arg8[%mul3A_52, %dma_start3A_61] : memref<10000x128xf32, #tpu.memory_space<vmem_shared>> -> memref<624x128xf32, #tpu.memory_space<vmem_shared>>
      tpu.enqueue_dma source(%dma_start3A_62 : memref<624x128xf32, #tpu.memory_space<vmem_shared>>) target(%dma_start3A_60 : memref<624x128xf32, #tpu.memory_space<hbm>>) target_semaphore(%run_scoped3A : memref<!tpu.dma_semaphore, #tpu.memory_space<semaphore_mem>>)
      %dma_wait3A_63 = arith.constant 0 : i32
      %dma_wait3A_64 = tpu.memref_slice %arg5[%arg0, %mul3A_52, %dma_wait3A_63] : memref<2x10000x128xf32, #tpu.memory_space<hbm>> -> memref<1x624x128xf32, #tpu.memory_space<hbm>>
      %dma_wait3A_65 = tpu.memref_squeeze %dma_wait3A_64 : memref<1x624x128xf32, #tpu.memory_space<hbm>> -> memref<624x128xf32, #tpu.memory_space<hbm>>
      %dma_wait3A_66 = arith.constant 0 : i32
      %dma_wait3A_67 = tpu.memref_slice %arg8[%mul3A_52, %dma_wait3A_66] : memref<10000x128xf32, #tpu.memory_space<vmem_shared>> -> memref<624x128xf32, #tpu.memory_space<vmem_shared>>
      tpu.wait_dma2 semaphore(%run_scoped3A : memref<!tpu.dma_semaphore, #tpu.memory_space<semaphore_mem>>) src(%dma_wait3A_67 : memref<624x128xf32, #tpu.memory_space<vmem_shared>>) dst(%dma_wait3A_65 : memref<624x128xf32, #tpu.memory_space<hbm>>)
      tpu.yield
    }) : () -> ()
    %eq3A_53 = arith.constant 15 : i32
    %eq3A_54 = arith.cmpi eq, %arg1, %eq3A_53 : i32
    %convert_element_type3A_55 = arith.extui %eq3A_54 : i1 to i32
    %cond3A_56 = arith.constant 0 : i32
    %cond3A_57 = arith.cmpi ne, %convert_element_type3A_55, %cond3A_56 : i32
    scf.if %cond3A_57 {
      "tpu.region"() ({
        %run_scoped3A = tpu.sem_alloc : memref<!tpu.dma_semaphore, #tpu.memory_space<semaphore_mem>>
        %dma_start3A_58 = arith.constant 9984 : i32
        %dma_start3A_59 = arith.constant 0 : i32
        %dma_start3A_60 = tpu.memref_slice %arg5[%arg0, %dma_start3A_58, %dma_start3A_59] : memref<2x10000x128xf32, #tpu.memory_space<hbm>> -> memref<1x16x128xf32, #tpu.memory_space<hbm>>
        %dma_start3A_61 = tpu.memref_squeeze %dma_start3A_60 : memref<1x16x128xf32, #tpu.memory_space<hbm>> -> memref<16x128xf32, #tpu.memory_space<hbm>>
        %dma_start3A_62 = arith.constant 9984 : i32
        %dma_start3A_63 = arith.constant 0 : i32
        %dma_start3A_64 = tpu.memref_slice %arg8[%dma_start3A_62, %dma_start3A_63] : memref<10000x128xf32, #tpu.memory_space<vmem_shared>> -> memref<16x128xf32, #tpu.memory_space<vmem_shared>>
        tpu.enqueue_dma source(%dma_start3A_64 : memref<16x128xf32, #tpu.memory_space<vmem_shared>>) target(%dma_start3A_61 : memref<16x128xf32, #tpu.memory_space<hbm>>) target_semaphore(%run_scoped3A : memref<!tpu.dma_semaphore, #tpu.memory_space<semaphore_mem>>)
        %dma_wait3A_65 = arith.constant 9984 : i32
        %dma_wait3A_66 = arith.constant 0 : i32
        %dma_wait3A_67 = tpu.memref_slice %arg5[%arg0, %dma_wait3A_65, %dma_wait3A_66] : memref<2x10000x128xf32, #tpu.memory_space<hbm>> -> memref<1x16x128xf32, #tpu.memory_space<hbm>>
        %dma_wait3A_68 = tpu.memref_squeeze %dma_wait3A_67 : memref<1x16x128xf32, #tpu.memory_space<hbm>> -> memref<16x128xf32, #tpu.memory_space<hbm>>
        %dma_wait3A_69 = arith.constant 9984 : i32
        %dma_wait3A_70 = arith.constant 0 : i32
        %dma_wait3A_71 = tpu.memref_slice %arg8[%dma_wait3A_69, %dma_wait3A_70] : memref<10000x128xf32, #tpu.memory_space<vmem_shared>> -> memref<16x128xf32, #tpu.memory_space<vmem_shared>>
        tpu.wait_dma2 semaphore(%run_scoped3A : memref<!tpu.dma_semaphore, #tpu.memory_space<semaphore_mem>>) src(%dma_wait3A_71 : memref<16x128xf32, #tpu.memory_space<vmem_shared>>) dst(%dma_wait3A_68 : memref<16x128xf32, #tpu.memory_space<hbm>>)
        tpu.yield
      }) : () -> ()
    } else {
    }
    return
  }
}

#map = affine_map<(d0, d1) -> (0, 0)>
#map1 = affine_map<(d0, d1) -> (0, 0, 0)>
module attributes {stable_mosaic.version = 14 : i64} {
  func.func @_agg_kernel(%arg0: i32, %arg1: i32, %arg2: memref<10000x128xf32, #tpu.memory_space<hbm>>, %arg3: memref<32x125x80xi32, #tpu.memory_space<hbm>>, %arg4: memref<32x125x80xi32, #tpu.memory_space<hbm>>, %arg5: memref<10000x128xf32, #tpu.memory_space<hbm>>, %arg6: memref<2x10000x128xf32, #tpu.memory_space<hbm>>, %arg7: memref<1x80xi32, #tpu.memory_space<vmem>>, %arg8: memref<1x80xi32, #tpu.memory_space<vmem>>, %arg9: memref<125x80xi32, #tpu.memory_space<vmem>>, %arg10: memref<80x128xf32, #tpu.memory_space<vmem>>, %arg11: memref<80x128xf32, #tpu.memory_space<vmem>>, %arg12: memref<10000x128xf32, #tpu.memory_space<vmem_shared>>, %arg13: memref<!tpu.dma_semaphore, #tpu.memory_space<semaphore_mem>>, %arg14: memref<!tpu.dma_semaphore, #tpu.memory_space<semaphore_mem>>, %arg15: memref<!tpu.dma_semaphore, #tpu.memory_space<semaphore_mem>>, %arg16: memref<!tpu.dma_semaphore, #tpu.memory_space<semaphore_mem>>) attributes {dimension_semantics = [#tpu.dimension_semantics<core_parallel>, #tpu.dimension_semantics<subcore_parallel>], iteration_bounds = array<i64: 2, 16>, scalar_prefetch = 0 : i64, scratch_operands = 10 : i64, tpu.core_type = #tpu.core_type<sc_vector_subcore>, window_params = [{transform_indices = #map}, {transform_indices = #map1}, {transform_indices = #map1}, {transform_indices = #map}, {transform_indices = #map1}]} {
    %mul3A = arith.constant 2 : i32
    %mul3A_0 = arith.muli %arg1, %mul3A : i32
    %add3A = arith.addi %mul3A_0, %arg0 : i32
    %mul3A_1 = arith.constant 624 : i32
    %mul3A_2 = arith.muli %arg1, %mul3A_1 : i32
    "tpu.region"() ({
      %run_scoped3A_89 = tpu.sem_alloc : memref<!tpu.dma_semaphore, #tpu.memory_space<semaphore_mem>>
      %dma_start3A_90 = arith.constant 0 : i32
      %dma_start3A_91 = tpu.memref_slice %arg12[%mul3A_2, %dma_start3A_90] : memref<10000x128xf32, #tpu.memory_space<vmem_shared>> -> memref<624x128xf32, #tpu.memory_space<vmem_shared>>
      %dma_start3A_92 = arith.constant 0 : i32
      %dma_start3A_93 = tpu.memref_slice %arg5[%mul3A_2, %dma_start3A_92] : memref<10000x128xf32, #tpu.memory_space<hbm>> -> memref<624x128xf32, #tpu.memory_space<hbm>>
      tpu.enqueue_dma source(%dma_start3A_93 : memref<624x128xf32, #tpu.memory_space<hbm>>) target(%dma_start3A_91 : memref<624x128xf32, #tpu.memory_space<vmem_shared>>) target_semaphore(%run_scoped3A_89 : memref<!tpu.dma_semaphore, #tpu.memory_space<semaphore_mem>>)
      %dma_wait3A_94 = arith.constant 0 : i32
      %dma_wait3A_95 = tpu.memref_slice %arg12[%mul3A_2, %dma_wait3A_94] : memref<10000x128xf32, #tpu.memory_space<vmem_shared>> -> memref<624x128xf32, #tpu.memory_space<vmem_shared>>
      %dma_wait3A_96 = arith.constant 0 : i32
      %dma_wait3A_97 = tpu.memref_slice %arg5[%mul3A_2, %dma_wait3A_96] : memref<10000x128xf32, #tpu.memory_space<hbm>> -> memref<624x128xf32, #tpu.memory_space<hbm>>
      tpu.wait_dma2 semaphore(%run_scoped3A_89 : memref<!tpu.dma_semaphore, #tpu.memory_space<semaphore_mem>>) src(%dma_wait3A_97 : memref<624x128xf32, #tpu.memory_space<hbm>>) dst(%dma_wait3A_95 : memref<624x128xf32, #tpu.memory_space<vmem_shared>>)
      tpu.yield
    }) : () -> ()
    %eq3A = arith.constant 15 : i32
    %eq3A_3 = arith.cmpi eq, %arg1, %eq3A : i32
    %convert_element_type3A = arith.extui %eq3A_3 : i1 to i32
    %cond3A = arith.constant 0 : i32
    %cond3A_4 = arith.cmpi ne, %convert_element_type3A, %cond3A : i32
    scf.if %cond3A_4 {
      "tpu.region"() ({
        %run_scoped3A_89 = tpu.sem_alloc : memref<!tpu.dma_semaphore, #tpu.memory_space<semaphore_mem>>
        %dma_start3A_90 = arith.constant 9984 : i32
        %dma_start3A_91 = arith.constant 0 : i32
        %dma_start3A_92 = tpu.memref_slice %arg12[%dma_start3A_90, %dma_start3A_91] : memref<10000x128xf32, #tpu.memory_space<vmem_shared>> -> memref<16x128xf32, #tpu.memory_space<vmem_shared>>
        %dma_start3A_93 = arith.constant 9984 : i32
        %dma_start3A_94 = arith.constant 0 : i32
        %dma_start3A_95 = tpu.memref_slice %arg5[%dma_start3A_93, %dma_start3A_94] : memref<10000x128xf32, #tpu.memory_space<hbm>> -> memref<16x128xf32, #tpu.memory_space<hbm>>
        tpu.enqueue_dma source(%dma_start3A_95 : memref<16x128xf32, #tpu.memory_space<hbm>>) target(%dma_start3A_92 : memref<16x128xf32, #tpu.memory_space<vmem_shared>>) target_semaphore(%run_scoped3A_89 : memref<!tpu.dma_semaphore, #tpu.memory_space<semaphore_mem>>)
        %dma_wait3A_96 = arith.constant 9984 : i32
        %dma_wait3A_97 = arith.constant 0 : i32
        %dma_wait3A_98 = tpu.memref_slice %arg12[%dma_wait3A_96, %dma_wait3A_97] : memref<10000x128xf32, #tpu.memory_space<vmem_shared>> -> memref<16x128xf32, #tpu.memory_space<vmem_shared>>
        %dma_wait3A_99 = arith.constant 9984 : i32
        %dma_wait3A_100 = arith.constant 0 : i32
        %dma_wait3A_101 = tpu.memref_slice %arg5[%dma_wait3A_99, %dma_wait3A_100] : memref<10000x128xf32, #tpu.memory_space<hbm>> -> memref<16x128xf32, #tpu.memory_space<hbm>>
        tpu.wait_dma2 semaphore(%run_scoped3A_89 : memref<!tpu.dma_semaphore, #tpu.memory_space<semaphore_mem>>) src(%dma_wait3A_101 : memref<16x128xf32, #tpu.memory_space<hbm>>) dst(%dma_wait3A_98 : memref<16x128xf32, #tpu.memory_space<vmem_shared>>)
        tpu.yield
      }) : () -> ()
    } else {
    }
    "tpu.region"() ({
      %run_scoped3A_89 = tpu.sem_alloc : memref<!tpu.dma_semaphore, #tpu.memory_space<semaphore_mem>>
      %dma_start3A_90 = arith.constant 0 : i32
      %dma_start3A_91 = arith.constant 0 : i32
      %dma_start3A_92 = tpu.memref_slice %arg4[%add3A, %dma_start3A_90, %dma_start3A_91] : memref<32x125x80xi32, #tpu.memory_space<hbm>> -> memref<1x125x80xi32, #tpu.memory_space<hbm>>
      %dma_start3A_93 = tpu.memref_squeeze %dma_start3A_92 : memref<1x125x80xi32, #tpu.memory_space<hbm>> -> memref<125x80xi32, #tpu.memory_space<hbm>>
      %dma_start3A_94 = arith.constant 0 : i32
      %dma_start3A_95 = arith.constant 0 : i32
      %dma_start3A_96 = tpu.memref_slice %arg4[%add3A, %dma_start3A_94, %dma_start3A_95] : memref<32x125x80xi32, #tpu.memory_space<hbm>> -> memref<1x125x80xi32, #tpu.memory_space<hbm>>
      %dma_start3A_97 = tpu.memref_squeeze %dma_start3A_96 : memref<1x125x80xi32, #tpu.memory_space<hbm>> -> memref<125x80xi32, #tpu.memory_space<hbm>>
      tpu.enqueue_dma source(%dma_start3A_97 : memref<125x80xi32, #tpu.memory_space<hbm>>) target(%arg9 : memref<125x80xi32, #tpu.memory_space<vmem>>) target_semaphore(%run_scoped3A_89 : memref<!tpu.dma_semaphore, #tpu.memory_space<semaphore_mem>>)
      %dma_wait3A_98 = arith.constant 0 : i32
      %dma_wait3A_99 = arith.constant 0 : i32
      %dma_wait3A_100 = tpu.memref_slice %arg4[%add3A, %dma_wait3A_98, %dma_wait3A_99] : memref<32x125x80xi32, #tpu.memory_space<hbm>> -> memref<1x125x80xi32, #tpu.memory_space<hbm>>
      %dma_wait3A_101 = tpu.memref_squeeze %dma_wait3A_100 : memref<1x125x80xi32, #tpu.memory_space<hbm>> -> memref<125x80xi32, #tpu.memory_space<hbm>>
      %dma_wait3A_102 = arith.constant 0 : i32
      %dma_wait3A_103 = arith.constant 0 : i32
      %dma_wait3A_104 = tpu.memref_slice %arg4[%add3A, %dma_wait3A_102, %dma_wait3A_103] : memref<32x125x80xi32, #tpu.memory_space<hbm>> -> memref<1x125x80xi32, #tpu.memory_space<hbm>>
      %dma_wait3A_105 = tpu.memref_squeeze %dma_wait3A_104 : memref<1x125x80xi32, #tpu.memory_space<hbm>> -> memref<125x80xi32, #tpu.memory_space<hbm>>
      tpu.wait_dma2 semaphore(%run_scoped3A_89 : memref<!tpu.dma_semaphore, #tpu.memory_space<semaphore_mem>>) src(%dma_wait3A_105 : memref<125x80xi32, #tpu.memory_space<hbm>>) dst(%arg9 : memref<125x80xi32, #tpu.memory_space<vmem>>)
      tpu.yield
    }) : () -> ()
    %barrier3A = arith.constant 0 : index
    tpu.barrier barrier_id(%barrier3A)
    %min3A = arith.constant 0 : i32
    %min3A_5 = arith.constant 124 : i32
    %min3A_6 = arith.minsi %min3A, %min3A_5 : i32
    %dma_start3A = arith.constant 0 : i32
    %dma_start3A_7 = arith.constant 0 : i32
    %dma_start3A_8 = tpu.memref_slice %arg7[%dma_start3A, %dma_start3A_7] : memref<1x80xi32, #tpu.memory_space<vmem>> -> memref<1x80xi32, #tpu.memory_space<vmem>>
    %dma_start3A_9 = tpu.memref_squeeze %dma_start3A_8 : memref<1x80xi32, #tpu.memory_space<vmem>> -> memref<80xi32, #tpu.memory_space<vmem>>
    %dma_start3A_10 = arith.constant 0 : i32
    %dma_start3A_11 = tpu.memref_slice %arg3[%add3A, %min3A_6, %dma_start3A_10] : memref<32x125x80xi32, #tpu.memory_space<hbm>> -> memref<1x1x80xi32, #tpu.memory_space<hbm>>
    %dma_start3A_12 = tpu.memref_squeeze %dma_start3A_11 : memref<1x1x80xi32, #tpu.memory_space<hbm>> -> memref<80xi32, #tpu.memory_space<hbm>>
    %dma_start3A_13 = arith.constant 0 : i32
    %dma_start3A_14 = tpu.memref_slice %arg7[%dma_start3A, %dma_start3A_13] : memref<1x80xi32, #tpu.memory_space<vmem>> -> memref<1x80xi32, #tpu.memory_space<vmem>>
    %dma_start3A_15 = tpu.memref_squeeze %dma_start3A_14 : memref<1x80xi32, #tpu.memory_space<vmem>> -> memref<80xi32, #tpu.memory_space<vmem>>
    %dma_start3A_16 = arith.constant 0 : i32
    %dma_start3A_17 = tpu.memref_slice %arg3[%add3A, %min3A_6, %dma_start3A_16] : memref<32x125x80xi32, #tpu.memory_space<hbm>> -> memref<1x1x80xi32, #tpu.memory_space<hbm>>
    %dma_start3A_18 = tpu.memref_squeeze %dma_start3A_17 : memref<1x1x80xi32, #tpu.memory_space<hbm>> -> memref<80xi32, #tpu.memory_space<hbm>>
    tpu.enqueue_dma source(%dma_start3A_18 : memref<80xi32, #tpu.memory_space<hbm>>) target(%dma_start3A_15 : memref<80xi32, #tpu.memory_space<vmem>>) target_semaphore(%arg15 : memref<!tpu.dma_semaphore, #tpu.memory_space<semaphore_mem>>)
    %min3A_19 = arith.constant 1 : i32
    %min3A_20 = arith.constant 124 : i32
    %min3A_21 = arith.minsi %min3A_19, %min3A_20 : i32
    %dma_start3A_22 = arith.constant 0 : i32
    %dma_start3A_23 = arith.constant 0 : i32
    %dma_start3A_24 = tpu.memref_slice %arg8[%dma_start3A_22, %dma_start3A_23] : memref<1x80xi32, #tpu.memory_space<vmem>> -> memref<1x80xi32, #tpu.memory_space<vmem>>
    %dma_start3A_25 = tpu.memref_squeeze %dma_start3A_24 : memref<1x80xi32, #tpu.memory_space<vmem>> -> memref<80xi32, #tpu.memory_space<vmem>>
    %dma_start3A_26 = arith.constant 0 : i32
    %dma_start3A_27 = tpu.memref_slice %arg3[%add3A, %min3A_21, %dma_start3A_26] : memref<32x125x80xi32, #tpu.memory_space<hbm>> -> memref<1x1x80xi32, #tpu.memory_space<hbm>>
    %dma_start3A_28 = tpu.memref_squeeze %dma_start3A_27 : memref<1x1x80xi32, #tpu.memory_space<hbm>> -> memref<80xi32, #tpu.memory_space<hbm>>
    %dma_start3A_29 = arith.constant 0 : i32
    %dma_start3A_30 = tpu.memref_slice %arg8[%dma_start3A_22, %dma_start3A_29] : memref<1x80xi32, #tpu.memory_space<vmem>> -> memref<1x80xi32, #tpu.memory_space<vmem>>
    %dma_start3A_31 = tpu.memref_squeeze %dma_start3A_30 : memref<1x80xi32, #tpu.memory_space<vmem>> -> memref<80xi32, #tpu.memory_space<vmem>>
    %dma_start3A_32 = arith.constant 0 : i32
    %dma_start3A_33 = tpu.memref_slice %arg3[%add3A, %min3A_21, %dma_start3A_32] : memref<32x125x80xi32, #tpu.memory_space<hbm>> -> memref<1x1x80xi32, #tpu.memory_space<hbm>>
    %dma_start3A_34 = tpu.memref_squeeze %dma_start3A_33 : memref<1x1x80xi32, #tpu.memory_space<hbm>> -> memref<80xi32, #tpu.memory_space<hbm>>
    tpu.enqueue_dma source(%dma_start3A_34 : memref<80xi32, #tpu.memory_space<hbm>>) target(%dma_start3A_31 : memref<80xi32, #tpu.memory_space<vmem>>) target_semaphore(%arg16 : memref<!tpu.dma_semaphore, #tpu.memory_space<semaphore_mem>>)
    %dma_wait3A = arith.constant 0 : i32
    %dma_wait3A_35 = arith.constant 0 : i32
    %dma_wait3A_36 = arith.constant 0 : i32
    %dma_wait3A_37 = tpu.memref_slice %arg7[%dma_wait3A_35, %dma_wait3A_36] : memref<1x80xi32, #tpu.memory_space<vmem>> -> memref<1x80xi32, #tpu.memory_space<vmem>>
    %dma_wait3A_38 = tpu.memref_squeeze %dma_wait3A_37 : memref<1x80xi32, #tpu.memory_space<vmem>> -> memref<80xi32, #tpu.memory_space<vmem>>
    %dma_wait3A_39 = arith.constant 0 : i32
    %dma_wait3A_40 = tpu.memref_slice %arg3[%add3A, %dma_wait3A, %dma_wait3A_39] : memref<32x125x80xi32, #tpu.memory_space<hbm>> -> memref<1x1x80xi32, #tpu.memory_space<hbm>>
    %dma_wait3A_41 = tpu.memref_squeeze %dma_wait3A_40 : memref<1x1x80xi32, #tpu.memory_space<hbm>> -> memref<80xi32, #tpu.memory_space<hbm>>
    %dma_wait3A_42 = arith.constant 0 : i32
    %dma_wait3A_43 = tpu.memref_slice %arg7[%dma_wait3A_35, %dma_wait3A_42] : memref<1x80xi32, #tpu.memory_space<vmem>> -> memref<1x80xi32, #tpu.memory_space<vmem>>
    %dma_wait3A_44 = tpu.memref_squeeze %dma_wait3A_43 : memref<1x80xi32, #tpu.memory_space<vmem>> -> memref<80xi32, #tpu.memory_space<vmem>>
    %dma_wait3A_45 = arith.constant 0 : i32
    %dma_wait3A_46 = tpu.memref_slice %arg3[%add3A, %dma_wait3A, %dma_wait3A_45] : memref<32x125x80xi32, #tpu.memory_space<hbm>> -> memref<1x1x80xi32, #tpu.memory_space<hbm>>
    %dma_wait3A_47 = tpu.memref_squeeze %dma_wait3A_46 : memref<1x1x80xi32, #tpu.memory_space<hbm>> -> memref<80xi32, #tpu.memory_space<hbm>>
    tpu.wait_dma2 semaphore(%arg15 : memref<!tpu.dma_semaphore, #tpu.memory_space<semaphore_mem>>) src(%dma_wait3A_47 : memref<80xi32, #tpu.memory_space<hbm>>) dst(%dma_wait3A_44 : memref<80xi32, #tpu.memory_space<vmem>>)
    %dma_start3A_48 = arith.constant 0 : i32
    %dma_start3A_49 = arith.constant 0 : i32
    %dma_start3A_50 = tpu.memref_slice %arg7[%dma_start3A_48, %dma_start3A_49] : memref<1x80xi32, #tpu.memory_space<vmem>> -> memref<1x80xi32, #tpu.memory_space<vmem>>
    %dma_start3A_51 = tpu.memref_squeeze %dma_start3A_50 : memref<1x80xi32, #tpu.memory_space<vmem>> -> memref<80xi32, #tpu.memory_space<vmem>>
    %dma_start3A_52 = arith.constant 0 : i32
    %dma_start3A_53 = arith.constant 0 : i32
    %dma_start3A_54 = tpu.memref_slice %arg2[%dma_start3A_52, %dma_start3A_53] : memref<10000x128xf32, #tpu.memory_space<hbm>> -> memref<10000x128xf32, #tpu.memory_space<hbm>>
    tpu.enqueue_indirect_dma source(%dma_start3A_54 : memref<10000x128xf32, #tpu.memory_space<hbm>>) target(%arg10 : memref<80x128xf32, #tpu.memory_space<vmem>>) offsets(%dma_start3A_51 : memref<80xi32, #tpu.memory_space<vmem>>) semaphore(%arg13 : memref<!tpu.dma_semaphore, #tpu.memory_space<semaphore_mem>>)
    %scan3A = arith.constant 0 : i32
    %scan3A_55 = arith.constant 0 : i32
    %scan3A_56 = arith.constant 62 : i32
    %scan3A_57 = arith.addi %scan3A_55, %scan3A_56 : i32
    %scan3A_58 = arith.constant 1 : i32
    scf.for %scan3A_89 = %scan3A_55 to %scan3A_57 step %scan3A_58  : i32 {
      %mul3A_90 = arith.constant 2 : i32
      %mul3A_91 = arith.muli %mul3A_90, %scan3A_89 : i32
      %dma_wait3A_92 = arith.constant 0 : i32
      %dma_wait3A_93 = arith.constant 0 : i32
      %dma_wait3A_94 = arith.constant 0 : i32
      %dma_wait3A_95 = tpu.memref_slice %arg8[%dma_wait3A_93, %dma_wait3A_94] : memref<1x80xi32, #tpu.memory_space<vmem>> -> memref<1x80xi32, #tpu.memory_space<vmem>>
      %dma_wait3A_96 = tpu.memref_squeeze %dma_wait3A_95 : memref<1x80xi32, #tpu.memory_space<vmem>> -> memref<80xi32, #tpu.memory_space<vmem>>
      %dma_wait3A_97 = arith.constant 0 : i32
      %dma_wait3A_98 = tpu.memref_slice %arg3[%add3A, %dma_wait3A_92, %dma_wait3A_97] : memref<32x125x80xi32, #tpu.memory_space<hbm>> -> memref<1x1x80xi32, #tpu.memory_space<hbm>>
      %dma_wait3A_99 = tpu.memref_squeeze %dma_wait3A_98 : memref<1x1x80xi32, #tpu.memory_space<hbm>> -> memref<80xi32, #tpu.memory_space<hbm>>
      %dma_wait3A_100 = arith.constant 0 : i32
      %dma_wait3A_101 = tpu.memref_slice %arg8[%dma_wait3A_93, %dma_wait3A_100] : memref<1x80xi32, #tpu.memory_space<vmem>> -> memref<1x80xi32, #tpu.memory_space<vmem>>
      %dma_wait3A_102 = tpu.memref_squeeze %dma_wait3A_101 : memref<1x80xi32, #tpu.memory_space<vmem>> -> memref<80xi32, #tpu.memory_space<vmem>>
      %dma_wait3A_103 = arith.constant 0 : i32
      %dma_wait3A_104 = tpu.memref_slice %arg3[%add3A, %dma_wait3A_92, %dma_wait3A_103] : memref<32x125x80xi32, #tpu.memory_space<hbm>> -> memref<1x1x80xi32, #tpu.memory_space<hbm>>
      %dma_wait3A_105 = tpu.memref_squeeze %dma_wait3A_104 : memref<1x1x80xi32, #tpu.memory_space<hbm>> -> memref<80xi32, #tpu.memory_space<hbm>>
      tpu.wait_dma2 semaphore(%arg16 : memref<!tpu.dma_semaphore, #tpu.memory_space<semaphore_mem>>) src(%dma_wait3A_105 : memref<80xi32, #tpu.memory_space<hbm>>) dst(%dma_wait3A_102 : memref<80xi32, #tpu.memory_space<vmem>>)
      %dma_wait3A_106 = arith.constant 0 : i32
      %dma_wait3A_107 = arith.constant 0 : i32
      %dma_wait3A_108 = tpu.memref_slice %arg7[%dma_wait3A_106, %dma_wait3A_107] : memref<1x80xi32, #tpu.memory_space<vmem>> -> memref<1x80xi32, #tpu.memory_space<vmem>>
      %dma_wait3A_109 = tpu.memref_squeeze %dma_wait3A_108 : memref<1x80xi32, #tpu.memory_space<vmem>> -> memref<80xi32, #tpu.memory_space<vmem>>
      %dma_wait3A_110 = arith.constant 0 : i32
      %dma_wait3A_111 = arith.constant 0 : i32
      %dma_wait3A_112 = tpu.memref_slice %arg2[%dma_wait3A_110, %dma_wait3A_111] : memref<10000x128xf32, #tpu.memory_space<hbm>> -> memref<10000x128xf32, #tpu.memory_space<hbm>>
      tpu.wait_indirect_dma semaphore(%arg13 : memref<!tpu.dma_semaphore, #tpu.memory_space<semaphore_mem>>) src(%dma_wait3A_112 : memref<10000x128xf32, #tpu.memory_space<hbm>>) dst(%arg10 : memref<80x128xf32, #tpu.memory_space<vmem>>)
      %add3A_113 = arith.constant 2 : i32
      %add3A_114 = arith.addi %mul3A_91, %add3A_113 : i32
      %min3A_115 = arith.constant 124 : i32
      %min3A_116 = arith.minsi %add3A_114, %min3A_115 : i32
      %dma_start3A_117 = arith.constant 0 : i32
      %dma_start3A_118 = arith.constant 0 : i32
      %dma_start3A_119 = tpu.memref_slice %arg7[%dma_start3A_117, %dma_start3A_118] : memref<1x80xi32, #tpu.memory_space<vmem>> -> memref<1x80xi32, #tpu.memory_space<vmem>>
      %dma_start3A_120 = tpu.memref_squeeze %dma_start3A_119 : memref<1x80xi32, #tpu.memory_space<vmem>> -> memref<80xi32, #tpu.memory_space<vmem>>
      %dma_start3A_121 = arith.constant 0 : i32
      %dma_start3A_122 = tpu.memref_slice %arg3[%add3A, %min3A_116, %dma_start3A_121] : memref<32x125x80xi32, #tpu.memory_space<hbm>> -> memref<1x1x80xi32, #tpu.memory_space<hbm>>
      %dma_start3A_123 = tpu.memref_squeeze %dma_start3A_122 : memref<1x1x80xi32, #tpu.memory_space<hbm>> -> memref<80xi32, #tpu.memory_space<hbm>>
      %dma_start3A_124 = arith.constant 0 : i32
      %dma_start3A_125 = tpu.memref_slice %arg7[%dma_start3A_117, %dma_start3A_124] : memref<1x80xi32, #tpu.memory_space<vmem>> -> memref<1x80xi32, #tpu.memory_space<vmem>>
      %dma_start3A_126 = tpu.memref_squeeze %dma_start3A_125 : memref<1x80xi32, #tpu.memory_space<vmem>> -> memref<80xi32, #tpu.memory_space<vmem>>
      %dma_start3A_127 = arith.constant 0 : i32
      %dma_start3A_128 = tpu.memref_slice %arg3[%add3A, %min3A_116, %dma_start3A_127] : memref<32x125x80xi32, #tpu.memory_space<hbm>> -> memref<1x1x80xi32, #tpu.memory_space<hbm>>
      %dma_start3A_129 = tpu.memref_squeeze %dma_start3A_128 : memref<1x1x80xi32, #tpu.memory_space<hbm>> -> memref<80xi32, #tpu.memory_space<hbm>>
      tpu.enqueue_dma source(%dma_start3A_129 : memref<80xi32, #tpu.memory_space<hbm>>) target(%dma_start3A_126 : memref<80xi32, #tpu.memory_space<vmem>>) target_semaphore(%arg15 : memref<!tpu.dma_semaphore, #tpu.memory_space<semaphore_mem>>)
      %dma_start3A_130 = arith.constant 0 : i32
      %dma_start3A_131 = arith.constant 0 : i32
      %dma_start3A_132 = tpu.memref_slice %arg8[%dma_start3A_130, %dma_start3A_131] : memref<1x80xi32, #tpu.memory_space<vmem>> -> memref<1x80xi32, #tpu.memory_space<vmem>>
      %dma_start3A_133 = tpu.memref_squeeze %dma_start3A_132 : memref<1x80xi32, #tpu.memory_space<vmem>> -> memref<80xi32, #tpu.memory_space<vmem>>
      %dma_start3A_134 = arith.constant 0 : i32
      %dma_start3A_135 = arith.constant 0 : i32
      %dma_start3A_136 = tpu.memref_slice %arg2[%dma_start3A_134, %dma_start3A_135] : memref<10000x128xf32, #tpu.memory_space<hbm>> -> memref<10000x128xf32, #tpu.memory_space<hbm>>
      tpu.enqueue_indirect_dma source(%dma_start3A_136 : memref<10000x128xf32, #tpu.memory_space<hbm>>) target(%arg11 : memref<80x128xf32, #tpu.memory_space<vmem>>) offsets(%dma_start3A_133 : memref<80xi32, #tpu.memory_space<vmem>>) semaphore(%arg14 : memref<!tpu.dma_semaphore, #tpu.memory_space<semaphore_mem>>)
      "tpu.region"() ({
        %run_scoped3A_184 = tpu.sem_alloc : memref<!tpu.dma_semaphore, #tpu.memory_space<semaphore_mem>>
        %dma_start3A_185 = arith.constant 0 : i32
        %dma_start3A_186 = tpu.memref_slice %arg9[%mul3A_91, %dma_start3A_185] : memref<125x80xi32, #tpu.memory_space<vmem>> -> memref<1x80xi32, #tpu.memory_space<vmem>>
        %dma_start3A_187 = tpu.memref_squeeze %dma_start3A_186 : memref<1x80xi32, #tpu.memory_space<vmem>> -> memref<80xi32, #tpu.memory_space<vmem>>
        %dma_start3A_188 = arith.constant 0 : i32
        %dma_start3A_189 = arith.constant 0 : i32
        %dma_start3A_190 = tpu.memref_slice %arg12[%dma_start3A_188, %dma_start3A_189] : memref<10000x128xf32, #tpu.memory_space<vmem_shared>> -> memref<10000x128xf32, #tpu.memory_space<vmem_shared>>
        tpu.enqueue_indirect_dma source(%arg10 : memref<80x128xf32, #tpu.memory_space<vmem>>) target(%dma_start3A_190 : memref<10000x128xf32, #tpu.memory_space<vmem_shared>>) offsets(%dma_start3A_187 : memref<80xi32, #tpu.memory_space<vmem>>) semaphore(%run_scoped3A_184 : memref<!tpu.dma_semaphore, #tpu.memory_space<semaphore_mem>>) {add = true}
        %dma_wait3A_191 = arith.constant 0 : i32
        %dma_wait3A_192 = tpu.memref_slice %arg9[%mul3A_91, %dma_wait3A_191] : memref<125x80xi32, #tpu.memory_space<vmem>> -> memref<1x80xi32, #tpu.memory_space<vmem>>
        %dma_wait3A_193 = tpu.memref_squeeze %dma_wait3A_192 : memref<1x80xi32, #tpu.memory_space<vmem>> -> memref<80xi32, #tpu.memory_space<vmem>>
        %dma_wait3A_194 = arith.constant 0 : i32
        %dma_wait3A_195 = arith.constant 0 : i32
        %dma_wait3A_196 = tpu.memref_slice %arg12[%dma_wait3A_194, %dma_wait3A_195] : memref<10000x128xf32, #tpu.memory_space<vmem_shared>> -> memref<10000x128xf32, #tpu.memory_space<vmem_shared>>
        tpu.wait_indirect_dma semaphore(%run_scoped3A_184 : memref<!tpu.dma_semaphore, #tpu.memory_space<semaphore_mem>>) src(%arg10 : memref<80x128xf32, #tpu.memory_space<vmem>>) dst(%dma_wait3A_196 : memref<10000x128xf32, #tpu.memory_space<vmem_shared>>)
        tpu.yield
      }) : () -> ()
      %add3A_137 = arith.constant 1 : i32
      %add3A_138 = arith.addi %mul3A_91, %add3A_137 : i32
      %dma_wait3A_139 = arith.constant 0 : i32
      %dma_wait3A_140 = arith.constant 0 : i32
      %dma_wait3A_141 = arith.constant 0 : i32
      %dma_wait3A_142 = tpu.memref_slice %arg7[%dma_wait3A_140, %dma_wait3A_141] : memref<1x80xi32, #tpu.memory_space<vmem>> -> memref<1x80xi32, #tpu.memory_space<vmem>>
      %dma_wait3A_143 = tpu.memref_squeeze %dma_wait3A_142 : memref<1x80xi32, #tpu.memory_space<vmem>> -> memref<80xi32, #tpu.memory_space<vmem>>
      %dma_wait3A_144 = arith.constant 0 : i32
      %dma_wait3A_145 = tpu.memref_slice %arg3[%add3A, %dma_wait3A_139, %dma_wait3A_144] : memref<32x125x80xi32, #tpu.memory_space<hbm>> -> memref<1x1x80xi32, #tpu.memory_space<hbm>>
      %dma_wait3A_146 = tpu.memref_squeeze %dma_wait3A_145 : memref<1x1x80xi32, #tpu.memory_space<hbm>> -> memref<80xi32, #tpu.memory_space<hbm>>
      %dma_wait3A_147 = arith.constant 0 : i32
      %dma_wait3A_148 = tpu.memref_slice %arg7[%dma_wait3A_140, %dma_wait3A_147] : memref<1x80xi32, #tpu.memory_space<vmem>> -> memref<1x80xi32, #tpu.memory_space<vmem>>
      %dma_wait3A_149 = tpu.memref_squeeze %dma_wait3A_148 : memref<1x80xi32, #tpu.memory_space<vmem>> -> memref<80xi32, #tpu.memory_space<vmem>>
      %dma_wait3A_150 = arith.constant 0 : i32
      %dma_wait3A_151 = tpu.memref_slice %arg3[%add3A, %dma_wait3A_139, %dma_wait3A_150] : memref<32x125x80xi32, #tpu.memory_space<hbm>> -> memref<1x1x80xi32, #tpu.memory_space<hbm>>
      %dma_wait3A_152 = tpu.memref_squeeze %dma_wait3A_151 : memref<1x1x80xi32, #tpu.memory_space<hbm>> -> memref<80xi32, #tpu.memory_space<hbm>>
      tpu.wait_dma2 semaphore(%arg15 : memref<!tpu.dma_semaphore, #tpu.memory_space<semaphore_mem>>) src(%dma_wait3A_152 : memref<80xi32, #tpu.memory_space<hbm>>) dst(%dma_wait3A_149 : memref<80xi32, #tpu.memory_space<vmem>>)
      %dma_wait3A_153 = arith.constant 0 : i32
      %dma_wait3A_154 = arith.constant 0 : i32
      %dma_wait3A_155 = tpu.memref_slice %arg8[%dma_wait3A_153, %dma_wait3A_154] : memref<1x80xi32, #tpu.memory_space<vmem>> -> memref<1x80xi32, #tpu.memory_space<vmem>>
      %dma_wait3A_156 = tpu.memref_squeeze %dma_wait3A_155 : memref<1x80xi32, #tpu.memory_space<vmem>> -> memref<80xi32, #tpu.memory_space<vmem>>
      %dma_wait3A_157 = arith.constant 0 : i32
      %dma_wait3A_158 = arith.constant 0 : i32
      %dma_wait3A_159 = tpu.memref_slice %arg2[%dma_wait3A_157, %dma_wait3A_158] : memref<10000x128xf32, #tpu.memory_space<hbm>> -> memref<10000x128xf32, #tpu.memory_space<hbm>>
      tpu.wait_indirect_dma semaphore(%arg14 : memref<!tpu.dma_semaphore, #tpu.memory_space<semaphore_mem>>) src(%dma_wait3A_159 : memref<10000x128xf32, #tpu.memory_space<hbm>>) dst(%arg11 : memref<80x128xf32, #tpu.memory_space<vmem>>)
      %add3A_160 = arith.constant 2 : i32
      %add3A_161 = arith.addi %add3A_138, %add3A_160 : i32
      %min3A_162 = arith.constant 124 : i32
      %min3A_163 = arith.minsi %add3A_161, %min3A_162 : i32
      %dma_start3A_164 = arith.constant 0 : i32
      %dma_start3A_165 = arith.constant 0 : i32
      %dma_start3A_166 = tpu.memref_slice %arg8[%dma_start3A_164, %dma_start3A_165] : memref<1x80xi32, #tpu.memory_space<vmem>> -> memref<1x80xi32, #tpu.memory_space<vmem>>
      %dma_start3A_167 = tpu.memref_squeeze %dma_start3A_166 : memref<1x80xi32, #tpu.memory_space<vmem>> -> memref<80xi32, #tpu.memory_space<vmem>>
      %dma_start3A_168 = arith.constant 0 : i32
      %dma_start3A_169 = tpu.memref_slice %arg3[%add3A, %min3A_163, %dma_start3A_168] : memref<32x125x80xi32, #tpu.memory_space<hbm>> -> memref<1x1x80xi32, #tpu.memory_space<hbm>>
      %dma_start3A_170 = tpu.memref_squeeze %dma_start3A_169 : memref<1x1x80xi32, #tpu.memory_space<hbm>> -> memref<80xi32, #tpu.memory_space<hbm>>
      %dma_start3A_171 = arith.constant 0 : i32
      %dma_start3A_172 = tpu.memref_slice %arg8[%dma_start3A_164, %dma_start3A_171] : memref<1x80xi32, #tpu.memory_space<vmem>> -> memref<1x80xi32, #tpu.memory_space<vmem>>
      %dma_start3A_173 = tpu.memref_squeeze %dma_start3A_172 : memref<1x80xi32, #tpu.memory_space<vmem>> -> memref<80xi32, #tpu.memory_space<vmem>>
      %dma_start3A_174 = arith.constant 0 : i32
      %dma_start3A_175 = tpu.memref_slice %arg3[%add3A, %min3A_163, %dma_start3A_174] : memref<32x125x80xi32, #tpu.memory_space<hbm>> -> memref<1x1x80xi32, #tpu.memory_space<hbm>>
      %dma_start3A_176 = tpu.memref_squeeze %dma_start3A_175 : memref<1x1x80xi32, #tpu.memory_space<hbm>> -> memref<80xi32, #tpu.memory_space<hbm>>
      tpu.enqueue_dma source(%dma_start3A_176 : memref<80xi32, #tpu.memory_space<hbm>>) target(%dma_start3A_173 : memref<80xi32, #tpu.memory_space<vmem>>) target_semaphore(%arg16 : memref<!tpu.dma_semaphore, #tpu.memory_space<semaphore_mem>>)
      %dma_start3A_177 = arith.constant 0 : i32
      %dma_start3A_178 = arith.constant 0 : i32
      %dma_start3A_179 = tpu.memref_slice %arg7[%dma_start3A_177, %dma_start3A_178] : memref<1x80xi32, #tpu.memory_space<vmem>> -> memref<1x80xi32, #tpu.memory_space<vmem>>
      %dma_start3A_180 = tpu.memref_squeeze %dma_start3A_179 : memref<1x80xi32, #tpu.memory_space<vmem>> -> memref<80xi32, #tpu.memory_space<vmem>>
      %dma_start3A_181 = arith.constant 0 : i32
      %dma_start3A_182 = arith.constant 0 : i32
      %dma_start3A_183 = tpu.memref_slice %arg2[%dma_start3A_181, %dma_start3A_182] : memref<10000x128xf32, #tpu.memory_space<hbm>> -> memref<10000x128xf32, #tpu.memory_space<hbm>>
      tpu.enqueue_indirect_dma source(%dma_start3A_183 : memref<10000x128xf32, #tpu.memory_space<hbm>>) target(%arg10 : memref<80x128xf32, #tpu.memory_space<vmem>>) offsets(%dma_start3A_180 : memref<80xi32, #tpu.memory_space<vmem>>) semaphore(%arg13 : memref<!tpu.dma_semaphore, #tpu.memory_space<semaphore_mem>>)
      "tpu.region"() ({
        %run_scoped3A_184 = tpu.sem_alloc : memref<!tpu.dma_semaphore, #tpu.memory_space<semaphore_mem>>
        %dma_start3A_185 = arith.constant 0 : i32
        %dma_start3A_186 = tpu.memref_slice %arg9[%add3A_138, %dma_start3A_185] : memref<125x80xi32, #tpu.memory_space<vmem>> -> memref<1x80xi32, #tpu.memory_space<vmem>>
        %dma_start3A_187 = tpu.memref_squeeze %dma_start3A_186 : memref<1x80xi32, #tpu.memory_space<vmem>> -> memref<80xi32, #tpu.memory_space<vmem>>
        %dma_start3A_188 = arith.constant 0 : i32
        %dma_start3A_189 = arith.constant 0 : i32
        %dma_start3A_190 = tpu.memref_slice %arg12[%dma_start3A_188, %dma_start3A_189] : memref<10000x128xf32, #tpu.memory_space<vmem_shared>> -> memref<10000x128xf32, #tpu.memory_space<vmem_shared>>
        tpu.enqueue_indirect_dma source(%arg11 : memref<80x128xf32, #tpu.memory_space<vmem>>) target(%dma_start3A_190 : memref<10000x128xf32, #tpu.memory_space<vmem_shared>>) offsets(%dma_start3A_187 : memref<80xi32, #tpu.memory_space<vmem>>) semaphore(%run_scoped3A_184 : memref<!tpu.dma_semaphore, #tpu.memory_space<semaphore_mem>>) {add = true}
        %dma_wait3A_191 = arith.constant 0 : i32
        %dma_wait3A_192 = tpu.memref_slice %arg9[%add3A_138, %dma_wait3A_191] : memref<125x80xi32, #tpu.memory_space<vmem>> -> memref<1x80xi32, #tpu.memory_space<vmem>>
        %dma_wait3A_193 = tpu.memref_squeeze %dma_wait3A_192 : memref<1x80xi32, #tpu.memory_space<vmem>> -> memref<80xi32, #tpu.memory_space<vmem>>
        %dma_wait3A_194 = arith.constant 0 : i32
        %dma_wait3A_195 = arith.constant 0 : i32
        %dma_wait3A_196 = tpu.memref_slice %arg12[%dma_wait3A_194, %dma_wait3A_195] : memref<10000x128xf32, #tpu.memory_space<vmem_shared>> -> memref<10000x128xf32, #tpu.memory_space<vmem_shared>>
        tpu.wait_indirect_dma semaphore(%run_scoped3A_184 : memref<!tpu.dma_semaphore, #tpu.memory_space<semaphore_mem>>) src(%arg11 : memref<80x128xf32, #tpu.memory_space<vmem>>) dst(%dma_wait3A_196 : memref<10000x128xf32, #tpu.memory_space<vmem_shared>>)
        tpu.yield
      }) : () -> ()
    }
    %scan3A_59 = arith.constant 62 : i32
    %dma_wait3A_60 = arith.constant 0 : i32
    %dma_wait3A_61 = arith.constant 0 : i32
    %dma_wait3A_62 = arith.constant 0 : i32
    %dma_wait3A_63 = tpu.memref_slice %arg8[%dma_wait3A_61, %dma_wait3A_62] : memref<1x80xi32, #tpu.memory_space<vmem>> -> memref<1x80xi32, #tpu.memory_space<vmem>>
    %dma_wait3A_64 = tpu.memref_squeeze %dma_wait3A_63 : memref<1x80xi32, #tpu.memory_space<vmem>> -> memref<80xi32, #tpu.memory_space<vmem>>
    %dma_wait3A_65 = arith.constant 0 : i32
    %dma_wait3A_66 = tpu.memref_slice %arg3[%add3A, %dma_wait3A_60, %dma_wait3A_65] : memref<32x125x80xi32, #tpu.memory_space<hbm>> -> memref<1x1x80xi32, #tpu.memory_space<hbm>>
    %dma_wait3A_67 = tpu.memref_squeeze %dma_wait3A_66 : memref<1x1x80xi32, #tpu.memory_space<hbm>> -> memref<80xi32, #tpu.memory_space<hbm>>
    %dma_wait3A_68 = arith.constant 0 : i32
    %dma_wait3A_69 = tpu.memref_slice %arg8[%dma_wait3A_61, %dma_wait3A_68] : memref<1x80xi32, #tpu.memory_space<vmem>> -> memref<1x80xi32, #tpu.memory_space<vmem>>
    %dma_wait3A_70 = tpu.memref_squeeze %dma_wait3A_69 : memref<1x80xi32, #tpu.memory_space<vmem>> -> memref<80xi32, #tpu.memory_space<vmem>>
    %dma_wait3A_71 = arith.constant 0 : i32
    %dma_wait3A_72 = tpu.memref_slice %arg3[%add3A, %dma_wait3A_60, %dma_wait3A_71] : memref<32x125x80xi32, #tpu.memory_space<hbm>> -> memref<1x1x80xi32, #tpu.memory_space<hbm>>
    %dma_wait3A_73 = tpu.memref_squeeze %dma_wait3A_72 : memref<1x1x80xi32, #tpu.memory_space<hbm>> -> memref<80xi32, #tpu.memory_space<hbm>>
    tpu.wait_dma2 semaphore(%arg16 : memref<!tpu.dma_semaphore, #tpu.memory_space<semaphore_mem>>) src(%dma_wait3A_73 : memref<80xi32, #tpu.memory_space<hbm>>) dst(%dma_wait3A_70 : memref<80xi32, #tpu.memory_space<vmem>>)
    %dma_wait3A_74 = arith.constant 0 : i32
    %dma_wait3A_75 = arith.constant 0 : i32
    %dma_wait3A_76 = tpu.memref_slice %arg7[%dma_wait3A_74, %dma_wait3A_75] : memref<1x80xi32, #tpu.memory_space<vmem>> -> memref<1x80xi32, #tpu.memory_space<vmem>>
    %dma_wait3A_77 = tpu.memref_squeeze %dma_wait3A_76 : memref<1x80xi32, #tpu.memory_space<vmem>> -> memref<80xi32, #tpu.memory_space<vmem>>
    %dma_wait3A_78 = arith.constant 0 : i32
    %dma_wait3A_79 = arith.constant 0 : i32
    %dma_wait3A_80 = tpu.memref_slice %arg2[%dma_wait3A_78, %dma_wait3A_79] : memref<10000x128xf32, #tpu.memory_space<hbm>> -> memref<10000x128xf32, #tpu.memory_space<hbm>>
    tpu.wait_indirect_dma semaphore(%arg13 : memref<!tpu.dma_semaphore, #tpu.memory_space<semaphore_mem>>) src(%dma_wait3A_80 : memref<10000x128xf32, #tpu.memory_space<hbm>>) dst(%arg10 : memref<80x128xf32, #tpu.memory_space<vmem>>)
    %run_scoped3A = arith.constant 124 : i32
    "tpu.region"() ({
      %run_scoped3A_89 = tpu.sem_alloc : memref<!tpu.dma_semaphore, #tpu.memory_space<semaphore_mem>>
      %dma_start3A_90 = arith.constant 0 : i32
      %dma_start3A_91 = tpu.memref_slice %arg9[%run_scoped3A, %dma_start3A_90] : memref<125x80xi32, #tpu.memory_space<vmem>> -> memref<1x80xi32, #tpu.memory_space<vmem>>
      %dma_start3A_92 = tpu.memref_squeeze %dma_start3A_91 : memref<1x80xi32, #tpu.memory_space<vmem>> -> memref<80xi32, #tpu.memory_space<vmem>>
      %dma_start3A_93 = arith.constant 0 : i32
      %dma_start3A_94 = arith.constant 0 : i32
      %dma_start3A_95 = tpu.memref_slice %arg12[%dma_start3A_93, %dma_start3A_94] : memref<10000x128xf32, #tpu.memory_space<vmem_shared>> -> memref<10000x128xf32, #tpu.memory_space<vmem_shared>>
      tpu.enqueue_indirect_dma source(%arg10 : memref<80x128xf32, #tpu.memory_space<vmem>>) target(%dma_start3A_95 : memref<10000x128xf32, #tpu.memory_space<vmem_shared>>) offsets(%dma_start3A_92 : memref<80xi32, #tpu.memory_space<vmem>>) semaphore(%run_scoped3A_89 : memref<!tpu.dma_semaphore, #tpu.memory_space<semaphore_mem>>) {add = true}
      %dma_wait3A_96 = arith.constant 0 : i32
      %dma_wait3A_97 = tpu.memref_slice %arg9[%run_scoped3A, %dma_wait3A_96] : memref<125x80xi32, #tpu.memory_space<vmem>> -> memref<1x80xi32, #tpu.memory_space<vmem>>
      %dma_wait3A_98 = tpu.memref_squeeze %dma_wait3A_97 : memref<1x80xi32, #tpu.memory_space<vmem>> -> memref<80xi32, #tpu.memory_space<vmem>>
      %dma_wait3A_99 = arith.constant 0 : i32
      %dma_wait3A_100 = arith.constant 0 : i32
      %dma_wait3A_101 = tpu.memref_slice %arg12[%dma_wait3A_99, %dma_wait3A_100] : memref<10000x128xf32, #tpu.memory_space<vmem_shared>> -> memref<10000x128xf32, #tpu.memory_space<vmem_shared>>
      tpu.wait_indirect_dma semaphore(%run_scoped3A_89 : memref<!tpu.dma_semaphore, #tpu.memory_space<semaphore_mem>>) src(%arg10 : memref<80x128xf32, #tpu.memory_space<vmem>>) dst(%dma_wait3A_101 : memref<10000x128xf32, #tpu.memory_space<vmem_shared>>)
      tpu.yield
    }) : () -> ()
    %barrier3A_81 = arith.constant 0 : index
    tpu.barrier barrier_id(%barrier3A_81)
    %mul3A_82 = arith.constant 624 : i32
    %mul3A_83 = arith.muli %arg1, %mul3A_82 : i32
    "tpu.region"() ({
      %run_scoped3A_89 = tpu.sem_alloc : memref<!tpu.dma_semaphore, #tpu.memory_space<semaphore_mem>>
      %dma_start3A_90 = arith.constant 0 : i32
      %dma_start3A_91 = tpu.memref_slice %arg6[%arg0, %mul3A_83, %dma_start3A_90] : memref<2x10000x128xf32, #tpu.memory_space<hbm>> -> memref<1x624x128xf32, #tpu.memory_space<hbm>>
      %dma_start3A_92 = tpu.memref_squeeze %dma_start3A_91 : memref<1x624x128xf32, #tpu.memory_space<hbm>> -> memref<624x128xf32, #tpu.memory_space<hbm>>
      %dma_start3A_93 = arith.constant 0 : i32
      %dma_start3A_94 = tpu.memref_slice %arg12[%mul3A_83, %dma_start3A_93] : memref<10000x128xf32, #tpu.memory_space<vmem_shared>> -> memref<624x128xf32, #tpu.memory_space<vmem_shared>>
      tpu.enqueue_dma source(%dma_start3A_94 : memref<624x128xf32, #tpu.memory_space<vmem_shared>>) target(%dma_start3A_92 : memref<624x128xf32, #tpu.memory_space<hbm>>) target_semaphore(%run_scoped3A_89 : memref<!tpu.dma_semaphore, #tpu.memory_space<semaphore_mem>>)
      %dma_wait3A_95 = arith.constant 0 : i32
      %dma_wait3A_96 = tpu.memref_slice %arg6[%arg0, %mul3A_83, %dma_wait3A_95] : memref<2x10000x128xf32, #tpu.memory_space<hbm>> -> memref<1x624x128xf32, #tpu.memory_space<hbm>>
      %dma_wait3A_97 = tpu.memref_squeeze %dma_wait3A_96 : memref<1x624x128xf32, #tpu.memory_space<hbm>> -> memref<624x128xf32, #tpu.memory_space<hbm>>
      %dma_wait3A_98 = arith.constant 0 : i32
      %dma_wait3A_99 = tpu.memref_slice %arg12[%mul3A_83, %dma_wait3A_98] : memref<10000x128xf32, #tpu.memory_space<vmem_shared>> -> memref<624x128xf32, #tpu.memory_space<vmem_shared>>
      tpu.wait_dma2 semaphore(%run_scoped3A_89 : memref<!tpu.dma_semaphore, #tpu.memory_space<semaphore_mem>>) src(%dma_wait3A_99 : memref<624x128xf32, #tpu.memory_space<vmem_shared>>) dst(%dma_wait3A_97 : memref<624x128xf32, #tpu.memory_space<hbm>>)
      tpu.yield
    }) : () -> ()
    %eq3A_84 = arith.constant 15 : i32
    %eq3A_85 = arith.cmpi eq, %arg1, %eq3A_84 : i32
    %convert_element_type3A_86 = arith.extui %eq3A_85 : i1 to i32
    %cond3A_87 = arith.constant 0 : i32
    %cond3A_88 = arith.cmpi ne, %convert_element_type3A_86, %cond3A_87 : i32
    scf.if %cond3A_88 {
      "tpu.region"() ({
        %run_scoped3A_89 = tpu.sem_alloc : memref<!tpu.dma_semaphore, #tpu.memory_space<semaphore_mem>>
        %dma_start3A_90 = arith.constant 9984 : i32
        %dma_start3A_91 = arith.constant 0 : i32
        %dma_start3A_92 = tpu.memref_slice %arg6[%arg0, %dma_start3A_90, %dma_start3A_91] : memref<2x10000x128xf32, #tpu.memory_space<hbm>> -> memref<1x16x128xf32, #tpu.memory_space<hbm>>
        %dma_start3A_93 = tpu.memref_squeeze %dma_start3A_92 : memref<1x16x128xf32, #tpu.memory_space<hbm>> -> memref<16x128xf32, #tpu.memory_space<hbm>>
        %dma_start3A_94 = arith.constant 9984 : i32
        %dma_start3A_95 = arith.constant 0 : i32
        %dma_start3A_96 = tpu.memref_slice %arg12[%dma_start3A_94, %dma_start3A_95] : memref<10000x128xf32, #tpu.memory_space<vmem_shared>> -> memref<16x128xf32, #tpu.memory_space<vmem_shared>>
        tpu.enqueue_dma source(%dma_start3A_96 : memref<16x128xf32, #tpu.memory_space<vmem_shared>>) target(%dma_start3A_93 : memref<16x128xf32, #tpu.memory_space<hbm>>) target_semaphore(%run_scoped3A_89 : memref<!tpu.dma_semaphore, #tpu.memory_space<semaphore_mem>>)
        %dma_wait3A_97 = arith.constant 9984 : i32
        %dma_wait3A_98 = arith.constant 0 : i32
        %dma_wait3A_99 = tpu.memref_slice %arg6[%arg0, %dma_wait3A_97, %dma_wait3A_98] : memref<2x10000x128xf32, #tpu.memory_space<hbm>> -> memref<1x16x128xf32, #tpu.memory_space<hbm>>
        %dma_wait3A_100 = tpu.memref_squeeze %dma_wait3A_99 : memref<1x16x128xf32, #tpu.memory_space<hbm>> -> memref<16x128xf32, #tpu.memory_space<hbm>>
        %dma_wait3A_101 = arith.constant 9984 : i32
        %dma_wait3A_102 = arith.constant 0 : i32
        %dma_wait3A_103 = tpu.memref_slice %arg12[%dma_wait3A_101, %dma_wait3A_102] : memref<10000x128xf32, #tpu.memory_space<vmem_shared>> -> memref<16x128xf32, #tpu.memory_space<vmem_shared>>
        tpu.wait_dma2 semaphore(%run_scoped3A_89 : memref<!tpu.dma_semaphore, #tpu.memory_space<semaphore_mem>>) src(%dma_wait3A_103 : memref<16x128xf32, #tpu.memory_space<vmem_shared>>) dst(%dma_wait3A_100 : memref<16x128xf32, #tpu.memory_space<hbm>>)
        tpu.yield
      }) : () -> ()
    } else {
    }
    return
  }
}

#map = affine_map<(d0, d1) -> (0, 0)>
#map1 = affine_map<(d0, d1) -> (0, 0, 0)>
module attributes {stable_mosaic.version = 14 : i64} {
  func.func @_agg_kernel(%arg0: i32, %arg1: i32, %arg2: memref<10000x128xf32, #tpu.memory_space<hbm>>, %arg3: memref<32x125x80xi32, #tpu.memory_space<hbm>>, %arg4: memref<32x125x80xi32, #tpu.memory_space<hbm>>, %arg5: memref<10000x128xf32, #tpu.memory_space<hbm>>, %arg6: memref<2x10000x128xf32, #tpu.memory_space<hbm>>, %arg7: memref<1x80xi32, #tpu.memory_space<vmem>>, %arg8: memref<1x80xi32, #tpu.memory_space<vmem>>, %arg9: memref<125x80xi32, #tpu.memory_space<vmem>>, %arg10: memref<80x128xf32, #tpu.memory_space<vmem>>, %arg11: memref<80x128xf32, #tpu.memory_space<vmem>>, %arg12: memref<10000x128xf32, #tpu.memory_space<vmem_shared>>, %arg13: memref<!tpu.dma_semaphore, #tpu.memory_space<semaphore_mem>>, %arg14: memref<!tpu.dma_semaphore, #tpu.memory_space<semaphore_mem>>, %arg15: memref<!tpu.dma_semaphore, #tpu.memory_space<semaphore_mem>>, %arg16: memref<!tpu.dma_semaphore, #tpu.memory_space<semaphore_mem>>) attributes {dimension_semantics = [#tpu.dimension_semantics<core_parallel>, #tpu.dimension_semantics<subcore_parallel>], iteration_bounds = array<i64: 2, 16>, scalar_prefetch = 0 : i64, scratch_operands = 10 : i64, tpu.core_type = #tpu.core_type<sc_vector_subcore>, window_params = [{transform_indices = #map}, {transform_indices = #map1}, {transform_indices = #map1}, {transform_indices = #map}, {transform_indices = #map1}]} {
    %mul3A = arith.constant 2 : i32
    %mul3A_0 = arith.muli %arg1, %mul3A : i32
    %add3A = arith.addi %mul3A_0, %arg0 : i32
    %mul3A_1 = arith.constant 624 : i32
    %mul3A_2 = arith.muli %arg1, %mul3A_1 : i32
    "tpu.region"() ({
      %run_scoped3A_89 = tpu.sem_alloc : memref<!tpu.dma_semaphore, #tpu.memory_space<semaphore_mem>>
      %dma_start3A_90 = arith.constant 0 : i32
      %dma_start3A_91 = tpu.memref_slice %arg12[%mul3A_2, %dma_start3A_90] : memref<10000x128xf32, #tpu.memory_space<vmem_shared>> -> memref<624x128xf32, #tpu.memory_space<vmem_shared>>
      %dma_start3A_92 = arith.constant 0 : i32
      %dma_start3A_93 = tpu.memref_slice %arg5[%mul3A_2, %dma_start3A_92] : memref<10000x128xf32, #tpu.memory_space<hbm>> -> memref<624x128xf32, #tpu.memory_space<hbm>>
      tpu.enqueue_dma source(%dma_start3A_93 : memref<624x128xf32, #tpu.memory_space<hbm>>) target(%dma_start3A_91 : memref<624x128xf32, #tpu.memory_space<vmem_shared>>) target_semaphore(%run_scoped3A_89 : memref<!tpu.dma_semaphore, #tpu.memory_space<semaphore_mem>>)
      %dma_wait3A_94 = arith.constant 0 : i32
      %dma_wait3A_95 = tpu.memref_slice %arg12[%mul3A_2, %dma_wait3A_94] : memref<10000x128xf32, #tpu.memory_space<vmem_shared>> -> memref<624x128xf32, #tpu.memory_space<vmem_shared>>
      %dma_wait3A_96 = arith.constant 0 : i32
      %dma_wait3A_97 = tpu.memref_slice %arg5[%mul3A_2, %dma_wait3A_96] : memref<10000x128xf32, #tpu.memory_space<hbm>> -> memref<624x128xf32, #tpu.memory_space<hbm>>
      tpu.wait_dma2 semaphore(%run_scoped3A_89 : memref<!tpu.dma_semaphore, #tpu.memory_space<semaphore_mem>>) src(%dma_wait3A_97 : memref<624x128xf32, #tpu.memory_space<hbm>>) dst(%dma_wait3A_95 : memref<624x128xf32, #tpu.memory_space<vmem_shared>>)
      tpu.yield
    }) : () -> ()
    %eq3A = arith.constant 15 : i32
    %eq3A_3 = arith.cmpi eq, %arg1, %eq3A : i32
    %convert_element_type3A = arith.extui %eq3A_3 : i1 to i32
    %cond3A = arith.constant 0 : i32
    %cond3A_4 = arith.cmpi ne, %convert_element_type3A, %cond3A : i32
    scf.if %cond3A_4 {
      "tpu.region"() ({
        %run_scoped3A_89 = tpu.sem_alloc : memref<!tpu.dma_semaphore, #tpu.memory_space<semaphore_mem>>
        %dma_start3A_90 = arith.constant 9984 : i32
        %dma_start3A_91 = arith.constant 0 : i32
        %dma_start3A_92 = tpu.memref_slice %arg12[%dma_start3A_90, %dma_start3A_91] : memref<10000x128xf32, #tpu.memory_space<vmem_shared>> -> memref<16x128xf32, #tpu.memory_space<vmem_shared>>
        %dma_start3A_93 = arith.constant 9984 : i32
        %dma_start3A_94 = arith.constant 0 : i32
        %dma_start3A_95 = tpu.memref_slice %arg5[%dma_start3A_93, %dma_start3A_94] : memref<10000x128xf32, #tpu.memory_space<hbm>> -> memref<16x128xf32, #tpu.memory_space<hbm>>
        tpu.enqueue_dma source(%dma_start3A_95 : memref<16x128xf32, #tpu.memory_space<hbm>>) target(%dma_start3A_92 : memref<16x128xf32, #tpu.memory_space<vmem_shared>>) target_semaphore(%run_scoped3A_89 : memref<!tpu.dma_semaphore, #tpu.memory_space<semaphore_mem>>)
        %dma_wait3A_96 = arith.constant 9984 : i32
        %dma_wait3A_97 = arith.constant 0 : i32
        %dma_wait3A_98 = tpu.memref_slice %arg12[%dma_wait3A_96, %dma_wait3A_97] : memref<10000x128xf32, #tpu.memory_space<vmem_shared>> -> memref<16x128xf32, #tpu.memory_space<vmem_shared>>
        %dma_wait3A_99 = arith.constant 9984 : i32
        %dma_wait3A_100 = arith.constant 0 : i32
        %dma_wait3A_101 = tpu.memref_slice %arg5[%dma_wait3A_99, %dma_wait3A_100] : memref<10000x128xf32, #tpu.memory_space<hbm>> -> memref<16x128xf32, #tpu.memory_space<hbm>>
        tpu.wait_dma2 semaphore(%run_scoped3A_89 : memref<!tpu.dma_semaphore, #tpu.memory_space<semaphore_mem>>) src(%dma_wait3A_101 : memref<16x128xf32, #tpu.memory_space<hbm>>) dst(%dma_wait3A_98 : memref<16x128xf32, #tpu.memory_space<vmem_shared>>)
        tpu.yield
      }) : () -> ()
    } else {
    }
    "tpu.region"() ({
      %run_scoped3A_89 = tpu.sem_alloc : memref<!tpu.dma_semaphore, #tpu.memory_space<semaphore_mem>>
      %dma_start3A_90 = arith.constant 0 : i32
      %dma_start3A_91 = arith.constant 0 : i32
      %dma_start3A_92 = tpu.memref_slice %arg4[%add3A, %dma_start3A_90, %dma_start3A_91] : memref<32x125x80xi32, #tpu.memory_space<hbm>> -> memref<1x125x80xi32, #tpu.memory_space<hbm>>
      %dma_start3A_93 = tpu.memref_squeeze %dma_start3A_92 : memref<1x125x80xi32, #tpu.memory_space<hbm>> -> memref<125x80xi32, #tpu.memory_space<hbm>>
      %dma_start3A_94 = arith.constant 0 : i32
      %dma_start3A_95 = arith.constant 0 : i32
      %dma_start3A_96 = tpu.memref_slice %arg4[%add3A, %dma_start3A_94, %dma_start3A_95] : memref<32x125x80xi32, #tpu.memory_space<hbm>> -> memref<1x125x80xi32, #tpu.memory_space<hbm>>
      %dma_start3A_97 = tpu.memref_squeeze %dma_start3A_96 : memref<1x125x80xi32, #tpu.memory_space<hbm>> -> memref<125x80xi32, #tpu.memory_space<hbm>>
      tpu.enqueue_dma source(%dma_start3A_97 : memref<125x80xi32, #tpu.memory_space<hbm>>) target(%arg9 : memref<125x80xi32, #tpu.memory_space<vmem>>) target_semaphore(%run_scoped3A_89 : memref<!tpu.dma_semaphore, #tpu.memory_space<semaphore_mem>>)
      %dma_wait3A_98 = arith.constant 0 : i32
      %dma_wait3A_99 = arith.constant 0 : i32
      %dma_wait3A_100 = tpu.memref_slice %arg4[%add3A, %dma_wait3A_98, %dma_wait3A_99] : memref<32x125x80xi32, #tpu.memory_space<hbm>> -> memref<1x125x80xi32, #tpu.memory_space<hbm>>
      %dma_wait3A_101 = tpu.memref_squeeze %dma_wait3A_100 : memref<1x125x80xi32, #tpu.memory_space<hbm>> -> memref<125x80xi32, #tpu.memory_space<hbm>>
      %dma_wait3A_102 = arith.constant 0 : i32
      %dma_wait3A_103 = arith.constant 0 : i32
      %dma_wait3A_104 = tpu.memref_slice %arg4[%add3A, %dma_wait3A_102, %dma_wait3A_103] : memref<32x125x80xi32, #tpu.memory_space<hbm>> -> memref<1x125x80xi32, #tpu.memory_space<hbm>>
      %dma_wait3A_105 = tpu.memref_squeeze %dma_wait3A_104 : memref<1x125x80xi32, #tpu.memory_space<hbm>> -> memref<125x80xi32, #tpu.memory_space<hbm>>
      tpu.wait_dma2 semaphore(%run_scoped3A_89 : memref<!tpu.dma_semaphore, #tpu.memory_space<semaphore_mem>>) src(%dma_wait3A_105 : memref<125x80xi32, #tpu.memory_space<hbm>>) dst(%arg9 : memref<125x80xi32, #tpu.memory_space<vmem>>)
      tpu.yield
    }) : () -> ()
    %barrier3A = arith.constant 0 : index
    tpu.barrier barrier_id(%barrier3A)
    %min3A = arith.constant 0 : i32
    %min3A_5 = arith.constant 124 : i32
    %min3A_6 = arith.minsi %min3A, %min3A_5 : i32
    %dma_start3A = arith.constant 0 : i32
    %dma_start3A_7 = arith.constant 0 : i32
    %dma_start3A_8 = tpu.memref_slice %arg7[%dma_start3A, %dma_start3A_7] : memref<1x80xi32, #tpu.memory_space<vmem>> -> memref<1x80xi32, #tpu.memory_space<vmem>>
    %dma_start3A_9 = tpu.memref_squeeze %dma_start3A_8 : memref<1x80xi32, #tpu.memory_space<vmem>> -> memref<80xi32, #tpu.memory_space<vmem>>
    %dma_start3A_10 = arith.constant 0 : i32
    %dma_start3A_11 = tpu.memref_slice %arg3[%add3A, %min3A_6, %dma_start3A_10] : memref<32x125x80xi32, #tpu.memory_space<hbm>> -> memref<1x1x80xi32, #tpu.memory_space<hbm>>
    %dma_start3A_12 = tpu.memref_squeeze %dma_start3A_11 : memref<1x1x80xi32, #tpu.memory_space<hbm>> -> memref<80xi32, #tpu.memory_space<hbm>>
    %dma_start3A_13 = arith.constant 0 : i32
    %dma_start3A_14 = tpu.memref_slice %arg7[%dma_start3A, %dma_start3A_13] : memref<1x80xi32, #tpu.memory_space<vmem>> -> memref<1x80xi32, #tpu.memory_space<vmem>>
    %dma_start3A_15 = tpu.memref_squeeze %dma_start3A_14 : memref<1x80xi32, #tpu.memory_space<vmem>> -> memref<80xi32, #tpu.memory_space<vmem>>
    %dma_start3A_16 = arith.constant 0 : i32
    %dma_start3A_17 = tpu.memref_slice %arg3[%add3A, %min3A_6, %dma_start3A_16] : memref<32x125x80xi32, #tpu.memory_space<hbm>> -> memref<1x1x80xi32, #tpu.memory_space<hbm>>
    %dma_start3A_18 = tpu.memref_squeeze %dma_start3A_17 : memref<1x1x80xi32, #tpu.memory_space<hbm>> -> memref<80xi32, #tpu.memory_space<hbm>>
    tpu.enqueue_dma source(%dma_start3A_18 : memref<80xi32, #tpu.memory_space<hbm>>) target(%dma_start3A_15 : memref<80xi32, #tpu.memory_space<vmem>>) target_semaphore(%arg15 : memref<!tpu.dma_semaphore, #tpu.memory_space<semaphore_mem>>)
    %min3A_19 = arith.constant 1 : i32
    %min3A_20 = arith.constant 124 : i32
    %min3A_21 = arith.minsi %min3A_19, %min3A_20 : i32
    %dma_start3A_22 = arith.constant 0 : i32
    %dma_start3A_23 = arith.constant 0 : i32
    %dma_start3A_24 = tpu.memref_slice %arg8[%dma_start3A_22, %dma_start3A_23] : memref<1x80xi32, #tpu.memory_space<vmem>> -> memref<1x80xi32, #tpu.memory_space<vmem>>
    %dma_start3A_25 = tpu.memref_squeeze %dma_start3A_24 : memref<1x80xi32, #tpu.memory_space<vmem>> -> memref<80xi32, #tpu.memory_space<vmem>>
    %dma_start3A_26 = arith.constant 0 : i32
    %dma_start3A_27 = tpu.memref_slice %arg3[%add3A, %min3A_21, %dma_start3A_26] : memref<32x125x80xi32, #tpu.memory_space<hbm>> -> memref<1x1x80xi32, #tpu.memory_space<hbm>>
    %dma_start3A_28 = tpu.memref_squeeze %dma_start3A_27 : memref<1x1x80xi32, #tpu.memory_space<hbm>> -> memref<80xi32, #tpu.memory_space<hbm>>
    %dma_start3A_29 = arith.constant 0 : i32
    %dma_start3A_30 = tpu.memref_slice %arg8[%dma_start3A_22, %dma_start3A_29] : memref<1x80xi32, #tpu.memory_space<vmem>> -> memref<1x80xi32, #tpu.memory_space<vmem>>
    %dma_start3A_31 = tpu.memref_squeeze %dma_start3A_30 : memref<1x80xi32, #tpu.memory_space<vmem>> -> memref<80xi32, #tpu.memory_space<vmem>>
    %dma_start3A_32 = arith.constant 0 : i32
    %dma_start3A_33 = tpu.memref_slice %arg3[%add3A, %min3A_21, %dma_start3A_32] : memref<32x125x80xi32, #tpu.memory_space<hbm>> -> memref<1x1x80xi32, #tpu.memory_space<hbm>>
    %dma_start3A_34 = tpu.memref_squeeze %dma_start3A_33 : memref<1x1x80xi32, #tpu.memory_space<hbm>> -> memref<80xi32, #tpu.memory_space<hbm>>
    tpu.enqueue_dma source(%dma_start3A_34 : memref<80xi32, #tpu.memory_space<hbm>>) target(%dma_start3A_31 : memref<80xi32, #tpu.memory_space<vmem>>) target_semaphore(%arg16 : memref<!tpu.dma_semaphore, #tpu.memory_space<semaphore_mem>>)
    %dma_wait3A = arith.constant 0 : i32
    %dma_wait3A_35 = arith.constant 0 : i32
    %dma_wait3A_36 = arith.constant 0 : i32
    %dma_wait3A_37 = tpu.memref_slice %arg7[%dma_wait3A_35, %dma_wait3A_36] : memref<1x80xi32, #tpu.memory_space<vmem>> -> memref<1x80xi32, #tpu.memory_space<vmem>>
    %dma_wait3A_38 = tpu.memref_squeeze %dma_wait3A_37 : memref<1x80xi32, #tpu.memory_space<vmem>> -> memref<80xi32, #tpu.memory_space<vmem>>
    %dma_wait3A_39 = arith.constant 0 : i32
    %dma_wait3A_40 = tpu.memref_slice %arg3[%add3A, %dma_wait3A, %dma_wait3A_39] : memref<32x125x80xi32, #tpu.memory_space<hbm>> -> memref<1x1x80xi32, #tpu.memory_space<hbm>>
    %dma_wait3A_41 = tpu.memref_squeeze %dma_wait3A_40 : memref<1x1x80xi32, #tpu.memory_space<hbm>> -> memref<80xi32, #tpu.memory_space<hbm>>
    %dma_wait3A_42 = arith.constant 0 : i32
    %dma_wait3A_43 = tpu.memref_slice %arg7[%dma_wait3A_35, %dma_wait3A_42] : memref<1x80xi32, #tpu.memory_space<vmem>> -> memref<1x80xi32, #tpu.memory_space<vmem>>
    %dma_wait3A_44 = tpu.memref_squeeze %dma_wait3A_43 : memref<1x80xi32, #tpu.memory_space<vmem>> -> memref<80xi32, #tpu.memory_space<vmem>>
    %dma_wait3A_45 = arith.constant 0 : i32
    %dma_wait3A_46 = tpu.memref_slice %arg3[%add3A, %dma_wait3A, %dma_wait3A_45] : memref<32x125x80xi32, #tpu.memory_space<hbm>> -> memref<1x1x80xi32, #tpu.memory_space<hbm>>
    %dma_wait3A_47 = tpu.memref_squeeze %dma_wait3A_46 : memref<1x1x80xi32, #tpu.memory_space<hbm>> -> memref<80xi32, #tpu.memory_space<hbm>>
    tpu.wait_dma2 semaphore(%arg15 : memref<!tpu.dma_semaphore, #tpu.memory_space<semaphore_mem>>) src(%dma_wait3A_47 : memref<80xi32, #tpu.memory_space<hbm>>) dst(%dma_wait3A_44 : memref<80xi32, #tpu.memory_space<vmem>>)
    %dma_start3A_48 = arith.constant 0 : i32
    %dma_start3A_49 = arith.constant 0 : i32
    %dma_start3A_50 = tpu.memref_slice %arg7[%dma_start3A_48, %dma_start3A_49] : memref<1x80xi32, #tpu.memory_space<vmem>> -> memref<1x80xi32, #tpu.memory_space<vmem>>
    %dma_start3A_51 = tpu.memref_squeeze %dma_start3A_50 : memref<1x80xi32, #tpu.memory_space<vmem>> -> memref<80xi32, #tpu.memory_space<vmem>>
    %dma_start3A_52 = arith.constant 0 : i32
    %dma_start3A_53 = arith.constant 0 : i32
    %dma_start3A_54 = tpu.memref_slice %arg2[%dma_start3A_52, %dma_start3A_53] : memref<10000x128xf32, #tpu.memory_space<hbm>> -> memref<10000x128xf32, #tpu.memory_space<hbm>>
    tpu.enqueue_indirect_dma source(%dma_start3A_54 : memref<10000x128xf32, #tpu.memory_space<hbm>>) target(%arg10 : memref<80x128xf32, #tpu.memory_space<vmem>>) offsets(%dma_start3A_51 : memref<80xi32, #tpu.memory_space<vmem>>) semaphore(%arg13 : memref<!tpu.dma_semaphore, #tpu.memory_space<semaphore_mem>>)
    %scan3A = arith.constant 0 : i32
    %scan3A_55 = arith.constant 0 : i32
    %scan3A_56 = arith.constant 62 : i32
    %scan3A_57 = arith.addi %scan3A_55, %scan3A_56 : i32
    %scan3A_58 = arith.constant 1 : i32
    scf.for %scan3A_89 = %scan3A_55 to %scan3A_57 step %scan3A_58  : i32 {
      %mul3A_90 = arith.constant 2 : i32
      %mul3A_91 = arith.muli %mul3A_90, %scan3A_89 : i32
      %dma_wait3A_92 = arith.constant 0 : i32
      %dma_wait3A_93 = arith.constant 0 : i32
      %dma_wait3A_94 = arith.constant 0 : i32
      %dma_wait3A_95 = tpu.memref_slice %arg8[%dma_wait3A_93, %dma_wait3A_94] : memref<1x80xi32, #tpu.memory_space<vmem>> -> memref<1x80xi32, #tpu.memory_space<vmem>>
      %dma_wait3A_96 = tpu.memref_squeeze %dma_wait3A_95 : memref<1x80xi32, #tpu.memory_space<vmem>> -> memref<80xi32, #tpu.memory_space<vmem>>
      %dma_wait3A_97 = arith.constant 0 : i32
      %dma_wait3A_98 = tpu.memref_slice %arg3[%add3A, %dma_wait3A_92, %dma_wait3A_97] : memref<32x125x80xi32, #tpu.memory_space<hbm>> -> memref<1x1x80xi32, #tpu.memory_space<hbm>>
      %dma_wait3A_99 = tpu.memref_squeeze %dma_wait3A_98 : memref<1x1x80xi32, #tpu.memory_space<hbm>> -> memref<80xi32, #tpu.memory_space<hbm>>
      %dma_wait3A_100 = arith.constant 0 : i32
      %dma_wait3A_101 = tpu.memref_slice %arg8[%dma_wait3A_93, %dma_wait3A_100] : memref<1x80xi32, #tpu.memory_space<vmem>> -> memref<1x80xi32, #tpu.memory_space<vmem>>
      %dma_wait3A_102 = tpu.memref_squeeze %dma_wait3A_101 : memref<1x80xi32, #tpu.memory_space<vmem>> -> memref<80xi32, #tpu.memory_space<vmem>>
      %dma_wait3A_103 = arith.constant 0 : i32
      %dma_wait3A_104 = tpu.memref_slice %arg3[%add3A, %dma_wait3A_92, %dma_wait3A_103] : memref<32x125x80xi32, #tpu.memory_space<hbm>> -> memref<1x1x80xi32, #tpu.memory_space<hbm>>
      %dma_wait3A_105 = tpu.memref_squeeze %dma_wait3A_104 : memref<1x1x80xi32, #tpu.memory_space<hbm>> -> memref<80xi32, #tpu.memory_space<hbm>>
      tpu.wait_dma2 semaphore(%arg16 : memref<!tpu.dma_semaphore, #tpu.memory_space<semaphore_mem>>) src(%dma_wait3A_105 : memref<80xi32, #tpu.memory_space<hbm>>) dst(%dma_wait3A_102 : memref<80xi32, #tpu.memory_space<vmem>>)
      %dma_wait3A_106 = arith.constant 0 : i32
      %dma_wait3A_107 = arith.constant 0 : i32
      %dma_wait3A_108 = tpu.memref_slice %arg7[%dma_wait3A_106, %dma_wait3A_107] : memref<1x80xi32, #tpu.memory_space<vmem>> -> memref<1x80xi32, #tpu.memory_space<vmem>>
      %dma_wait3A_109 = tpu.memref_squeeze %dma_wait3A_108 : memref<1x80xi32, #tpu.memory_space<vmem>> -> memref<80xi32, #tpu.memory_space<vmem>>
      %dma_wait3A_110 = arith.constant 0 : i32
      %dma_wait3A_111 = arith.constant 0 : i32
      %dma_wait3A_112 = tpu.memref_slice %arg2[%dma_wait3A_110, %dma_wait3A_111] : memref<10000x128xf32, #tpu.memory_space<hbm>> -> memref<10000x128xf32, #tpu.memory_space<hbm>>
      tpu.wait_indirect_dma semaphore(%arg13 : memref<!tpu.dma_semaphore, #tpu.memory_space<semaphore_mem>>) src(%dma_wait3A_112 : memref<10000x128xf32, #tpu.memory_space<hbm>>) dst(%arg10 : memref<80x128xf32, #tpu.memory_space<vmem>>)
      %add3A_113 = arith.constant 2 : i32
      %add3A_114 = arith.addi %mul3A_91, %add3A_113 : i32
      %min3A_115 = arith.constant 124 : i32
      %min3A_116 = arith.minsi %add3A_114, %min3A_115 : i32
      %dma_start3A_117 = arith.constant 0 : i32
      %dma_start3A_118 = arith.constant 0 : i32
      %dma_start3A_119 = tpu.memref_slice %arg7[%dma_start3A_117, %dma_start3A_118] : memref<1x80xi32, #tpu.memory_space<vmem>> -> memref<1x80xi32, #tpu.memory_space<vmem>>
      %dma_start3A_120 = tpu.memref_squeeze %dma_start3A_119 : memref<1x80xi32, #tpu.memory_space<vmem>> -> memref<80xi32, #tpu.memory_space<vmem>>
      %dma_start3A_121 = arith.constant 0 : i32
      %dma_start3A_122 = tpu.memref_slice %arg3[%add3A, %min3A_116, %dma_start3A_121] : memref<32x125x80xi32, #tpu.memory_space<hbm>> -> memref<1x1x80xi32, #tpu.memory_space<hbm>>
      %dma_start3A_123 = tpu.memref_squeeze %dma_start3A_122 : memref<1x1x80xi32, #tpu.memory_space<hbm>> -> memref<80xi32, #tpu.memory_space<hbm>>
      %dma_start3A_124 = arith.constant 0 : i32
      %dma_start3A_125 = tpu.memref_slice %arg7[%dma_start3A_117, %dma_start3A_124] : memref<1x80xi32, #tpu.memory_space<vmem>> -> memref<1x80xi32, #tpu.memory_space<vmem>>
      %dma_start3A_126 = tpu.memref_squeeze %dma_start3A_125 : memref<1x80xi32, #tpu.memory_space<vmem>> -> memref<80xi32, #tpu.memory_space<vmem>>
      %dma_start3A_127 = arith.constant 0 : i32
      %dma_start3A_128 = tpu.memref_slice %arg3[%add3A, %min3A_116, %dma_start3A_127] : memref<32x125x80xi32, #tpu.memory_space<hbm>> -> memref<1x1x80xi32, #tpu.memory_space<hbm>>
      %dma_start3A_129 = tpu.memref_squeeze %dma_start3A_128 : memref<1x1x80xi32, #tpu.memory_space<hbm>> -> memref<80xi32, #tpu.memory_space<hbm>>
      tpu.enqueue_dma source(%dma_start3A_129 : memref<80xi32, #tpu.memory_space<hbm>>) target(%dma_start3A_126 : memref<80xi32, #tpu.memory_space<vmem>>) target_semaphore(%arg15 : memref<!tpu.dma_semaphore, #tpu.memory_space<semaphore_mem>>)
      %dma_start3A_130 = arith.constant 0 : i32
      %dma_start3A_131 = arith.constant 0 : i32
      %dma_start3A_132 = tpu.memref_slice %arg8[%dma_start3A_130, %dma_start3A_131] : memref<1x80xi32, #tpu.memory_space<vmem>> -> memref<1x80xi32, #tpu.memory_space<vmem>>
      %dma_start3A_133 = tpu.memref_squeeze %dma_start3A_132 : memref<1x80xi32, #tpu.memory_space<vmem>> -> memref<80xi32, #tpu.memory_space<vmem>>
      %dma_start3A_134 = arith.constant 0 : i32
      %dma_start3A_135 = arith.constant 0 : i32
      %dma_start3A_136 = tpu.memref_slice %arg2[%dma_start3A_134, %dma_start3A_135] : memref<10000x128xf32, #tpu.memory_space<hbm>> -> memref<10000x128xf32, #tpu.memory_space<hbm>>
      tpu.enqueue_indirect_dma source(%dma_start3A_136 : memref<10000x128xf32, #tpu.memory_space<hbm>>) target(%arg11 : memref<80x128xf32, #tpu.memory_space<vmem>>) offsets(%dma_start3A_133 : memref<80xi32, #tpu.memory_space<vmem>>) semaphore(%arg14 : memref<!tpu.dma_semaphore, #tpu.memory_space<semaphore_mem>>)
      "tpu.region"() ({
        %run_scoped3A_184 = tpu.sem_alloc : memref<!tpu.dma_semaphore, #tpu.memory_space<semaphore_mem>>
        %dma_start3A_185 = arith.constant 0 : i32
        %dma_start3A_186 = tpu.memref_slice %arg9[%mul3A_91, %dma_start3A_185] : memref<125x80xi32, #tpu.memory_space<vmem>> -> memref<1x80xi32, #tpu.memory_space<vmem>>
        %dma_start3A_187 = tpu.memref_squeeze %dma_start3A_186 : memref<1x80xi32, #tpu.memory_space<vmem>> -> memref<80xi32, #tpu.memory_space<vmem>>
        %dma_start3A_188 = arith.constant 0 : i32
        %dma_start3A_189 = arith.constant 0 : i32
        %dma_start3A_190 = tpu.memref_slice %arg12[%dma_start3A_188, %dma_start3A_189] : memref<10000x128xf32, #tpu.memory_space<vmem_shared>> -> memref<10000x128xf32, #tpu.memory_space<vmem_shared>>
        tpu.enqueue_indirect_dma source(%arg10 : memref<80x128xf32, #tpu.memory_space<vmem>>) target(%dma_start3A_190 : memref<10000x128xf32, #tpu.memory_space<vmem_shared>>) offsets(%dma_start3A_187 : memref<80xi32, #tpu.memory_space<vmem>>) semaphore(%run_scoped3A_184 : memref<!tpu.dma_semaphore, #tpu.memory_space<semaphore_mem>>) {add = true}
        %dma_wait3A_191 = arith.constant 0 : i32
        %dma_wait3A_192 = tpu.memref_slice %arg9[%mul3A_91, %dma_wait3A_191] : memref<125x80xi32, #tpu.memory_space<vmem>> -> memref<1x80xi32, #tpu.memory_space<vmem>>
        %dma_wait3A_193 = tpu.memref_squeeze %dma_wait3A_192 : memref<1x80xi32, #tpu.memory_space<vmem>> -> memref<80xi32, #tpu.memory_space<vmem>>
        %dma_wait3A_194 = arith.constant 0 : i32
        %dma_wait3A_195 = arith.constant 0 : i32
        %dma_wait3A_196 = tpu.memref_slice %arg12[%dma_wait3A_194, %dma_wait3A_195] : memref<10000x128xf32, #tpu.memory_space<vmem_shared>> -> memref<10000x128xf32, #tpu.memory_space<vmem_shared>>
        tpu.wait_indirect_dma semaphore(%run_scoped3A_184 : memref<!tpu.dma_semaphore, #tpu.memory_space<semaphore_mem>>) src(%arg10 : memref<80x128xf32, #tpu.memory_space<vmem>>) dst(%dma_wait3A_196 : memref<10000x128xf32, #tpu.memory_space<vmem_shared>>)
        tpu.yield
      }) : () -> ()
      %add3A_137 = arith.constant 1 : i32
      %add3A_138 = arith.addi %mul3A_91, %add3A_137 : i32
      %dma_wait3A_139 = arith.constant 0 : i32
      %dma_wait3A_140 = arith.constant 0 : i32
      %dma_wait3A_141 = arith.constant 0 : i32
      %dma_wait3A_142 = tpu.memref_slice %arg7[%dma_wait3A_140, %dma_wait3A_141] : memref<1x80xi32, #tpu.memory_space<vmem>> -> memref<1x80xi32, #tpu.memory_space<vmem>>
      %dma_wait3A_143 = tpu.memref_squeeze %dma_wait3A_142 : memref<1x80xi32, #tpu.memory_space<vmem>> -> memref<80xi32, #tpu.memory_space<vmem>>
      %dma_wait3A_144 = arith.constant 0 : i32
      %dma_wait3A_145 = tpu.memref_slice %arg3[%add3A, %dma_wait3A_139, %dma_wait3A_144] : memref<32x125x80xi32, #tpu.memory_space<hbm>> -> memref<1x1x80xi32, #tpu.memory_space<hbm>>
      %dma_wait3A_146 = tpu.memref_squeeze %dma_wait3A_145 : memref<1x1x80xi32, #tpu.memory_space<hbm>> -> memref<80xi32, #tpu.memory_space<hbm>>
      %dma_wait3A_147 = arith.constant 0 : i32
      %dma_wait3A_148 = tpu.memref_slice %arg7[%dma_wait3A_140, %dma_wait3A_147] : memref<1x80xi32, #tpu.memory_space<vmem>> -> memref<1x80xi32, #tpu.memory_space<vmem>>
      %dma_wait3A_149 = tpu.memref_squeeze %dma_wait3A_148 : memref<1x80xi32, #tpu.memory_space<vmem>> -> memref<80xi32, #tpu.memory_space<vmem>>
      %dma_wait3A_150 = arith.constant 0 : i32
      %dma_wait3A_151 = tpu.memref_slice %arg3[%add3A, %dma_wait3A_139, %dma_wait3A_150] : memref<32x125x80xi32, #tpu.memory_space<hbm>> -> memref<1x1x80xi32, #tpu.memory_space<hbm>>
      %dma_wait3A_152 = tpu.memref_squeeze %dma_wait3A_151 : memref<1x1x80xi32, #tpu.memory_space<hbm>> -> memref<80xi32, #tpu.memory_space<hbm>>
      tpu.wait_dma2 semaphore(%arg15 : memref<!tpu.dma_semaphore, #tpu.memory_space<semaphore_mem>>) src(%dma_wait3A_152 : memref<80xi32, #tpu.memory_space<hbm>>) dst(%dma_wait3A_149 : memref<80xi32, #tpu.memory_space<vmem>>)
      %dma_wait3A_153 = arith.constant 0 : i32
      %dma_wait3A_154 = arith.constant 0 : i32
      %dma_wait3A_155 = tpu.memref_slice %arg8[%dma_wait3A_153, %dma_wait3A_154] : memref<1x80xi32, #tpu.memory_space<vmem>> -> memref<1x80xi32, #tpu.memory_space<vmem>>
      %dma_wait3A_156 = tpu.memref_squeeze %dma_wait3A_155 : memref<1x80xi32, #tpu.memory_space<vmem>> -> memref<80xi32, #tpu.memory_space<vmem>>
      %dma_wait3A_157 = arith.constant 0 : i32
      %dma_wait3A_158 = arith.constant 0 : i32
      %dma_wait3A_159 = tpu.memref_slice %arg2[%dma_wait3A_157, %dma_wait3A_158] : memref<10000x128xf32, #tpu.memory_space<hbm>> -> memref<10000x128xf32, #tpu.memory_space<hbm>>
      tpu.wait_indirect_dma semaphore(%arg14 : memref<!tpu.dma_semaphore, #tpu.memory_space<semaphore_mem>>) src(%dma_wait3A_159 : memref<10000x128xf32, #tpu.memory_space<hbm>>) dst(%arg11 : memref<80x128xf32, #tpu.memory_space<vmem>>)
      %add3A_160 = arith.constant 2 : i32
      %add3A_161 = arith.addi %add3A_138, %add3A_160 : i32
      %min3A_162 = arith.constant 124 : i32
      %min3A_163 = arith.minsi %add3A_161, %min3A_162 : i32
      %dma_start3A_164 = arith.constant 0 : i32
      %dma_start3A_165 = arith.constant 0 : i32
      %dma_start3A_166 = tpu.memref_slice %arg8[%dma_start3A_164, %dma_start3A_165] : memref<1x80xi32, #tpu.memory_space<vmem>> -> memref<1x80xi32, #tpu.memory_space<vmem>>
      %dma_start3A_167 = tpu.memref_squeeze %dma_start3A_166 : memref<1x80xi32, #tpu.memory_space<vmem>> -> memref<80xi32, #tpu.memory_space<vmem>>
      %dma_start3A_168 = arith.constant 0 : i32
      %dma_start3A_169 = tpu.memref_slice %arg3[%add3A, %min3A_163, %dma_start3A_168] : memref<32x125x80xi32, #tpu.memory_space<hbm>> -> memref<1x1x80xi32, #tpu.memory_space<hbm>>
      %dma_start3A_170 = tpu.memref_squeeze %dma_start3A_169 : memref<1x1x80xi32, #tpu.memory_space<hbm>> -> memref<80xi32, #tpu.memory_space<hbm>>
      %dma_start3A_171 = arith.constant 0 : i32
      %dma_start3A_172 = tpu.memref_slice %arg8[%dma_start3A_164, %dma_start3A_171] : memref<1x80xi32, #tpu.memory_space<vmem>> -> memref<1x80xi32, #tpu.memory_space<vmem>>
      %dma_start3A_173 = tpu.memref_squeeze %dma_start3A_172 : memref<1x80xi32, #tpu.memory_space<vmem>> -> memref<80xi32, #tpu.memory_space<vmem>>
      %dma_start3A_174 = arith.constant 0 : i32
      %dma_start3A_175 = tpu.memref_slice %arg3[%add3A, %min3A_163, %dma_start3A_174] : memref<32x125x80xi32, #tpu.memory_space<hbm>> -> memref<1x1x80xi32, #tpu.memory_space<hbm>>
      %dma_start3A_176 = tpu.memref_squeeze %dma_start3A_175 : memref<1x1x80xi32, #tpu.memory_space<hbm>> -> memref<80xi32, #tpu.memory_space<hbm>>
      tpu.enqueue_dma source(%dma_start3A_176 : memref<80xi32, #tpu.memory_space<hbm>>) target(%dma_start3A_173 : memref<80xi32, #tpu.memory_space<vmem>>) target_semaphore(%arg16 : memref<!tpu.dma_semaphore, #tpu.memory_space<semaphore_mem>>)
      %dma_start3A_177 = arith.constant 0 : i32
      %dma_start3A_178 = arith.constant 0 : i32
      %dma_start3A_179 = tpu.memref_slice %arg7[%dma_start3A_177, %dma_start3A_178] : memref<1x80xi32, #tpu.memory_space<vmem>> -> memref<1x80xi32, #tpu.memory_space<vmem>>
      %dma_start3A_180 = tpu.memref_squeeze %dma_start3A_179 : memref<1x80xi32, #tpu.memory_space<vmem>> -> memref<80xi32, #tpu.memory_space<vmem>>
      %dma_start3A_181 = arith.constant 0 : i32
      %dma_start3A_182 = arith.constant 0 : i32
      %dma_start3A_183 = tpu.memref_slice %arg2[%dma_start3A_181, %dma_start3A_182] : memref<10000x128xf32, #tpu.memory_space<hbm>> -> memref<10000x128xf32, #tpu.memory_space<hbm>>
      tpu.enqueue_indirect_dma source(%dma_start3A_183 : memref<10000x128xf32, #tpu.memory_space<hbm>>) target(%arg10 : memref<80x128xf32, #tpu.memory_space<vmem>>) offsets(%dma_start3A_180 : memref<80xi32, #tpu.memory_space<vmem>>) semaphore(%arg13 : memref<!tpu.dma_semaphore, #tpu.memory_space<semaphore_mem>>)
      "tpu.region"() ({
        %run_scoped3A_184 = tpu.sem_alloc : memref<!tpu.dma_semaphore, #tpu.memory_space<semaphore_mem>>
        %dma_start3A_185 = arith.constant 0 : i32
        %dma_start3A_186 = tpu.memref_slice %arg9[%add3A_138, %dma_start3A_185] : memref<125x80xi32, #tpu.memory_space<vmem>> -> memref<1x80xi32, #tpu.memory_space<vmem>>
        %dma_start3A_187 = tpu.memref_squeeze %dma_start3A_186 : memref<1x80xi32, #tpu.memory_space<vmem>> -> memref<80xi32, #tpu.memory_space<vmem>>
        %dma_start3A_188 = arith.constant 0 : i32
        %dma_start3A_189 = arith.constant 0 : i32
        %dma_start3A_190 = tpu.memref_slice %arg12[%dma_start3A_188, %dma_start3A_189] : memref<10000x128xf32, #tpu.memory_space<vmem_shared>> -> memref<10000x128xf32, #tpu.memory_space<vmem_shared>>
        tpu.enqueue_indirect_dma source(%arg11 : memref<80x128xf32, #tpu.memory_space<vmem>>) target(%dma_start3A_190 : memref<10000x128xf32, #tpu.memory_space<vmem_shared>>) offsets(%dma_start3A_187 : memref<80xi32, #tpu.memory_space<vmem>>) semaphore(%run_scoped3A_184 : memref<!tpu.dma_semaphore, #tpu.memory_space<semaphore_mem>>) {add = true}
        %dma_wait3A_191 = arith.constant 0 : i32
        %dma_wait3A_192 = tpu.memref_slice %arg9[%add3A_138, %dma_wait3A_191] : memref<125x80xi32, #tpu.memory_space<vmem>> -> memref<1x80xi32, #tpu.memory_space<vmem>>
        %dma_wait3A_193 = tpu.memref_squeeze %dma_wait3A_192 : memref<1x80xi32, #tpu.memory_space<vmem>> -> memref<80xi32, #tpu.memory_space<vmem>>
        %dma_wait3A_194 = arith.constant 0 : i32
        %dma_wait3A_195 = arith.constant 0 : i32
        %dma_wait3A_196 = tpu.memref_slice %arg12[%dma_wait3A_194, %dma_wait3A_195] : memref<10000x128xf32, #tpu.memory_space<vmem_shared>> -> memref<10000x128xf32, #tpu.memory_space<vmem_shared>>
        tpu.wait_indirect_dma semaphore(%run_scoped3A_184 : memref<!tpu.dma_semaphore, #tpu.memory_space<semaphore_mem>>) src(%arg11 : memref<80x128xf32, #tpu.memory_space<vmem>>) dst(%dma_wait3A_196 : memref<10000x128xf32, #tpu.memory_space<vmem_shared>>)
        tpu.yield
      }) : () -> ()
    }
    %scan3A_59 = arith.constant 62 : i32
    %dma_wait3A_60 = arith.constant 0 : i32
    %dma_wait3A_61 = arith.constant 0 : i32
    %dma_wait3A_62 = arith.constant 0 : i32
    %dma_wait3A_63 = tpu.memref_slice %arg8[%dma_wait3A_61, %dma_wait3A_62] : memref<1x80xi32, #tpu.memory_space<vmem>> -> memref<1x80xi32, #tpu.memory_space<vmem>>
    %dma_wait3A_64 = tpu.memref_squeeze %dma_wait3A_63 : memref<1x80xi32, #tpu.memory_space<vmem>> -> memref<80xi32, #tpu.memory_space<vmem>>
    %dma_wait3A_65 = arith.constant 0 : i32
    %dma_wait3A_66 = tpu.memref_slice %arg3[%add3A, %dma_wait3A_60, %dma_wait3A_65] : memref<32x125x80xi32, #tpu.memory_space<hbm>> -> memref<1x1x80xi32, #tpu.memory_space<hbm>>
    %dma_wait3A_67 = tpu.memref_squeeze %dma_wait3A_66 : memref<1x1x80xi32, #tpu.memory_space<hbm>> -> memref<80xi32, #tpu.memory_space<hbm>>
    %dma_wait3A_68 = arith.constant 0 : i32
    %dma_wait3A_69 = tpu.memref_slice %arg8[%dma_wait3A_61, %dma_wait3A_68] : memref<1x80xi32, #tpu.memory_space<vmem>> -> memref<1x80xi32, #tpu.memory_space<vmem>>
    %dma_wait3A_70 = tpu.memref_squeeze %dma_wait3A_69 : memref<1x80xi32, #tpu.memory_space<vmem>> -> memref<80xi32, #tpu.memory_space<vmem>>
    %dma_wait3A_71 = arith.constant 0 : i32
    %dma_wait3A_72 = tpu.memref_slice %arg3[%add3A, %dma_wait3A_60, %dma_wait3A_71] : memref<32x125x80xi32, #tpu.memory_space<hbm>> -> memref<1x1x80xi32, #tpu.memory_space<hbm>>
    %dma_wait3A_73 = tpu.memref_squeeze %dma_wait3A_72 : memref<1x1x80xi32, #tpu.memory_space<hbm>> -> memref<80xi32, #tpu.memory_space<hbm>>
    tpu.wait_dma2 semaphore(%arg16 : memref<!tpu.dma_semaphore, #tpu.memory_space<semaphore_mem>>) src(%dma_wait3A_73 : memref<80xi32, #tpu.memory_space<hbm>>) dst(%dma_wait3A_70 : memref<80xi32, #tpu.memory_space<vmem>>)
    %dma_wait3A_74 = arith.constant 0 : i32
    %dma_wait3A_75 = arith.constant 0 : i32
    %dma_wait3A_76 = tpu.memref_slice %arg7[%dma_wait3A_74, %dma_wait3A_75] : memref<1x80xi32, #tpu.memory_space<vmem>> -> memref<1x80xi32, #tpu.memory_space<vmem>>
    %dma_wait3A_77 = tpu.memref_squeeze %dma_wait3A_76 : memref<1x80xi32, #tpu.memory_space<vmem>> -> memref<80xi32, #tpu.memory_space<vmem>>
    %dma_wait3A_78 = arith.constant 0 : i32
    %dma_wait3A_79 = arith.constant 0 : i32
    %dma_wait3A_80 = tpu.memref_slice %arg2[%dma_wait3A_78, %dma_wait3A_79] : memref<10000x128xf32, #tpu.memory_space<hbm>> -> memref<10000x128xf32, #tpu.memory_space<hbm>>
    tpu.wait_indirect_dma semaphore(%arg13 : memref<!tpu.dma_semaphore, #tpu.memory_space<semaphore_mem>>) src(%dma_wait3A_80 : memref<10000x128xf32, #tpu.memory_space<hbm>>) dst(%arg10 : memref<80x128xf32, #tpu.memory_space<vmem>>)
    %run_scoped3A = arith.constant 124 : i32
    "tpu.region"() ({
      %run_scoped3A_89 = tpu.sem_alloc : memref<!tpu.dma_semaphore, #tpu.memory_space<semaphore_mem>>
      %dma_start3A_90 = arith.constant 0 : i32
      %dma_start3A_91 = tpu.memref_slice %arg9[%run_scoped3A, %dma_start3A_90] : memref<125x80xi32, #tpu.memory_space<vmem>> -> memref<1x80xi32, #tpu.memory_space<vmem>>
      %dma_start3A_92 = tpu.memref_squeeze %dma_start3A_91 : memref<1x80xi32, #tpu.memory_space<vmem>> -> memref<80xi32, #tpu.memory_space<vmem>>
      %dma_start3A_93 = arith.constant 0 : i32
      %dma_start3A_94 = arith.constant 0 : i32
      %dma_start3A_95 = tpu.memref_slice %arg12[%dma_start3A_93, %dma_start3A_94] : memref<10000x128xf32, #tpu.memory_space<vmem_shared>> -> memref<10000x128xf32, #tpu.memory_space<vmem_shared>>
      tpu.enqueue_indirect_dma source(%arg10 : memref<80x128xf32, #tpu.memory_space<vmem>>) target(%dma_start3A_95 : memref<10000x128xf32, #tpu.memory_space<vmem_shared>>) offsets(%dma_start3A_92 : memref<80xi32, #tpu.memory_space<vmem>>) semaphore(%run_scoped3A_89 : memref<!tpu.dma_semaphore, #tpu.memory_space<semaphore_mem>>) {add = true}
      %dma_wait3A_96 = arith.constant 0 : i32
      %dma_wait3A_97 = tpu.memref_slice %arg9[%run_scoped3A, %dma_wait3A_96] : memref<125x80xi32, #tpu.memory_space<vmem>> -> memref<1x80xi32, #tpu.memory_space<vmem>>
      %dma_wait3A_98 = tpu.memref_squeeze %dma_wait3A_97 : memref<1x80xi32, #tpu.memory_space<vmem>> -> memref<80xi32, #tpu.memory_space<vmem>>
      %dma_wait3A_99 = arith.constant 0 : i32
      %dma_wait3A_100 = arith.constant 0 : i32
      %dma_wait3A_101 = tpu.memref_slice %arg12[%dma_wait3A_99, %dma_wait3A_100] : memref<10000x128xf32, #tpu.memory_space<vmem_shared>> -> memref<10000x128xf32, #tpu.memory_space<vmem_shared>>
      tpu.wait_indirect_dma semaphore(%run_scoped3A_89 : memref<!tpu.dma_semaphore, #tpu.memory_space<semaphore_mem>>) src(%arg10 : memref<80x128xf32, #tpu.memory_space<vmem>>) dst(%dma_wait3A_101 : memref<10000x128xf32, #tpu.memory_space<vmem_shared>>)
      tpu.yield
    }) : () -> ()
    %barrier3A_81 = arith.constant 0 : index
    tpu.barrier barrier_id(%barrier3A_81)
    %mul3A_82 = arith.constant 624 : i32
    %mul3A_83 = arith.muli %arg1, %mul3A_82 : i32
    "tpu.region"() ({
      %run_scoped3A_89 = tpu.sem_alloc : memref<!tpu.dma_semaphore, #tpu.memory_space<semaphore_mem>>
      %dma_start3A_90 = arith.constant 0 : i32
      %dma_start3A_91 = tpu.memref_slice %arg6[%arg0, %mul3A_83, %dma_start3A_90] : memref<2x10000x128xf32, #tpu.memory_space<hbm>> -> memref<1x624x128xf32, #tpu.memory_space<hbm>>
      %dma_start3A_92 = tpu.memref_squeeze %dma_start3A_91 : memref<1x624x128xf32, #tpu.memory_space<hbm>> -> memref<624x128xf32, #tpu.memory_space<hbm>>
      %dma_start3A_93 = arith.constant 0 : i32
      %dma_start3A_94 = tpu.memref_slice %arg12[%mul3A_83, %dma_start3A_93] : memref<10000x128xf32, #tpu.memory_space<vmem_shared>> -> memref<624x128xf32, #tpu.memory_space<vmem_shared>>
      tpu.enqueue_dma source(%dma_start3A_94 : memref<624x128xf32, #tpu.memory_space<vmem_shared>>) target(%dma_start3A_92 : memref<624x128xf32, #tpu.memory_space<hbm>>) target_semaphore(%run_scoped3A_89 : memref<!tpu.dma_semaphore, #tpu.memory_space<semaphore_mem>>)
      %dma_wait3A_95 = arith.constant 0 : i32
      %dma_wait3A_96 = tpu.memref_slice %arg6[%arg0, %mul3A_83, %dma_wait3A_95] : memref<2x10000x128xf32, #tpu.memory_space<hbm>> -> memref<1x624x128xf32, #tpu.memory_space<hbm>>
      %dma_wait3A_97 = tpu.memref_squeeze %dma_wait3A_96 : memref<1x624x128xf32, #tpu.memory_space<hbm>> -> memref<624x128xf32, #tpu.memory_space<hbm>>
      %dma_wait3A_98 = arith.constant 0 : i32
      %dma_wait3A_99 = tpu.memref_slice %arg12[%mul3A_83, %dma_wait3A_98] : memref<10000x128xf32, #tpu.memory_space<vmem_shared>> -> memref<624x128xf32, #tpu.memory_space<vmem_shared>>
      tpu.wait_dma2 semaphore(%run_scoped3A_89 : memref<!tpu.dma_semaphore, #tpu.memory_space<semaphore_mem>>) src(%dma_wait3A_99 : memref<624x128xf32, #tpu.memory_space<vmem_shared>>) dst(%dma_wait3A_97 : memref<624x128xf32, #tpu.memory_space<hbm>>)
      tpu.yield
    }) : () -> ()
    %eq3A_84 = arith.constant 15 : i32
    %eq3A_85 = arith.cmpi eq, %arg1, %eq3A_84 : i32
    %convert_element_type3A_86 = arith.extui %eq3A_85 : i1 to i32
    %cond3A_87 = arith.constant 0 : i32
    %cond3A_88 = arith.cmpi ne, %convert_element_type3A_86, %cond3A_87 : i32
    scf.if %cond3A_88 {
      "tpu.region"() ({
        %run_scoped3A_89 = tpu.sem_alloc : memref<!tpu.dma_semaphore, #tpu.memory_space<semaphore_mem>>
        %dma_start3A_90 = arith.constant 9984 : i32
        %dma_start3A_91 = arith.constant 0 : i32
        %dma_start3A_92 = tpu.memref_slice %arg6[%arg0, %dma_start3A_90, %dma_start3A_91] : memref<2x10000x128xf32, #tpu.memory_space<hbm>> -> memref<1x16x128xf32, #tpu.memory_space<hbm>>
        %dma_start3A_93 = tpu.memref_squeeze %dma_start3A_92 : memref<1x16x128xf32, #tpu.memory_space<hbm>> -> memref<16x128xf32, #tpu.memory_space<hbm>>
        %dma_start3A_94 = arith.constant 9984 : i32
        %dma_start3A_95 = arith.constant 0 : i32
        %dma_start3A_96 = tpu.memref_slice %arg12[%dma_start3A_94, %dma_start3A_95] : memref<10000x128xf32, #tpu.memory_space<vmem_shared>> -> memref<16x128xf32, #tpu.memory_space<vmem_shared>>
        tpu.enqueue_dma source(%dma_start3A_96 : memref<16x128xf32, #tpu.memory_space<vmem_shared>>) target(%dma_start3A_93 : memref<16x128xf32, #tpu.memory_space<hbm>>) target_semaphore(%run_scoped3A_89 : memref<!tpu.dma_semaphore, #tpu.memory_space<semaphore_mem>>)
        %dma_wait3A_97 = arith.constant 9984 : i32
        %dma_wait3A_98 = arith.constant 0 : i32
        %dma_wait3A_99 = tpu.memref_slice %arg6[%arg0, %dma_wait3A_97, %dma_wait3A_98] : memref<2x10000x128xf32, #tpu.memory_space<hbm>> -> memref<1x16x128xf32, #tpu.memory_space<hbm>>
        %dma_wait3A_100 = tpu.memref_squeeze %dma_wait3A_99 : memref<1x16x128xf32, #tpu.memory_space<hbm>> -> memref<16x128xf32, #tpu.memory_space<hbm>>
        %dma_wait3A_101 = arith.constant 9984 : i32
        %dma_wait3A_102 = arith.constant 0 : i32
        %dma_wait3A_103 = tpu.memref_slice %arg12[%dma_wait3A_101, %dma_wait3A_102] : memref<10000x128xf32, #tpu.memory_space<vmem_shared>> -> memref<16x128xf32, #tpu.memory_space<vmem_shared>>
        tpu.wait_dma2 semaphore(%run_scoped3A_89 : memref<!tpu.dma_semaphore, #tpu.memory_space<semaphore_mem>>) src(%dma_wait3A_103 : memref<16x128xf32, #tpu.memory_space<vmem_shared>>) dst(%dma_wait3A_100 : memref<16x128xf32, #tpu.memory_space<hbm>>)
        tpu.yield
      }) : () -> ()
    } else {
    }
    return
  }
}

module attributes {stable_mosaic.version = 14 : i64} {
  func.func @_dense_body(%arg0: memref<2x10000x128xf32, #tpu.memory_space<vmem>>, %arg1: memref<2x10000x128xf32, #tpu.memory_space<vmem>>, %arg2: memref<10000x128xf32, #tpu.memory_space<vmem>>, %arg3: memref<128x128xf32, #tpu.memory_space<vmem>>, %arg4: memref<1x128xf32, #tpu.memory_space<vmem>>, %arg5: memref<128x128xf32, #tpu.memory_space<vmem>>, %arg6: memref<1x128xf32, #tpu.memory_space<vmem>>, %arg7: memref<1x128xf32, #tpu.memory_space<vmem>>, %arg8: memref<10000x128xf32, #tpu.memory_space<vmem>>) attributes {dimension_semantics = [], scalar_prefetch = 0 : i64, scratch_operands = 0 : i64, tpu.core_type = #tpu.core_type<tc>} {
    %get3A = arith.constant 0 : index
    %get3A_0 = arith.constant 0 : index
    %get3A_1 = arith.constant 0 : index
    %get3A_2 = vector.load %arg0[%get3A, %get3A_0, %get3A_1] : memref<2x10000x128xf32, #tpu.memory_space<vmem>>, vector<1x10000x128xf32>
    %get3A_3 = vector.shape_cast %get3A_2 : vector<1x10000x128xf32> to vector<10000x128xf32>
    %get3A_4 = arith.constant 1 : index
    %get3A_5 = arith.constant 0 : index
    %get3A_6 = arith.constant 0 : index
    %get3A_7 = vector.load %arg0[%get3A_4, %get3A_5, %get3A_6] : memref<2x10000x128xf32, #tpu.memory_space<vmem>>, vector<1x10000x128xf32>
    %get3A_8 = vector.shape_cast %get3A_7 : vector<1x10000x128xf32> to vector<10000x128xf32>
    %add3A = arith.addf %get3A_3, %get3A_8 : vector<10000x128xf32>
    %get3A_9 = arith.constant 0 : index
    %get3A_10 = arith.constant 0 : index
    %get3A_11 = arith.constant 0 : index
    %get3A_12 = vector.load %arg1[%get3A_9, %get3A_10, %get3A_11] : memref<2x10000x128xf32, #tpu.memory_space<vmem>>, vector<1x10000x1xf32>
    %get3A_13 = vector.shape_cast %get3A_12 : vector<1x10000x1xf32> to vector<10000x1xf32>
    %get3A_14 = arith.constant 1 : index
    %get3A_15 = arith.constant 0 : index
    %get3A_16 = arith.constant 0 : index
    %get3A_17 = vector.load %arg1[%get3A_14, %get3A_15, %get3A_16] : memref<2x10000x128xf32, #tpu.memory_space<vmem>>, vector<1x10000x1xf32>
    %get3A_18 = vector.shape_cast %get3A_17 : vector<1x10000x1xf32> to vector<10000x1xf32>
    %add3A_19 = arith.addf %get3A_13, %get3A_18 : vector<10000x1xf32>
    %max3A = arith.constant 1.000000e+00 : f32
    %max3A_20 = vector.broadcast %max3A : f32 to vector<10000x1xf32>
    %max3A_21 = arith.maximumf %add3A_19, %max3A_20 : vector<10000x1xf32>
    %div3A = vector.broadcast %max3A_21 : vector<10000x1xf32> to vector<10000x128xf32>
    %div3A_22 = arith.divf %add3A, %div3A : vector<10000x128xf32>
    %get3A_23 = arith.constant 0 : index
    %get3A_24 = arith.constant 0 : index
    %get3A_25 = vector.load %arg3[%get3A_23, %get3A_24] : memref<128x128xf32, #tpu.memory_space<vmem>>, vector<128x128xf32>
    %dot_general3A = arith.constant dense<0.000000e+00> : vector<10000x128xf32>
    %dot_general3A_26 = tpu.matmul %div3A_22, %get3A_25, %dot_general3A {dimension_numbers = #tpu.dot_dimension_numbers<[1], [0], [0], [1], [0, 0, 1, 1], [], []>, transpose_lhs_hint = false} : vector<10000x128xf32>, vector<128x128xf32>, vector<10000x128xf32> -> vector<10000x128xf32>
    %get3A_27 = arith.constant 0 : index
    %get3A_28 = arith.constant 0 : index
    %get3A_29 = vector.load %arg4[%get3A_27, %get3A_28] : memref<1x128xf32, #tpu.memory_space<vmem>>, vector<1x128xf32>
    %add3A_30 = vector.broadcast %get3A_29 : vector<1x128xf32> to vector<10000x128xf32>
    %add3A_31 = arith.addf %dot_general3A_26, %add3A_30 : vector<10000x128xf32>
    %get3A_32 = arith.constant 0 : index
    %get3A_33 = arith.constant 0 : index
    %get3A_34 = vector.load %arg2[%get3A_32, %get3A_33] : memref<10000x128xf32, #tpu.memory_space<vmem>>, vector<10000x128xf32>
    %get3A_35 = arith.constant 0 : index
    %get3A_36 = arith.constant 0 : index
    %get3A_37 = vector.load %arg5[%get3A_35, %get3A_36] : memref<128x128xf32, #tpu.memory_space<vmem>>, vector<128x128xf32>
    %dot_general3A_38 = arith.constant dense<0.000000e+00> : vector<10000x128xf32>
    %dot_general3A_39 = tpu.matmul %get3A_34, %get3A_37, %dot_general3A_38 {dimension_numbers = #tpu.dot_dimension_numbers<[1], [0], [0], [1], [0, 0, 1, 1], [], []>, transpose_lhs_hint = false} : vector<10000x128xf32>, vector<128x128xf32>, vector<10000x128xf32> -> vector<10000x128xf32>
    %add3A_40 = arith.addf %add3A_31, %dot_general3A_39 : vector<10000x128xf32>
    %reduce_sum3A = arith.constant dense<0.000000e+00> : vector<128xf32>
    %reduce_sum3A_41 = vector.multi_reduction <add>, %add3A_40, %reduce_sum3A [0] : vector<10000x128xf32> to vector<128xf32>
    %broadcast_in_dim3A = vector.shape_cast %reduce_sum3A_41 : vector<128xf32> to vector<1x128xf32>
    %div3A_42 = arith.constant 1.000000e+04 : f32
    %div3A_43 = vector.broadcast %div3A_42 : f32 to vector<1x128xf32>
    %div3A_44 = arith.divf %broadcast_in_dim3A, %div3A_43 : vector<1x128xf32>
    %sub3A = vector.broadcast %div3A_44 : vector<1x128xf32> to vector<10000x128xf32>
    %sub3A_45 = arith.subf %add3A_40, %sub3A : vector<10000x128xf32>
    %integer_pow3A = arith.mulf %sub3A_45, %sub3A_45 : vector<10000x128xf32>
    %reduce_sum3A_46 = arith.constant dense<0.000000e+00> : vector<128xf32>
    %reduce_sum3A_47 = vector.multi_reduction <add>, %integer_pow3A, %reduce_sum3A_46 [0] : vector<10000x128xf32> to vector<128xf32>
    %broadcast_in_dim3A_48 = vector.shape_cast %reduce_sum3A_47 : vector<128xf32> to vector<1x128xf32>
    %div3A_49 = arith.constant 1.000000e+04 : f32
    %div3A_50 = vector.broadcast %div3A_49 : f32 to vector<1x128xf32>
    %div3A_51 = arith.divf %broadcast_in_dim3A_48, %div3A_50 : vector<1x128xf32>
    %sub3A_52 = vector.broadcast %div3A_44 : vector<1x128xf32> to vector<10000x128xf32>
    %sub3A_53 = arith.subf %add3A_40, %sub3A_52 : vector<10000x128xf32>
    %add3A_54 = arith.constant 9.99999974E-6 : f32
    %add3A_55 = vector.broadcast %add3A_54 : f32 to vector<1x128xf32>
    %add3A_56 = arith.addf %div3A_51, %add3A_55 : vector<1x128xf32>
    %rsqrt3A = math.rsqrt %add3A_56 : vector<1x128xf32>
    %mul3A = vector.broadcast %rsqrt3A : vector<1x128xf32> to vector<10000x128xf32>
    %mul3A_57 = arith.mulf %sub3A_53, %mul3A : vector<10000x128xf32>
    %get3A_58 = arith.constant 0 : index
    %get3A_59 = arith.constant 0 : index
    %get3A_60 = vector.load %arg6[%get3A_58, %get3A_59] : memref<1x128xf32, #tpu.memory_space<vmem>>, vector<1x128xf32>
    %mul3A_61 = vector.broadcast %get3A_60 : vector<1x128xf32> to vector<10000x128xf32>
    %mul3A_62 = arith.mulf %mul3A_57, %mul3A_61 : vector<10000x128xf32>
    %get3A_63 = arith.constant 0 : index
    %get3A_64 = arith.constant 0 : index
    %get3A_65 = vector.load %arg7[%get3A_63, %get3A_64] : memref<1x128xf32, #tpu.memory_space<vmem>>, vector<1x128xf32>
    %add3A_66 = vector.broadcast %get3A_65 : vector<1x128xf32> to vector<10000x128xf32>
    %add3A_67 = arith.addf %mul3A_62, %add3A_66 : vector<10000x128xf32>
    %max3A_68 = arith.constant 0.000000e+00 : f32
    %max3A_69 = vector.broadcast %max3A_68 : f32 to vector<10000x128xf32>
    %max3A_70 = arith.maximumf %add3A_67, %max3A_69 : vector<10000x128xf32>
    %swap3A = arith.constant 0 : index
    %swap3A_71 = arith.constant 0 : index
    %swap3A_72 = vector.load %arg8[%swap3A, %swap3A_71] : memref<10000x128xf32, #tpu.memory_space<vmem>>, vector<10000x128xf32>
    tpu.vector_store %arg8[%swap3A, %swap3A_71], %max3A_70 {strides = array<i32>} : memref<10000x128xf32, #tpu.memory_space<vmem>>, vector<10000x128xf32>,
    return
  }
}

module attributes {stable_mosaic.version = 14 : i64} {
  func.func @_final_body(%arg0: memref<2x10000x128xf32, #tpu.memory_space<vmem>>, %arg1: memref<2x10000x128xf32, #tpu.memory_space<vmem>>, %arg2: memref<10000x128xf32, #tpu.memory_space<vmem>>, %arg3: memref<128x128xf32, #tpu.memory_space<vmem>>, %arg4: memref<1x128xf32, #tpu.memory_space<vmem>>, %arg5: memref<128x128xf32, #tpu.memory_space<vmem>>, %arg6: memref<1x128xf32, #tpu.memory_space<vmem>>, %arg7: memref<1x128xf32, #tpu.memory_space<vmem>>, %arg8: memref<1x10000xi32, #tpu.memory_space<vmem>>, %arg9: memref<128x64xf32, #tpu.memory_space<vmem>>, %arg10: memref<1x64xf32, #tpu.memory_space<vmem>>, %arg11: memref<64x1xf32, #tpu.memory_space<vmem>>, %arg12: memref<1x1xf32, #tpu.memory_space<vmem>>, %arg13: memref<256x1xf32, #tpu.memory_space<vmem>>) attributes {dimension_semantics = [], scalar_prefetch = 0 : i64, scratch_operands = 0 : i64, tpu.core_type = #tpu.core_type<tc>} {
    %get3A = arith.constant 0 : index
    %get3A_0 = arith.constant 0 : index
    %get3A_1 = arith.constant 0 : index
    %get3A_2 = vector.load %arg0[%get3A, %get3A_0, %get3A_1] : memref<2x10000x128xf32, #tpu.memory_space<vmem>>, vector<1x10000x128xf32>
    %get3A_3 = vector.shape_cast %get3A_2 : vector<1x10000x128xf32> to vector<10000x128xf32>
    %get3A_4 = arith.constant 1 : index
    %get3A_5 = arith.constant 0 : index
    %get3A_6 = arith.constant 0 : index
    %get3A_7 = vector.load %arg0[%get3A_4, %get3A_5, %get3A_6] : memref<2x10000x128xf32, #tpu.memory_space<vmem>>, vector<1x10000x128xf32>
    %get3A_8 = vector.shape_cast %get3A_7 : vector<1x10000x128xf32> to vector<10000x128xf32>
    %add3A = arith.addf %get3A_3, %get3A_8 : vector<10000x128xf32>
    %get3A_9 = arith.constant 0 : index
    %get3A_10 = arith.constant 0 : index
    %get3A_11 = arith.constant 0 : index
    %get3A_12 = vector.load %arg1[%get3A_9, %get3A_10, %get3A_11] : memref<2x10000x128xf32, #tpu.memory_space<vmem>>, vector<1x10000x1xf32>
    %get3A_13 = vector.shape_cast %get3A_12 : vector<1x10000x1xf32> to vector<10000x1xf32>
    %get3A_14 = arith.constant 1 : index
    %get3A_15 = arith.constant 0 : index
    %get3A_16 = arith.constant 0 : index
    %get3A_17 = vector.load %arg1[%get3A_14, %get3A_15, %get3A_16] : memref<2x10000x128xf32, #tpu.memory_space<vmem>>, vector<1x10000x1xf32>
    %get3A_18 = vector.shape_cast %get3A_17 : vector<1x10000x1xf32> to vector<10000x1xf32>
    %add3A_19 = arith.addf %get3A_13, %get3A_18 : vector<10000x1xf32>
    %max3A = arith.constant 1.000000e+00 : f32
    %max3A_20 = vector.broadcast %max3A : f32 to vector<10000x1xf32>
    %max3A_21 = arith.maximumf %add3A_19, %max3A_20 : vector<10000x1xf32>
    %div3A = vector.broadcast %max3A_21 : vector<10000x1xf32> to vector<10000x128xf32>
    %div3A_22 = arith.divf %add3A, %div3A : vector<10000x128xf32>
    %get3A_23 = arith.constant 0 : index
    %get3A_24 = arith.constant 0 : index
    %get3A_25 = vector.load %arg3[%get3A_23, %get3A_24] : memref<128x128xf32, #tpu.memory_space<vmem>>, vector<128x128xf32>
    %dot_general3A = arith.constant dense<0.000000e+00> : vector<10000x128xf32>
    %dot_general3A_26 = tpu.matmul %div3A_22, %get3A_25, %dot_general3A {dimension_numbers = #tpu.dot_dimension_numbers<[1], [0], [0], [1], [0, 0, 1, 1], [], []>, transpose_lhs_hint = false} : vector<10000x128xf32>, vector<128x128xf32>, vector<10000x128xf32> -> vector<10000x128xf32>
    %get3A_27 = arith.constant 0 : index
    %get3A_28 = arith.constant 0 : index
    %get3A_29 = vector.load %arg4[%get3A_27, %get3A_28] : memref<1x128xf32, #tpu.memory_space<vmem>>, vector<1x128xf32>
    %add3A_30 = vector.broadcast %get3A_29 : vector<1x128xf32> to vector<10000x128xf32>
    %add3A_31 = arith.addf %dot_general3A_26, %add3A_30 : vector<10000x128xf32>
    %get3A_32 = arith.constant 0 : index
    %get3A_33 = arith.constant 0 : index
    %get3A_34 = vector.load %arg2[%get3A_32, %get3A_33] : memref<10000x128xf32, #tpu.memory_space<vmem>>, vector<10000x128xf32>
    %get3A_35 = arith.constant 0 : index
    %get3A_36 = arith.constant 0 : index
    %get3A_37 = vector.load %arg5[%get3A_35, %get3A_36] : memref<128x128xf32, #tpu.memory_space<vmem>>, vector<128x128xf32>
    %dot_general3A_38 = arith.constant dense<0.000000e+00> : vector<10000x128xf32>
    %dot_general3A_39 = tpu.matmul %get3A_34, %get3A_37, %dot_general3A_38 {dimension_numbers = #tpu.dot_dimension_numbers<[1], [0], [0], [1], [0, 0, 1, 1], [], []>, transpose_lhs_hint = false} : vector<10000x128xf32>, vector<128x128xf32>, vector<10000x128xf32> -> vector<10000x128xf32>
    %add3A_40 = arith.addf %add3A_31, %dot_general3A_39 : vector<10000x128xf32>
    %reduce_sum3A = arith.constant dense<0.000000e+00> : vector<128xf32>
    %reduce_sum3A_41 = vector.multi_reduction <add>, %add3A_40, %reduce_sum3A [0] : vector<10000x128xf32> to vector<128xf32>
    %broadcast_in_dim3A = vector.shape_cast %reduce_sum3A_41 : vector<128xf32> to vector<1x128xf32>
    %div3A_42 = arith.constant 1.000000e+04 : f32
    %div3A_43 = vector.broadcast %div3A_42 : f32 to vector<1x128xf32>
    %div3A_44 = arith.divf %broadcast_in_dim3A, %div3A_43 : vector<1x128xf32>
    %sub3A = vector.broadcast %div3A_44 : vector<1x128xf32> to vector<10000x128xf32>
    %sub3A_45 = arith.subf %add3A_40, %sub3A : vector<10000x128xf32>
    %integer_pow3A = arith.mulf %sub3A_45, %sub3A_45 : vector<10000x128xf32>
    %reduce_sum3A_46 = arith.constant dense<0.000000e+00> : vector<128xf32>
    %reduce_sum3A_47 = vector.multi_reduction <add>, %integer_pow3A, %reduce_sum3A_46 [0] : vector<10000x128xf32> to vector<128xf32>
    %broadcast_in_dim3A_48 = vector.shape_cast %reduce_sum3A_47 : vector<128xf32> to vector<1x128xf32>
    %div3A_49 = arith.constant 1.000000e+04 : f32
    %div3A_50 = vector.broadcast %div3A_49 : f32 to vector<1x128xf32>
    %div3A_51 = arith.divf %broadcast_in_dim3A_48, %div3A_50 : vector<1x128xf32>
    %sub3A_52 = vector.broadcast %div3A_44 : vector<1x128xf32> to vector<10000x128xf32>
    %sub3A_53 = arith.subf %add3A_40, %sub3A_52 : vector<10000x128xf32>
    %add3A_54 = arith.constant 9.99999974E-6 : f32
    %add3A_55 = vector.broadcast %add3A_54 : f32 to vector<1x128xf32>
    %add3A_56 = arith.addf %div3A_51, %add3A_55 : vector<1x128xf32>
    %rsqrt3A = math.rsqrt %add3A_56 : vector<1x128xf32>
    %mul3A = vector.broadcast %rsqrt3A : vector<1x128xf32> to vector<10000x128xf32>
    %mul3A_57 = arith.mulf %sub3A_53, %mul3A : vector<10000x128xf32>
    %get3A_58 = arith.constant 0 : index
    %get3A_59 = arith.constant 0 : index
    %get3A_60 = vector.load %arg6[%get3A_58, %get3A_59] : memref<1x128xf32, #tpu.memory_space<vmem>>, vector<1x128xf32>
    %mul3A_61 = vector.broadcast %get3A_60 : vector<1x128xf32> to vector<10000x128xf32>
    %mul3A_62 = arith.mulf %mul3A_57, %mul3A_61 : vector<10000x128xf32>
    %get3A_63 = arith.constant 0 : index
    %get3A_64 = arith.constant 0 : index
    %get3A_65 = vector.load %arg7[%get3A_63, %get3A_64] : memref<1x128xf32, #tpu.memory_space<vmem>>, vector<1x128xf32>
    %add3A_66 = vector.broadcast %get3A_65 : vector<1x128xf32> to vector<10000x128xf32>
    %add3A_67 = arith.addf %mul3A_62, %add3A_66 : vector<10000x128xf32>
    %max3A_68 = arith.constant 0.000000e+00 : f32
    %max3A_69 = vector.broadcast %max3A_68 : f32 to vector<10000x128xf32>
    %max3A_70 = arith.maximumf %add3A_67, %max3A_69 : vector<10000x128xf32>
    %iota3A = tpu.iota {dimensions = array<i32: 0>} : vector<256x10000xi32>
    %get3A_71 = arith.constant 0 : index
    %get3A_72 = arith.constant 0 : index
    %get3A_73 = vector.load %arg8[%get3A_71, %get3A_72] : memref<1x10000xi32, #tpu.memory_space<vmem>>, vector<1x10000xi32>
    %eq3A = vector.broadcast %get3A_73 : vector<1x10000xi32> to vector<256x10000xi32>
    %eq3A_74 = arith.cmpi eq, %iota3A, %eq3A : vector<256x10000xi32>
    %convert_element_type3A = arith.extui %eq3A_74 : vector<256x10000xi1> to vector<256x10000xi32>
    %convert_element_type3A_75 = arith.sitofp %convert_element_type3A : vector<256x10000xi32> to vector<256x10000xf32>
    %dot_general3A_76 = arith.constant dense<0.000000e+00> : vector<256x128xf32>
    %dot_general3A_77 = tpu.matmul %convert_element_type3A_75, %max3A_70, %dot_general3A_76 {dimension_numbers = #tpu.dot_dimension_numbers<[1], [0], [0], [1], [0, 0, 1, 1], [], []>, transpose_lhs_hint = false} : vector<256x10000xf32>, vector<10000x128xf32>, vector<256x128xf32> -> vector<256x128xf32>
    %reduce_sum3A_78 = arith.constant dense<0.000000e+00> : vector<256xf32>
    %reduce_sum3A_79 = vector.multi_reduction <add>, %convert_element_type3A_75, %reduce_sum3A_78 [1] : vector<256x10000xf32> to vector<256xf32>
    %broadcast_in_dim3A_80 = vector.shape_cast %reduce_sum3A_79 : vector<256xf32> to vector<256x1xf32>
    %max3A_81 = arith.constant 1.000000e+00 : f32
    %max3A_82 = vector.broadcast %max3A_81 : f32 to vector<256x1xf32>
    %max3A_83 = arith.maximumf %broadcast_in_dim3A_80, %max3A_82 : vector<256x1xf32>
    %div3A_84 = vector.broadcast %max3A_83 : vector<256x1xf32> to vector<256x128xf32>
    %div3A_85 = arith.divf %dot_general3A_77, %div3A_84 : vector<256x128xf32>
    %get3A_86 = arith.constant 0 : index
    %get3A_87 = arith.constant 0 : index
    %get3A_88 = vector.load %arg9[%get3A_86, %get3A_87] : memref<128x64xf32, #tpu.memory_space<vmem>>, vector<128x64xf32>
    %dot_general3A_89 = arith.constant dense<0.000000e+00> : vector<256x64xf32>
    %dot_general3A_90 = tpu.matmul %div3A_85, %get3A_88, %dot_general3A_89 {dimension_numbers = #tpu.dot_dimension_numbers<[1], [0], [0], [1], [0, 0, 1, 1], [], []>, transpose_lhs_hint = false} : vector<256x128xf32>, vector<128x64xf32>, vector<256x64xf32> -> vector<256x64xf32>
    %get3A_91 = arith.constant 0 : index
    %get3A_92 = arith.constant 0 : index
    %get3A_93 = vector.load %arg10[%get3A_91, %get3A_92] : memref<1x64xf32, #tpu.memory_space<vmem>>, vector<1x64xf32>
    %add3A_94 = vector.broadcast %get3A_93 : vector<1x64xf32> to vector<256x64xf32>
    %add3A_95 = arith.addf %dot_general3A_90, %add3A_94 : vector<256x64xf32>
    %max3A_96 = arith.constant 0.000000e+00 : f32
    %max3A_97 = vector.broadcast %max3A_96 : f32 to vector<256x64xf32>
    %max3A_98 = arith.maximumf %add3A_95, %max3A_97 : vector<256x64xf32>
    %get3A_99 = arith.constant 0 : index
    %get3A_100 = arith.constant 0 : index
    %get3A_101 = vector.load %arg11[%get3A_99, %get3A_100] : memref<64x1xf32, #tpu.memory_space<vmem>>, vector<64x1xf32>
    %dot_general3A_102 = arith.constant dense<0.000000e+00> : vector<256x1xf32>
    %dot_general3A_103 = tpu.matmul %max3A_98, %get3A_101, %dot_general3A_102 {dimension_numbers = #tpu.dot_dimension_numbers<[1], [0], [0], [1], [0, 0, 1, 1], [], []>, transpose_lhs_hint = false} : vector<256x64xf32>, vector<64x1xf32>, vector<256x1xf32> -> vector<256x1xf32>
    %get3A_104 = arith.constant 0 : index
    %get3A_105 = arith.constant 0 : index
    %get3A_106 = vector.load %arg12[%get3A_104, %get3A_105] : memref<1x1xf32, #tpu.memory_space<vmem>>, vector<1x1xf32>
    %add3A_107 = vector.broadcast %get3A_106 : vector<1x1xf32> to vector<256x1xf32>
    %add3A_108 = arith.addf %dot_general3A_103, %add3A_107 : vector<256x1xf32>
    %swap3A = arith.constant 0 : index
    %swap3A_109 = arith.constant 0 : index
    %swap3A_110 = vector.load %arg13[%swap3A, %swap3A_109] : memref<256x1xf32, #tpu.memory_space<vmem>>, vector<256x1xf32>
    tpu.vector_store %arg13[%swap3A, %swap3A_109], %add3A_108 {strides = array<i32>} : memref<256x1xf32, #tpu.memory_space<vmem>>, vector<256x1xf32>,
    return
  }
}

</mosaic_0001>

<sc_bundles>
// kernel: kernel.12.cloned.1.call-start
scs
__scs_entry_jumppad:
0x0: {  	(pc) =	sbr.rel $0x88, $3  }
0x1: {  	(tag) =	ssettag $0x0;
	lr =	simm.s32 $0x1  }
0x2: {  	[smem:$0x3F8B] =	sst lr;
	_ =	strace $0xD0000000  }
0x3: {  	_ = 	snop  }
0x4: {  	_ = 	snop  }
0x5: {  	_ = 	snop  }
0x6: {  	_ = 	snop  }
0x7: {  	_ = 	snop  }
__scs_overlays_trampoline_lowered:
0x8: {  	[smem:$0x3F9A] =	sst s0  }
0x9: {  	[smem:$0x3F9B] =	sst s1  }
0xa: {  	[smem:$0x3F9C] =	sst s2  }
0xb: {  	[smem:$0x3F9D] =	sst s3  }
0xc: {  	[smem:$0x3F9E] =	sst s4  }
0xd: {  	[smem:$0x3F9F] =	sst s5  }
0xe: {  	[smem:$0x3FA0] =	sst s6  }
0xf: {  	[smem:$0x3FA1] =	sst s7  }
0x10: {  	[smem:$0x3FA2] =	sst s8  }
0x11: {  	[smem:$0x3FA3] =	sst s9;
	s0 =	simm.s32 @!p0 $0x0  }
0x12: {  	s1 =	sld [smem:$0x3F89];
	s0 =	simm.s32 @p0 $0x1  }
0x13: {  	[smem:$0x3FA4] =	sst s0;
	s0 =	simm.s32 @!p1 $0x0  }
0x14: {  	s2 =	sld [smem:$0x3F88];
	s0 =	simm.s32 @p1 $0x1  }
0x15: {  	[smem:$0x3FA5] =	sst s0;
	s0 =	simm.s32 @!p2 $0x0  }
0x16: {  	s3 =	sld [smem:$0x3FDB];
	s0 =	simm.s32 @p2 $0x1  }
0x17: {  	s4 =	simm.s32 $0x1BF5;
	[smem:$0x3FA7] =	sst s0  }
0x18: {  	s0 =	sld [smem:$0x3F8A];
	_ =	swait.ge [sflag:s4], $0x0  }
0x19: {  	s7 =	sld [smem:$0x3F8B]  }
0x1a: {  	s8 =	sadd.s32 $0xFFFFE003, lr  }
0x1b: {  	s9 =	sadd.s32 $0xFFFFFEF7, lr;
	s5 =	simm.s32 $0xFFFFFFFF;
	p2 =	slt.u32 s8, $0xFFFFF086  }
0x1c: {  	p1 =	slt.u32 s9, $0xF7A;
	s5 =	simm.s32 @!p2 $0x0  }
0x1d: {  	s5 =	simm.s32 @p1 $0x1;
	p0 =	seq.s32 s7, s2  }
0x1e: {  	s7 =	smul.u32 @!p0 $0xF7A, s2;
	p2 =	seq.s32 @!p0 s5, $0x0  }
0x1f: {  	s9 =	smul.u32 $0xF7A, s1;
	s8 =	simm.s32 @!p0 $0x1BF5;
	p2 =	por !p2, p0  }
0x20: {  	[sflag:s8] =	ssyncset.s32 @!p0 $0xFFFFF086;
	s6 =	sadd.s32 @!p0 s3, s7;
	s7 =	simm.s32 @!p0 $0x108  }
0x21: {  	s3 =	sadd.s32 s3, s9;
	s6 =	sadd.s32 @!p0 $0x88, s6;
	s7 =	simm.s32 @p2 $0x1082  }
0x22: {  	[simem:s7], [sflag:s8] =	dma.local @!p0 [hbm:s6], $0xF7A  }
0x23: {  	s9 =	sor.u32 $0xD0000000, s2;
	s6 =	simm.s32 $0x108;
	_ =	swait.ge @!p0 [sflag:s8], $0x0  }
0x24: {  	s3 =	sadd.s32 $0x88, s3;
	s6 =	simm.s32 @!p1 $0x1082;
	[sflag:s4] =	ssyncset.s32 $0xFFFFF086  }
0x25: {  	[simem:s6], [sflag:s4] =	dma.local [hbm:s3], $0xF7A  }
0x26: {  	[smem:$0x3F8B] =	sst s1;
	(tag) =	ssettag s2;
	_ =	strace s9  }
0x27: {  	s1 =	sld [smem:$0x3F9B]  }
0x28: {  	s2 =	sld [smem:$0x3F9C]  }
0x29: {  	s4 =	sld [smem:$0x3F9E]  }
0x2a: {  	p0 =	seq.s32 s5, $0x0;
	s5 =	sld [smem:$0x3F9F]  }
0x2b: {  	s6 =	sld [smem:$0x3FA0]  }
0x2c: {  	s7 =	sld [smem:$0x3FA1]  }
0x2d: {  	s3 =	simm.s32 $0x108;
	s8 =	sld [smem:$0x3FA2]  }
0x2e: {  	s3 =	simm.s32 @!p0 $0x1082;
	s9 =	sld [smem:$0x3FA3]  }
0x2f: {  	lr =	sadd.s32 s0, s3;
	s0 =	sld [smem:$0x3F9A]  }
0x30: {  	s3 =	sld [smem:$0x3F9D]  }
0x31: {  	[smem:$0x3FA6] =	sst s10  }
0x32: {  	s10 =	sld [smem:$0x3FA4];
	_ =	sdelay $0x3  }
0x33: {  	p0 =	seq.s32 s10, $0x1;
	s10 =	sld [smem:$0x3FA6];
	_ =	sdelay $0x3  }
0x34: {  	[smem:$0x3FA6] =	sst s10  }
0x35: {  	s10 =	sld [smem:$0x3FA5];
	_ =	sdelay $0x3  }
0x36: {  	p1 =	seq.s32 s10, $0x1;
	s10 =	sld [smem:$0x3FA6];
	_ =	sdelay $0x3  }
0x37: {  	[smem:$0x3FA6] =	sst s10  }
0x38: {  	s10 =	sld [smem:$0x3FA7]  }
0x39: {  	_ = 	snop;
	(pc) =	sbr.ind lr, $3  }
0x3a: {  	_ = 	snop  }
0x3b: {  	_ = 	snop  }
0x3c: {  	p2 =	seq.s32 s10, $0x1;
	s10 =	sld [smem:$0x3FA6]  }
0x3d: {  	_ =	shalt  }
0x3e: {  	_ =	shalt  }
0x3f: {  	_ =	shalt  }
0x40: {  	_ =	shalt  }
0x41: {  	_ =	shalt  }
0x42: {  	_ =	shalt  }
0x43: {  	_ =	shalt  }
0x44: {  	_ =	shalt  }
0x45: {  	_ =	shalt  }
0x46: {  	_ =	shalt  }
0x47: {  	_ =	shalt  }
0x48: {  	_ =	shalt  }
0x49: {  	_ =	shalt  }
0x4a: {  	_ =	shalt  }
0x4b: {  	_ =	shalt  }
0x4c: {  	_ =	shalt  }
0x4d: {  	_ =	shalt  }
0x4e: {  	_ =	shalt  }
0x4f: {  	_ =	shalt  }
0x50: {  	_ =	shalt  }
0x51: {  	_ =	shalt  }
0x52: {  	_ =	shalt  }
0x53: {  	_ =	shalt  }
0x54: {  	_ =	shalt  }
0x55: {  	_ =	shalt  }
0x56: {  	_ =	shalt  }
0x57: {  	_ =	shalt  }
0x58: {  	_ =	shalt  }
0x59: {  	_ =	shalt  }
0x5a: {  	_ =	shalt  }
0x5b: {  	_ =	shalt  }
0x5c: {  	_ =	shalt  }
0x5d: {  	_ =	shalt  }
0x5e: {  	_ =	shalt  }
0x5f: {  	_ =	shalt  }
0x60: {  	_ =	shalt  }
0x61: {  	_ =	shalt  }
0x62: {  	_ =	shalt  }
0x63: {  	_ =	shalt  }
0x64: {  	_ =	shalt  }
0x65: {  	_ =	shalt  }
0x66: {  	_ =	shalt  }
0x67: {  	_ =	shalt  }
0x68: {  	_ =	shalt  }
0x69: {  	_ =	shalt  }
0x6a: {  	_ =	shalt  }
0x6b: {  	_ =	shalt  }
0x6c: {  	_ =	shalt  }
0x6d: {  	_ =	shalt  }
0x6e: {  	_ =	shalt  }
0x6f: {  	_ =	shalt  }
0x70: {  	_ =	shalt  }
0x71: {  	_ =	shalt  }
0x72: {  	_ =	shalt  }
0x73: {  	_ =	shalt  }
0x74: {  	_ =	shalt  }
0x75: {  	_ =	shalt  }
0x76: {  	_ =	shalt  }
0x77: {  	_ =	shalt  }
0x78: {  	_ =	shalt  }
0x79: {  	_ =	shalt  }
0x7a: {  	_ =	shalt  }
0x7b: {  	_ =	shalt  }
0x7c: {  	_ =	shalt  }
0x7d: {  	_ =	shalt  }
0x7e: {  	_ =	shalt  }
0x7f: {  	_ =	shalt  }
0x80: {  	_ =	shalt  }
0x81: {  	_ =	shalt  }
0x82: {  	_ =	shalt  }
0x83: {  	_ =	shalt  }
0x84: {  	_ =	shalt  }
0x85: {  	_ =	shalt  }
0x86: {  	_ =	shalt  }
0x87: {  	_ =	shalt  }
.Lfunc_end0:
.L_simem_size_0:
called_computation.1_lowered:
.L_overlay_start_0:
0x88: {  	s2 =	sld [smem:$0x3FD9]  }
0x89: {  	s3 =	sld [smem:$0x3FFE];
	_ =	sdelay $0x1  }
0x8a: {  	s1 =	srdreg.scid  }
0x8b: {  	s0 =	sand.u32 $0x1, s1  }
0x8c: {  	s17 =	sshll.u32 s0, $0xA;
	s2 =	sadd.s32 s3, s2  }
0x8d: {  	s2 =	sadd.s32 s2, s17  }
0x8e: {  	[smem:$0x3FB2] =	sst s2  }
0x8f: {  	_ = 	snop  }
0x90: {  	s2 =	sld [smem:$0x3FC9];
	(tm) =	ssettm $0x1  }
0x91: {  	s18 =	sld [smem:$0x3FFB];
	_ =	sdelay $0x3  }
0x92: {  	_ =	strace s18  }
0x93: {  	s3 =	sld [smem:$0x3FFC];
	_ =	sdelay $0x3  }
0x94: {  	_ =	strace s3  }
0x95: {  	s3 =	sld [smem:$0x3FFD];
	_ =	sdelay $0x3  }
0x96: {  	_ =	strace s3  }
0x97: {  	_ =	strace $0x8FFFFFFF  }
0x98: {  	s19 =	sld [smem:$0x3FDB];
	_ =	sdelay $0x1  }
0x99: {  	s4 =	simm.s32 $_scs_section_size  }
0x9a: {  	s5 =	simm.s32 $_size__tile_overlayer_lowered;
	s6 =	simm.s32 $_tile_overlayer_lowered  }
0x9b: {  	s22 =	simm.s32 $0x1BFF;
	s21 =	sshll.u32 s6, $0x1;
	s3 =	sadd.s32 s4, s19  }
0x9c: {  	s7 =	simm.s32 $0x0;
	s20 =	sshll.u32 s5, $0x1;
	s5 =	sadd.s32 s21, s3  }
0x9d: {  	[timem:s7], [sflag:s22] =	dma.local [hbm:s5], s20  }
0x9e: {  	_ =	swait.ge [sflag:s22], s20  }
0x9f: {  	s4 =	ssub.s32 $0x0, s20;
	[sflag:s22] =	ssyncset.done $0x0  }
0xa0: {  	[sflag:s22] =	ssyncadd.s32 s4;
	_ =	sdelay $0x1  }
0xa1: {  	s23 =	simm.s32 $0x1B8B  }
0xa2: {  	_ =	swait.ge [sflag:s23], $0x1  }
0xa3: {  	[sflag:s23] =	ssyncset.done $0x0  }
0xa4: {  	s25 =	simm.s32 $0x1B8E;
	s24 =	sld [smem:$0x3FFE];
	[sflag:s23] =	ssyncadd.s32 $0xFFFFFFFF  }
0xa5: {  	s26 =	simm.s32 $execute0_lowered;
	[smem:$0x3FD2] =	sst s25  }
0xa6: {  	s5 =	sshll.u32 s26, $0x1;
	_ =	strace $0x80000046;
	[dreg:$0x1] =	wrdreg $0xFFFFFFFF  }
0xa7: {  	s28 =	simm.s32 $_size_execute0_lowered;
	s3 =	sadd.s32 s3, s5;
	[dreg:$0x0] =	wrdreg $0x0  }
0xa8: {  	s5 =	sshll.u32 s28, $0x1;
	[dreg:$0x2] =	wrdreg s3  }
0xa9: {  	[dreg:$0x3] =	wrdreg s5  }
0xaa: {  	[dreg:$0x4] =	wrdreg $0xC0  }
0xab: {  	_ =	task [dreg:s7], $0x5FFFF  }
0xac: {  	[dreg:$0x1] =	wrdreg $0xFFFFFFFF  }
0xad: {  	[dreg:$0x0] =	wrdreg $0x60  }
0xae: {  	[dreg:$0x2] =	wrdreg s2  }
0xaf: {  	[dreg:$0x3] =	wrdreg s24  }
0xb0: {  	[dreg:$0x4] =	wrdreg $0x91000  }
0xb1: {  	[dreg:$0x5] =	wrdreg $0xA  }
0xb2: {  	_ =	task.clear_ibuf [dreg:s7], $0x6FFFF;
	_ =	strace $0x90000046  }
0xb3: {  	s29 =	simm.s32 $0xA;
	_ =	strace $0x80000048  }
0xb4: {  	_ =	swait.ge [sflag:s29], $0x1  }
0xb5: {  	[sflag:s29] =	ssyncadd.s32 $0xFFFFFFFF  }
0xb6: {  	_ =	strace $0x90000048  }
0xb7: {  	_ =	sfence  }
0xb8: {  	s30 =	sld [smem:$0x0];
	_ =	sdelay $0x2  }
0xb9: {  	s31 =	sshll.u32 s1, $0xD;
	s1 =	sshrl.u32 s1, $0x2  }
0xba: {  	s3 =	sand.u32 $0x4000, s31;
	s1 =	sadd.s32 s1, s30  }
0xbb: {  	s0 =	sor.u32 s3, s0;
	s1 =	sshll.u32 s1, $0x11  }
0xbc: {  	s0 =	sor.u32 s1, s0  }
0xbd: {  	s0 =	sadd.s32 $0x8F2B, s0  }
0xbe: {  	[sflag:s0] =	ssyncadd.remote.s32 $0x1  }
0xbf: {  	_ =	sfence.sel $0xFFFF  }
0xc0: {  	[dreg:$0x0] =	wrdreg $0xFFFFFFFF;
	(pc) =	sbr.abs _section_cstart, $3  }
0xc1: {  	[dreg:$0x1] =	wrdreg $0xFFFFFFFF  }
0xc2: {  	_ =	task.clear_ibuf [dreg:s7], $0x2FFFF;
	_ =	strace $0x9FFFFFFF  }
0xc3: {  	(tm) =	ssettm $0x7FFFFFFF  }
tec
execute0_lowered:
.L_overlay_start_1:
0x0: {  	(tag) =	ssettag $0x1  }
0x1: {  	s1 =	rddreg [dreg:$0x0]  }
0x2: {  	s0 =	rddreg [dreg:$0x1]  }
0x3: {  	s2 =	rddreg [dreg:$0x2];
	s4 =	simm.s32 $0x0;
	s3 =	srdreg.scid  }
0x4: {  	s18 =	stileid.u32;
	s21 =	simm.s32 $0x80;
	s22 =	simm.s32 $0x3  }
0x5: {  	s23 =	simm.s32 $0x50;
	s24 =	simm.s32 $0x4100;
	s25 =	simm.s32 $0x4  }
0x6: {  	s28 =	simm.s32 $0x6900;
	s29 =	simm.s32 $0x2;
	[smem:$0x7FF] =	sst s4  }
0x7: {  	s3 =	sand.u32 $0x1, s3;
	s6 =	sshll.u32 s18, $0xF;
	s12 =	smul.u32 $0x13800, s18  }
0x8: {  	s5 =	sadd.s32 $0x14400, s0;
	s8 =	smul.u32 $0x4E000, s18;
	s13 =	sadd.s32 $0x4B600, s0  }
0x9: {  	s30 =	sshll.u32 s18, $0x6;
	s19 =	sadd.s32 $0x138000, s2;
	p0 =	sne.s32 s18, $0xF  }
0xa: {  	s18 =	simm.s32 $0x5;
	s7 =	sshll.u32 s3, $0xE;
	_ =	strace $0x80000047  }
0xb: {  	s9 =	ssub.s32 $0x2, s3;
	s3 =	smul.u32 $0x138800, s3;
	s19 =	sshrl.u32 @!p0 s19, $0x3  }
0xc: {  	s6 =	sor.u32 s7, s6;
	s26 =	sshrl.u32 s12, $0x3;
	s14 =	sshrl.u32 s9, $0x1  }
0xd: {  	s8 =	sshrl.u32 s8, $0x2;
	s11 =	sshrl.u32 s6, $0x3;
	s7 =	sadd.s32 s26, s0  }
0xe: {  	s15 =	ssub.s32 s9, s14;
	s17 =	sadd.s32 s8, s2;
	s8 =	sor.u32 $0x1C05, s30  }
0xf: {  	s9 =	sadd.s32 $0x4B400, s0;
	s31 =	sadd.s32 s12, s3;
	s3 =	sshrl.u32 s3, $0x3  }
0x10: {  	s26 =	simm.s32 $0x1;
	s10 =	sadd.s32 s11, s0;
	s7 =	sadd.s32 $0x24400, s7  }
0x11: {  	s11 =	sadd.s32 s5, s11;
	s0 =	sshrl.u32 s31, $0x3;
	s3 =	sadd.s32 s13, s3  }
0x12: {  	s15 =	smax.u32 s15, $0x1;
	s17 =	sshrl.u32 s17, $0x3;
	[dreg:$0x4] =	wrdreg s7  }
0x13: {  	s10 =	sadd.s32 $0x4400, s10;
	s12 =	sadd.s32 $0x10, s11;
	s13 =	sadd.s32 s13, s0  }
0x14: {  	s14 =	sadd.s32 $0x27000, s3;
	s16 =	sadd.s32 $0x7C0, s11;
	s3 =	simm.s32 $0x0  }
.LBB2_1:
0x15: {  	s0 =	rddreg [dreg:$0x4]  }
0x16: {  	[spmem:s17], [sflag:s8] =	dma.local [hbm:s0], $0x2700  }
0x17: {  	_ =	swait.ge [sflag:s18], $0x2700  }
0x18: {  	[sflag:s18] =	ssyncset.done $0x0  }
0x19: {  	s20 =	simm.s32 @!p0 $0x5;
	[sflag:s18] =	ssyncadd.s32 $0xFFFFD900  }
0x1a: {  	[spmem:s19], [sflag:s8] =	dma.local @!p0 [hbm:s9], $0x100  }
0x1b: {  	_ =	swait.ge @!p0 [sflag:s20], $0x100  }
0x1c: {  	[sflag:s20] =	ssyncset.done @!p0 $0x0  }
0x1d: {  	s31 =	simm.s32 $0x100;
	[sflag:s20] =	ssyncadd.s32 @!p0 $0xFFFFFF00  }
0x1e: {  	[tilespmem:s31], [sflag:$0x5] =	stream.linear.gather [hbm4b:s10+s4], $0x3E80, $0x38;
	[tilespmem:$0x1C980] =	vst v63  }
0x1f: {  	_ =	swait.ge [sflag:s18], $0x3E80  }
0x20: {  	[sflag:s18] =	ssyncset.done $0x0  }
0x21: {  	[sflag:s18] =	ssyncadd.s32 $0xFFFFC180  }
0x22: {  	[bflag:$0x0] =	sbarrier.arrive $0xFFFF  }
0x23: {  	[tilespmem:s4], [sflag:$0x3] =	stream.linear.gather [hbm4b:s11+s4], $0x80, $0x38;
	[tilespmem:$0x1C980] =	vst v63  }
0x24: {  	_ = 	snop  }
0x25: {  	[tilespmem:s21], [sflag:$0x4] =	stream.linear.gather [hbm4b:s12+s4], $0x80, $0x38;
	[tilespmem:$0x1C980] =	vst v63  }
0x26: {  	_ =	swait.ge [sflag:s22], $0x80  }
0x27: {  	[sflag:s22] =	ssyncset.done $0x0  }
0x28: {  	[sflag:s22] =	ssyncadd.s32 $0xFFFFFF80  }
0x29: {  	[tilespmem:s24], [sflag:$0x1] =	stream.indirect.gather [hbm4b:s1+s23], $0x80, s4, s23, $0xb8;
	[tilespmem:$0x1C980] =	vst v63  }
0x2a: {  	s7 =	simm.s32 $0x100;
	_ =	swait.ge [sflag:s25], $0x80  }
0x2b: {  	s30 =	sand.u32 $0x7C00, s7;
	[sflag:s25] =	ssyncset.done $0x0  }
0x2c: {  	s30 =	sadd.s32 s6, s30;
	s20 =	sand.u32 $0x300, s7;
	[sflag:s25] =	ssyncadd.s32 $0xFFFFFF80  }
0x2d: {  	s20 =	sor.u32 s20, s30;
	_ =	swait.ge [sflag:s26], $0x2800  }
0x2e: {  	s20 =	sshrl.u32 s20, $0x3;
	[sflag:s26] =	ssyncset.done $0x0  }
0x2f: {  	s20 =	sadd.s32 s5, s20;
	[sflag:s26] =	ssyncadd.s32 $0xFFFFD800  }
0x30: {  	[tilespmem:s4], [sflag:$0x3] =	stream.linear.gather [hbm4b:s20+s4], $0x80, $0x38;
	[tilespmem:$0x1C980] =	vst v63  }
0x31: {  	_ = 	snop  }
0x32: {  	[tilespmem:s28], [sflag:$0x2] =	stream.indirect.gather [hbm4b:s1+s23], $0x80, s21, s23, $0xb8;
	[tilespmem:$0x1C980] =	vst v63  }
0x33: {  	s31 =	simm.s32 $0x100  }
0x34: {  	[spmem:s2] =	stream.indirect.scatter.add.f32 [tilespmem:s24], [sflag:$0x5], $0x80, s31, s23, $0xb8;
	[tilespmem:$0x1C980] =	vst v63  }
0x35: {  	_ =	swait.ge [sflag:s18], $0x2800  }
0x36: {  	[sflag:s18] =	ssyncset.done $0x0  }
0x37: {  	[sflag:s18] =	ssyncadd.s32 $0xFFFFD800  }
0x38: {  	s20 =	simm.s32 $0x180;
	_ =	swait.ge [sflag:s22], $0x80  }
0x39: {  	s30 =	sand.u32 $0x7C00, s20;
	[sflag:s22] =	ssyncset.done $0x0  }
0x3a: {  	s30 =	sadd.s32 s6, s30;
	s31 =	sand.u32 $0x380, s20;
	[sflag:s22] =	ssyncadd.s32 $0xFFFFFF80  }
0x3b: {  	s30 =	sor.u32 s31, s30;
	_ =	swait.ge [sflag:s29], $0x2800  }
0x3c: {  	s30 =	sshrl.u32 s30, $0x3;
	[sflag:s29] =	ssyncset.done $0x0  }
0x3d: {  	s30 =	sadd.s32 s5, s30;
	[sflag:s29] =	ssyncadd.s32 $0xFFFFD800  }
0x3e: {  	[tilespmem:s21], [sflag:$0x4] =	stream.linear.gather [hbm4b:s30+s4], $0x80, $0x38;
	[tilespmem:$0x1C980] =	vst v63  }
0x3f: {  	_ = 	snop  }
0x40: {  	[tilespmem:s24], [sflag:$0x1] =	stream.indirect.gather [hbm4b:s1+s23], $0x80, s4, s23, $0xb8;
	[tilespmem:$0x1C980] =	vst v63  }
0x41: {  	_ = 	snop  }
0x42: {  	[spmem:s2] =	stream.indirect.scatter.add.f32 [tilespmem:s28], [sflag:$0x5], $0x80, s20, s23, $0xb8;
	[tilespmem:$0x1C980] =	vst v63  }
0x43: {  	_ =	swait.ge [sflag:s18], $0x2800  }
0x44: {  	s30 =	simm.s32 $0x280;
	[sflag:s18] =	ssyncset.done $0x0  }
.LBB2_2:
0x45: {  	p1 =	sne.s32 s30, $0x3D80;
	[sflag:s18] =	ssyncadd.s32 $0xFFFFD800;
	s20 =	sadd.s32 $0x100, s20  }
0x46: {  	s31 =	smov.u32 s30;
	s30 =	sadd.s32 $0x100, s30;
	_ =	swait.ge [sflag:s25], $0x80  }
0x47: {  	s0 =	sadd.s32 $0xFFFFFF80, s31;
	[sflag:s25] =	ssyncset.done $0x0  }
0x48: {  	s7 =	sand.u32 $0x7C00, s0;
	[sflag:s25] =	ssyncadd.s32 $0xFFFFFF80  }
0x49: {  	s0 =	sand.u32 $0x300, s0;
	s7 =	sadd.s32 s6, s7  }
0x4a: {  	s0 =	sor.u32 s0, s7;
	_ =	swait.ge [sflag:s26], $0x2800  }
0x4b: {  	s0 =	sshrl.u32 s0, $0x3;
	[sflag:s26] =	ssyncset.done $0x0  }
0x4c: {  	s0 =	sadd.s32 s5, s0;
	[sflag:s26] =	ssyncadd.s32 $0xFFFFD800  }
0x4d: {  	[tilespmem:s4], [sflag:$0x3] =	stream.linear.gather [hbm4b:s0+s4], $0x80, $0x38;
	[tilespmem:$0x1C980] =	vst v63  }
0x4e: {  	_ = 	snop  }
0x4f: {  	[tilespmem:s28], [sflag:$0x2] =	stream.indirect.gather [hbm4b:s1+s23], $0x80, s21, s23, $0xb8;
	[tilespmem:$0x1C980] =	vst v63  }
0x50: {  	s0 =	sadd.s32 $0xFFFFFF80, s20  }
0x51: {  	[spmem:s2] =	stream.indirect.scatter.add.f32 [tilespmem:s24], [sflag:$0x5], $0x80, s0, s23, $0xb8;
	[tilespmem:$0x1C980] =	vst v63  }
0x52: {  	_ =	swait.ge [sflag:s18], $0x2800  }
0x53: {  	[sflag:s18] =	ssyncset.done $0x0  }
0x54: {  	[sflag:s18] =	ssyncadd.s32 $0xFFFFD800  }
0x55: {  	_ =	swait.ge [sflag:s22], $0x80  }
0x56: {  	s0 =	sand.u32 $0x7C00, s31;
	[sflag:s22] =	ssyncset.done $0x0  }
0x57: {  	s7 =	sand.u32 $0x380, s31;
	s0 =	sadd.s32 s6, s0;
	[sflag:s22] =	ssyncadd.s32 $0xFFFFFF80  }
0x58: {  	s0 =	sor.u32 s7, s0;
	_ =	swait.ge [sflag:s29], $0x2800  }
0x59: {  	s0 =	sshrl.u32 s0, $0x3;
	[sflag:s29] =	ssyncset.done $0x0  }
0x5a: {  	s0 =	sadd.s32 s5, s0;
	[sflag:s29] =	ssyncadd.s32 $0xFFFFD800  }
0x5b: {  	[tilespmem:s21], [sflag:$0x4] =	stream.linear.gather [hbm4b:s0+s4], $0x80, $0x38;
	[tilespmem:$0x1C980] =	vst v63  }
0x5c: {  	_ = 	snop  }
0x5d: {  	[tilespmem:s24], [sflag:$0x1] =	stream.indirect.gather [hbm4b:s1+s23], $0x80, s4, s23, $0xb8;
	[tilespmem:$0x1C980] =	vst v63  }
.Ltmp0:
0x5e: {  	_ = 	snop;
	(pc) =	sbr.rel @p1 .LBB2_2-.Ltmp0, $4  }
0x5f: {  	_ = 	snop  }
0x60: {  	[spmem:s2] =	stream.indirect.scatter.add.f32 [tilespmem:s28], [sflag:$0x5], $0x80, s20, s23, $0xb8;
	[tilespmem:$0x1C980] =	vst v63  }
0x61: {  	_ =	swait.ge [sflag:s18], $0x2800  }
0x62: {  	[sflag:s18] =	ssyncset.done $0x0  }
0x63: {  	[sflag:s18] =	ssyncadd.s32 $0xFFFFD800  }
0x64: {  	_ =	swait.ge [sflag:s25], $0x80  }
0x65: {  	[sflag:s25] =	ssyncset.done $0x0  }
0x66: {  	[sflag:s25] =	ssyncadd.s32 $0xFFFFFF80  }
0x67: {  	_ =	swait.ge [sflag:s26], $0x2800  }
0x68: {  	[sflag:s26] =	ssyncset.done $0x0  }
0x69: {  	[sflag:s26] =	ssyncadd.s32 $0xFFFFD800  }
0x6a: {  	[tilespmem:s4], [sflag:$0x3] =	stream.linear.gather [hbm4b:s16+s4], $0x80, $0x38;
	[tilespmem:$0x1C980] =	vst v63  }
0x6b: {  	_ = 	snop  }
0x6c: {  	[tilespmem:s28], [sflag:$0x2] =	stream.indirect.gather [hbm4b:s1+s23], $0x80, s21, s23, $0xb8;
	[tilespmem:$0x1C980] =	vst v63  }
0x6d: {  	s0 =	simm.s32 $0x3E00  }
0x6e: {  	[spmem:s2] =	stream.indirect.scatter.add.f32 [tilespmem:s24], [sflag:$0x5], $0x80, s0, s23, $0xb8;
	[tilespmem:$0x1C980] =	vst v63  }
0x6f: {  	_ =	swait.ge [sflag:s18], $0x2800  }
0x70: {  	[sflag:s18] =	ssyncset.done $0x0  }
0x71: {  	[sflag:s18] =	ssyncadd.s32 $0xFFFFD800  }
0x72: {  	_ =	swait.ge [sflag:s22], $0x80  }
0x73: {  	[sflag:s22] =	ssyncset.done $0x0  }
0x74: {  	[sflag:s22] =	ssyncadd.s32 $0xFFFFFF80  }
0x75: {  	_ =	swait.ge [sflag:s29], $0x2800  }
0x76: {  	[sflag:s29] =	ssyncset.done $0x0  }
0x77: {  	[sflag:s29] =	ssyncadd.s32 $0xFFFFD800  }
0x78: {  	[tilespmem:s21], [sflag:$0x4] =	stream.linear.gather [hbm4b:s16+s4], $0x80, $0x38;
	[tilespmem:$0x1C980] =	vst v63  }
0x79: {  	_ = 	snop  }
0x7a: {  	[tilespmem:s24], [sflag:$0x1] =	stream.indirect.gather [hbm4b:s1+s23], $0x80, s4, s23, $0xb8;
	[tilespmem:$0x1C980] =	vst v63  }
0x7b: {  	s30 =	simm.s32 $0x3E80  }
0x7c: {  	[spmem:s2] =	stream.indirect.scatter.add.f32 [tilespmem:s28], [sflag:$0x5], $0x80, s30, s23, $0xb8;
	[tilespmem:$0x1C980] =	vst v63  }
0x7d: {  	_ =	swait.ge [sflag:s18], $0x2800  }
0x7e: {  	[sflag:s18] =	ssyncset.done $0x0  }
0x7f: {  	[sflag:s18] =	ssyncadd.s32 $0xFFFFD800  }
0x80: {  	_ =	swait.ge [sflag:s25], $0x80  }
0x81: {  	[sflag:s25] =	ssyncset.done $0x0  }
0x82: {  	[sflag:s25] =	ssyncadd.s32 $0xFFFFFF80  }
0x83: {  	_ =	swait.ge [sflag:s26], $0x2800  }
0x84: {  	[sflag:s26] =	ssyncset.done $0x0  }
0x85: {  	s31 =	simm.s32 $0x3F00;
	[sflag:s26] =	ssyncadd.s32 $0xFFFFD800  }
0x86: {  	[spmem:s2] =	stream.indirect.scatter.add.f32 [tilespmem:s24], [sflag:$0x5], $0x80, s31, s23, $0xb8;
	[tilespmem:$0x1C980] =	vst v63  }
0x87: {  	_ =	swait.ge [sflag:s18], $0x2800  }
0x88: {  	[sflag:s18] =	ssyncset.done $0x0  }
0x89: {  	[sflag:s18] =	ssyncadd.s32 $0xFFFFD800  }
0x8a: {  	[bflag:$0x0] =	sbarrier.arrive $0xFFFF  }
0x8b: {  	[hbm:s13], [sflag:s8] =	dma.local [spmem:s17], $0x2700  }
0x8c: {  	s3 =	sadd.s32 $0x1, s3;
	_ =	swait.ge [sflag:s18], $0x2700  }
0x8d: {  	p1 =	sne.s32 s3, s15;
	[sflag:s18] =	ssyncset.done $0x0  }
.Ltmp1:
0x8e: {  	s0 =	simm.s32 @!p0 $0x5;
	[sflag:s18] =	ssyncadd.s32 $0xFFFFD900;
	(pc) =	sbr.rel @p1 .LBB2_1-.Ltmp1, $4  }
0x8f: {  	[hbm:s14], [sflag:s8] =	dma.local @!p0 [spmem:s19], $0x100  }
0x90: {  	_ =	swait.ge @!p0 [sflag:s0], $0x100  }
0x91: {  	[sflag:s0] =	ssyncset.done @!p0 $0x0  }
0x92: {  	[sflag:s0] =	ssyncadd.s32 @!p0 $0xFFFFFF00  }
0x93: {  	_ =	sfence.sel $0x180000  }
0x94: {  	[bflag:$0x0] =	sbarrier.arrive $0xFFFF  }
0x95: {  	_ =	strace $0x90000047  }
0x96: {  	s0 =	stileid.u32;
	[bflag:$0x2] =	sbarrier.arrive $0xFFFF  }
0x97: {  	p0 =	sne.s32 s0, $0x0;
	s0 =	rddreg [dreg:$0x3]  }
0x98: {  	s0 =	sadd.s32 @!p0 $0x100000, s0  }
0x99: {  	[sflag:s0] =	ssyncadd.tile.s32 @!p0 $0x1;
	_ =	shalt  }
.Lfunc_end2:
_tile_overlayer_lowered:
.L_overlay_start_2:
0x9a: {  	(tag) =	ssettag $0x2  }
0x9b: {  	s0 =	rddreg [dreg:$0x0];
	s2 =	stileid.u32  }
0x9c: {  	s1 =	rddreg [dreg:$0x1];
	p0 =	sne.s32 s2, $0x0  }
0x9d: {  	s3 =	rddreg [dreg:$0x2];
	[bflag:$0x3] =	sbarrier.arrive $0xFFFF;
	s2 =	simm.s32 @!p0 $0x1C05  }
0x9e: {  	[timem:s3], [sflag:s2] =	dma.local @!p0 [hbm:s0], s1  }
0x9f: {  	s0 =	simm.s32 @!p0 $0x5  }
0xa0: {  	_ =	swait.ge @!p0 [sflag:s0], s1  }
0xa1: {  	s1 =	ssub.s32 @!p0 $0x0, s1;
	[sflag:s0] =	ssyncset.done @!p0 $0x0  }
0xa2: {  	[sflag:s0] =	ssyncadd.s32 @!p0 s1  }
0xa3: {  	[bflag:$0x3] =	sbarrier.arrive $0xFFFF  }
0xa4: {  	_ =	shalt  }

// kernel: kernel.15.cloned.1.call-start
scs
__scs_entry_jumppad:
0x0: {  	(pc) =	sbr.rel $0x88, $3  }
0x1: {  	(tag) =	ssettag $0x0;
	lr =	simm.s32 $0x1  }
0x2: {  	[smem:$0x3F8B] =	sst lr;
	_ =	strace $0xD0000000  }
0x3: {  	_ = 	snop  }
0x4: {  	_ = 	snop  }
0x5: {  	_ = 	snop  }
0x6: {  	_ = 	snop  }
0x7: {  	_ = 	snop  }
__scs_overlays_trampoline_lowered:
0x8: {  	[smem:$0x3F9A] =	sst s0  }
0x9: {  	[smem:$0x3F9B] =	sst s1  }
0xa: {  	[smem:$0x3F9C] =	sst s2  }
0xb: {  	[smem:$0x3F9D] =	sst s3  }
0xc: {  	[smem:$0x3F9E] =	sst s4  }
0xd: {  	[smem:$0x3F9F] =	sst s5  }
0xe: {  	[smem:$0x3FA0] =	sst s6  }
0xf: {  	[smem:$0x3FA1] =	sst s7  }
0x10: {  	[smem:$0x3FA2] =	sst s8  }
0x11: {  	[smem:$0x3FA3] =	sst s9;
	s0 =	simm.s32 @!p0 $0x0  }
0x12: {  	s1 =	sld [smem:$0x3F89];
	s0 =	simm.s32 @p0 $0x1  }
0x13: {  	[smem:$0x3FA4] =	sst s0;
	s0 =	simm.s32 @!p1 $0x0  }
0x14: {  	s2 =	sld [smem:$0x3F88];
	s0 =	simm.s32 @p1 $0x1  }
0x15: {  	[smem:$0x3FA5] =	sst s0;
	s0 =	simm.s32 @!p2 $0x0  }
0x16: {  	s3 =	sld [smem:$0x3FDB];
	s0 =	simm.s32 @p2 $0x1  }
0x17: {  	s4 =	simm.s32 $0x1BF5;
	[smem:$0x3FA7] =	sst s0  }
0x18: {  	s0 =	sld [smem:$0x3F8A];
	_ =	swait.ge [sflag:s4], $0x0  }
0x19: {  	s7 =	sld [smem:$0x3F8B]  }
0x1a: {  	s8 =	sadd.s32 $0xFFFFE003, lr  }
0x1b: {  	s9 =	sadd.s32 $0xFFFFFEF7, lr;
	s5 =	simm.s32 $0xFFFFFFFF;
	p2 =	slt.u32 s8, $0xFFFFF086  }
0x1c: {  	p1 =	slt.u32 s9, $0xF7A;
	s5 =	simm.s32 @!p2 $0x0  }
0x1d: {  	s5 =	simm.s32 @p1 $0x1;
	p0 =	seq.s32 s7, s2  }
0x1e: {  	s7 =	smul.u32 @!p0 $0xF7A, s2;
	p2 =	seq.s32 @!p0 s5, $0x0  }
0x1f: {  	s9 =	smul.u32 $0xF7A, s1;
	s8 =	simm.s32 @!p0 $0x1BF5;
	p2 =	por !p2, p0  }
0x20: {  	[sflag:s8] =	ssyncset.s32 @!p0 $0xFFFFF086;
	s6 =	sadd.s32 @!p0 s3, s7;
	s7 =	simm.s32 @!p0 $0x108  }
0x21: {  	s3 =	sadd.s32 s3, s9;
	s6 =	sadd.s32 @!p0 $0x88, s6;
	s7 =	simm.s32 @p2 $0x1082  }
0x22: {  	[simem:s7], [sflag:s8] =	dma.local @!p0 [hbm:s6], $0xF7A  }
0x23: {  	s9 =	sor.u32 $0xD0000000, s2;
	s6 =	simm.s32 $0x108;
	_ =	swait.ge @!p0 [sflag:s8], $0x0  }
0x24: {  	s3 =	sadd.s32 $0x88, s3;
	s6 =	simm.s32 @!p1 $0x1082;
	[sflag:s4] =	ssyncset.s32 $0xFFFFF086  }
0x25: {  	[simem:s6], [sflag:s4] =	dma.local [hbm:s3], $0xF7A  }
0x26: {  	[smem:$0x3F8B] =	sst s1;
	(tag) =	ssettag s2;
	_ =	strace s9  }
0x27: {  	s1 =	sld [smem:$0x3F9B]  }
0x28: {  	s2 =	sld [smem:$0x3F9C]  }
0x29: {  	s4 =	sld [smem:$0x3F9E]  }
0x2a: {  	p0 =	seq.s32 s5, $0x0;
	s5 =	sld [smem:$0x3F9F]  }
0x2b: {  	s6 =	sld [smem:$0x3FA0]  }
0x2c: {  	s7 =	sld [smem:$0x3FA1]  }
0x2d: {  	s3 =	simm.s32 $0x108;
	s8 =	sld [smem:$0x3FA2]  }
0x2e: {  	s3 =	simm.s32 @!p0 $0x1082;
	s9 =	sld [smem:$0x3FA3]  }
0x2f: {  	lr =	sadd.s32 s0, s3;
	s0 =	sld [smem:$0x3F9A]  }
0x30: {  	s3 =	sld [smem:$0x3F9D]  }
0x31: {  	[smem:$0x3FA6] =	sst s10  }
0x32: {  	s10 =	sld [smem:$0x3FA4];
	_ =	sdelay $0x3  }
0x33: {  	p0 =	seq.s32 s10, $0x1;
	s10 =	sld [smem:$0x3FA6];
	_ =	sdelay $0x3  }
0x34: {  	[smem:$0x3FA6] =	sst s10  }
0x35: {  	s10 =	sld [smem:$0x3FA5];
	_ =	sdelay $0x3  }
0x36: {  	p1 =	seq.s32 s10, $0x1;
	s10 =	sld [smem:$0x3FA6];
	_ =	sdelay $0x3  }
0x37: {  	[smem:$0x3FA6] =	sst s10  }
0x38: {  	s10 =	sld [smem:$0x3FA7]  }
0x39: {  	_ = 	snop;
	(pc) =	sbr.ind lr, $3  }
0x3a: {  	_ = 	snop  }
0x3b: {  	_ = 	snop  }
0x3c: {  	p2 =	seq.s32 s10, $0x1;
	s10 =	sld [smem:$0x3FA6]  }
0x3d: {  	_ =	shalt  }
0x3e: {  	_ =	shalt  }
0x3f: {  	_ =	shalt  }
0x40: {  	_ =	shalt  }
0x41: {  	_ =	shalt  }
0x42: {  	_ =	shalt  }
0x43: {  	_ =	shalt  }
0x44: {  	_ =	shalt  }
0x45: {  	_ =	shalt  }
0x46: {  	_ =	shalt  }
0x47: {  	_ =	shalt  }
0x48: {  	_ =	shalt  }
0x49: {  	_ =	shalt  }
0x4a: {  	_ =	shalt  }
0x4b: {  	_ =	shalt  }
0x4c: {  	_ =	shalt  }
0x4d: {  	_ =	shalt  }
0x4e: {  	_ =	shalt  }
0x4f: {  	_ =	shalt  }
0x50: {  	_ =	shalt  }
0x51: {  	_ =	shalt  }
0x52: {  	_ =	shalt  }
0x53: {  	_ =	shalt  }
0x54: {  	_ =	shalt  }
0x55: {  	_ =	shalt  }
0x56: {  	_ =	shalt  }
0x57: {  	_ =	shalt  }
0x58: {  	_ =	shalt  }
0x59: {  	_ =	shalt  }
0x5a: {  	_ =	shalt  }
0x5b: {  	_ =	shalt  }
0x5c: {  	_ =	shalt  }
0x5d: {  	_ =	shalt  }
0x5e: {  	_ =	shalt  }
0x5f: {  	_ =	shalt  }
0x60: {  	_ =	shalt  }
0x61: {  	_ =	shalt  }
0x62: {  	_ =	shalt  }
0x63: {  	_ =	shalt  }
0x64: {  	_ =	shalt  }
0x65: {  	_ =	shalt  }
0x66: {  	_ =	shalt  }
0x67: {  	_ =	shalt  }
0x68: {  	_ =	shalt  }
0x69: {  	_ =	shalt  }
0x6a: {  	_ =	shalt  }
0x6b: {  	_ =	shalt  }
0x6c: {  	_ =	shalt  }
0x6d: {  	_ =	shalt  }
0x6e: {  	_ =	shalt  }
0x6f: {  	_ =	shalt  }
0x70: {  	_ =	shalt  }
0x71: {  	_ =	shalt  }
0x72: {  	_ =	shalt  }
0x73: {  	_ =	shalt  }
0x74: {  	_ =	shalt  }
0x75: {  	_ =	shalt  }
0x76: {  	_ =	shalt  }
0x77: {  	_ =	shalt  }
0x78: {  	_ =	shalt  }
0x79: {  	_ =	shalt  }
0x7a: {  	_ =	shalt  }
0x7b: {  	_ =	shalt  }
0x7c: {  	_ =	shalt  }
0x7d: {  	_ =	shalt  }
0x7e: {  	_ =	shalt  }
0x7f: {  	_ =	shalt  }
0x80: {  	_ =	shalt  }
0x81: {  	_ =	shalt  }
0x82: {  	_ =	shalt  }
0x83: {  	_ =	shalt  }
0x84: {  	_ =	shalt  }
0x85: {  	_ =	shalt  }
0x86: {  	_ =	shalt  }
0x87: {  	_ =	shalt  }
.Lfunc_end0:
.L_simem_size_0:
called_computation.2_lowered:
.L_overlay_start_0:
0x88: {  	s2 =	sld [smem:$0x3FD9]  }
0x89: {  	s3 =	sld [smem:$0x3FFE];
	_ =	sdelay $0x1  }
0x8a: {  	s1 =	srdreg.scid  }
0x8b: {  	s0 =	sand.u32 $0x1, s1  }
0x8c: {  	s16 =	sshll.u32 s0, $0xA;
	s2 =	sadd.s32 s3, s2  }
0x8d: {  	s2 =	sadd.s32 s2, s16  }
0x8e: {  	[smem:$0x3FB2] =	sst s2  }
0x8f: {  	_ = 	snop  }
0x90: {  	(tm) =	ssettm $0x1  }
0x91: {  	s17 =	sld [smem:$0x3FFB];
	_ =	sdelay $0x3  }
0x92: {  	_ =	strace s17  }
0x93: {  	s2 =	sld [smem:$0x3FFC];
	_ =	sdelay $0x3  }
0x94: {  	_ =	strace s2  }
0x95: {  	s2 =	sld [smem:$0x3FFD];
	_ =	sdelay $0x3  }
0x96: {  	_ =	strace s2  }
0x97: {  	_ =	strace $0x8FFFFFFF  }
0x98: {  	s18 =	sld [smem:$0x3FDB];
	_ =	sdelay $0x1  }
0x99: {  	s19 =	simm.s32 $_scs_section_size  }
0x9a: {  	s4 =	simm.s32 $_size__tile_overlayer_lowered;
	s5 =	simm.s32 $_tile_overlayer_lowered  }
0x9b: {  	s22 =	simm.s32 $0x1BFF;
	s21 =	sshll.u32 s5, $0x1;
	s2 =	sadd.s32 s19, s18  }
0x9c: {  	s6 =	simm.s32 $0x0;
	s20 =	sshll.u32 s4, $0x1;
	s4 =	sadd.s32 s21, s2  }
0x9d: {  	[timem:s6], [sflag:s22] =	dma.local [hbm:s4], s20  }
0x9e: {  	_ =	swait.ge [sflag:s22], s20  }
0x9f: {  	s3 =	ssub.s32 $0x0, s20;
	[sflag:s22] =	ssyncset.done $0x0  }
0xa0: {  	[sflag:s22] =	ssyncadd.s32 s3;
	_ =	sdelay $0x1  }
0xa1: {  	s23 =	simm.s32 $0x1B8B  }
0xa2: {  	_ =	swait.ge [sflag:s23], $0x1  }
0xa3: {  	[sflag:s23] =	ssyncset.done $0x0  }
0xa4: {  	s25 =	simm.s32 $0x1B8E;
	s24 =	sld [smem:$0x3FFE];
	[sflag:s23] =	ssyncadd.s32 $0xFFFFFFFF  }
0xa5: {  	s26 =	simm.s32 $execute0_lowered;
	[smem:$0x3FD2] =	sst s25  }
0xa6: {  	s4 =	sshll.u32 s26, $0x1;
	_ =	strace $0x8000004C;
	[dreg:$0x1] =	wrdreg $0xFFFFFFFF  }
0xa7: {  	s28 =	simm.s32 $_size_execute0_lowered;
	s2 =	sadd.s32 s2, s4;
	[dreg:$0x0] =	wrdreg $0x0  }
0xa8: {  	s4 =	sshll.u32 s28, $0x1;
	[dreg:$0x2] =	wrdreg s2  }
0xa9: {  	[dreg:$0x3] =	wrdreg s4  }
0xaa: {  	[dreg:$0x4] =	wrdreg $0xC0  }
0xab: {  	_ =	task [dreg:s6], $0x5FFFF  }
0xac: {  	[dreg:$0x1] =	wrdreg $0xFFFFFFFF  }
0xad: {  	[dreg:$0x0] =	wrdreg $0x60  }
0xae: {  	[dreg:$0x2] =	wrdreg s24  }
0xaf: {  	[dreg:$0x3] =	wrdreg $0x91000  }
0xb0: {  	[dreg:$0x4] =	wrdreg $0x9  }
0xb1: {  	_ =	task.clear_ibuf [dreg:s6], $0x5FFFF;
	_ =	strace $0x9000004C  }
0xb2: {  	s29 =	simm.s32 $0x9;
	_ =	strace $0x8000004E  }
0xb3: {  	_ =	swait.ge [sflag:s29], $0x1  }
0xb4: {  	[sflag:s29] =	ssyncadd.s32 $0xFFFFFFFF  }
0xb5: {  	_ =	strace $0x9000004E  }
0xb6: {  	_ =	sfence  }
0xb7: {  	s30 =	sld [smem:$0x0];
	_ =	sdelay $0x2  }
0xb8: {  	s31 =	sshll.u32 s1, $0xD;
	s1 =	sshrl.u32 s1, $0x2  }
0xb9: {  	s3 =	sand.u32 $0x4000, s31;
	s1 =	sadd.s32 s1, s30  }
0xba: {  	s0 =	sor.u32 s3, s0;
	s1 =	sshll.u32 s1, $0x11  }
0xbb: {  	s0 =	sor.u32 s1, s0  }
0xbc: {  	s0 =	sadd.s32 $0x8F2B, s0  }
0xbd: {  	[sflag:s0] =	ssyncadd.remote.s32 $0x1  }
0xbe: {  	_ =	sfence.sel $0xFFFF  }
0xbf: {  	[dreg:$0x0] =	wrdreg $0xFFFFFFFF;
	(pc) =	sbr.abs _section_cstart, $3  }
0xc0: {  	[dreg:$0x1] =	wrdreg $0xFFFFFFFF  }
0xc1: {  	_ =	task.clear_ibuf [dreg:s6], $0x2FFFF;
	_ =	strace $0x9FFFFFFF  }
0xc2: {  	(tm) =	ssettm $0x7FFFFFFF  }
0xc3: {  	_ =	shalt  }
tec
execute0_lowered:
.L_overlay_start_1:
0x0: {  	(tag) =	ssettag $0x1  }
0x1: {  	s0 =	rddreg [dreg:$0x0]  }
0x2: {  	s1 =	rddreg [dreg:$0x1]  }
0x3: {  	s3 =	simm.s32 $0x0;
	s2 =	srdreg.scid;
	s18 =	stileid.u32  }
0x4: {  	s21 =	simm.s32 $0x80;
	s22 =	simm.s32 $0x3;
	s23 =	simm.s32 $0x50  }
0x5: {  	s24 =	simm.s32 $0x4100;
	s25 =	simm.s32 $0x4;
	s28 =	simm.s32 $0x6900  }
0x6: {  	s29 =	simm.s32 $0x2;
	[smem:$0x7FF] =	sst s3;
	s2 =	sand.u32 $0x1, s2  }
0x7: {  	s6 =	sshll.u32 s18, $0xF;
	s12 =	smul.u32 $0x13800, s18;
	s4 =	sadd.s32 $0x4B600, s0  }
0x8: {  	s5 =	sadd.s32 $0x14400, s0;
	s8 =	smul.u32 $0x4E000, s18;
	s13 =	sadd.s32 $0xE8000, s0  }
0x9: {  	s30 =	sshll.u32 s18, $0x6;
	s19 =	sadd.s32 $0x138000, s1;
	p0 =	sne.s32 s18, $0xF  }
0xa: {  	s18 =	simm.s32 $0x5;
	_ =	strace $0x8000004D;
	s7 =	sshll.u32 s2, $0xE  }
0xb: {  	s9 =	ssub.s32 $0x2, s2;
	s2 =	smul.u32 $0x138800, s2;
	s19 =	sshrl.u32 @!p0 s19, $0x3  }
0xc: {  	s6 =	sor.u32 s7, s6;
	s26 =	sshrl.u32 s12, $0x3;
	s14 =	sshrl.u32 s9, $0x1  }
0xd: {  	s8 =	sshrl.u32 s8, $0x2;
	s11 =	sshrl.u32 s6, $0x3;
	s7 =	sadd.s32 s26, s0  }
0xe: {  	s15 =	ssub.s32 s9, s14;
	s17 =	sadd.s32 s8, s1;
	s8 =	sor.u32 $0x1C05, s30  }
0xf: {  	s9 =	sadd.s32 $0x4B400, s0;
	s31 =	sadd.s32 s12, s2;
	s2 =	sshrl.u32 s2, $0x3  }
0x10: {  	s26 =	simm.s32 $0x1;
	s10 =	sadd.s32 s11, s0;
	s7 =	sadd.s32 $0x24400, s7  }
0x11: {  	s11 =	sadd.s32 s5, s11;
	s0 =	sshrl.u32 s31, $0x3;
	s2 =	sadd.s32 s13, s2  }
0x12: {  	s15 =	smax.u32 s15, $0x1;
	s17 =	sshrl.u32 s17, $0x3;
	[dreg:$0x3] =	wrdreg s7  }
0x13: {  	s10 =	sadd.s32 $0x4400, s10;
	s12 =	sadd.s32 $0x10, s11;
	s13 =	sadd.s32 s13, s0  }
0x14: {  	s14 =	sadd.s32 $0x27000, s2;
	s16 =	sadd.s32 $0x7C0, s11;
	s2 =	simm.s32 $0x0  }
.LBB2_1:
0x15: {  	s0 =	rddreg [dreg:$0x3]  }
0x16: {  	[spmem:s17], [sflag:s8] =	dma.local [hbm:s0], $0x2700  }
0x17: {  	_ =	swait.ge [sflag:s18], $0x2700  }
0x18: {  	[sflag:s18] =	ssyncset.done $0x0  }
0x19: {  	s20 =	simm.s32 @!p0 $0x5;
	[sflag:s18] =	ssyncadd.s32 $0xFFFFD900  }
0x1a: {  	[spmem:s19], [sflag:s8] =	dma.local @!p0 [hbm:s9], $0x100  }
0x1b: {  	_ =	swait.ge @!p0 [sflag:s20], $0x100  }
0x1c: {  	[sflag:s20] =	ssyncset.done @!p0 $0x0  }
0x1d: {  	s31 =	simm.s32 $0x100;
	[sflag:s20] =	ssyncadd.s32 @!p0 $0xFFFFFF00  }
0x1e: {  	[tilespmem:s31], [sflag:$0x5] =	stream.linear.gather [hbm4b:s10+s3], $0x3E80, $0x38;
	[tilespmem:$0x1C980] =	vst v63  }
0x1f: {  	_ =	swait.ge [sflag:s18], $0x3E80  }
0x20: {  	[sflag:s18] =	ssyncset.done $0x0  }
0x21: {  	[sflag:s18] =	ssyncadd.s32 $0xFFFFC180  }
0x22: {  	[bflag:$0x0] =	sbarrier.arrive $0xFFFF  }
0x23: {  	[tilespmem:s3], [sflag:$0x3] =	stream.linear.gather [hbm4b:s11+s3], $0x80, $0x38;
	[tilespmem:$0x1C980] =	vst v63  }
0x24: {  	_ = 	snop  }
0x25: {  	[tilespmem:s21], [sflag:$0x4] =	stream.linear.gather [hbm4b:s12+s3], $0x80, $0x38;
	[tilespmem:$0x1C980] =	vst v63  }
0x26: {  	_ =	swait.ge [sflag:s22], $0x80  }
0x27: {  	[sflag:s22] =	ssyncset.done $0x0  }
0x28: {  	[sflag:s22] =	ssyncadd.s32 $0xFFFFFF80  }
0x29: {  	[tilespmem:s24], [sflag:$0x1] =	stream.indirect.gather [hbm4b:s4+s23], $0x80, s3, s23, $0xb8;
	[tilespmem:$0x1C980] =	vst v63  }
0x2a: {  	s7 =	simm.s32 $0x100;
	_ =	swait.ge [sflag:s25], $0x80  }
0x2b: {  	s30 =	sand.u32 $0x7C00, s7;
	[sflag:s25] =	ssyncset.done $0x0  }
0x2c: {  	s30 =	sadd.s32 s6, s30;
	s20 =	sand.u32 $0x300, s7;
	[sflag:s25] =	ssyncadd.s32 $0xFFFFFF80  }
0x2d: {  	s20 =	sor.u32 s20, s30;
	_ =	swait.ge [sflag:s26], $0x2800  }
0x2e: {  	s20 =	sshrl.u32 s20, $0x3;
	[sflag:s26] =	ssyncset.done $0x0  }
0x2f: {  	s20 =	sadd.s32 s5, s20;
	[sflag:s26] =	ssyncadd.s32 $0xFFFFD800  }
0x30: {  	[tilespmem:s3], [sflag:$0x3] =	stream.linear.gather [hbm4b:s20+s3], $0x80, $0x38;
	[tilespmem:$0x1C980] =	vst v63  }
0x31: {  	_ = 	snop  }
0x32: {  	[tilespmem:s28], [sflag:$0x2] =	stream.indirect.gather [hbm4b:s4+s23], $0x80, s21, s23, $0xb8;
	[tilespmem:$0x1C980] =	vst v63  }
0x33: {  	s31 =	simm.s32 $0x100  }
0x34: {  	[spmem:s1] =	stream.indirect.scatter.add.f32 [tilespmem:s24], [sflag:$0x5], $0x80, s31, s23, $0xb8;
	[tilespmem:$0x1C980] =	vst v63  }
0x35: {  	_ =	swait.ge [sflag:s18], $0x2800  }
0x36: {  	[sflag:s18] =	ssyncset.done $0x0  }
0x37: {  	[sflag:s18] =	ssyncadd.s32 $0xFFFFD800  }
0x38: {  	s20 =	simm.s32 $0x180;
	_ =	swait.ge [sflag:s22], $0x80  }
0x39: {  	s30 =	sand.u32 $0x7C00, s20;
	[sflag:s22] =	ssyncset.done $0x0  }
0x3a: {  	s30 =	sadd.s32 s6, s30;
	s31 =	sand.u32 $0x380, s20;
	[sflag:s22] =	ssyncadd.s32 $0xFFFFFF80  }
0x3b: {  	s30 =	sor.u32 s31, s30;
	_ =	swait.ge [sflag:s29], $0x2800  }
0x3c: {  	s30 =	sshrl.u32 s30, $0x3;
	[sflag:s29] =	ssyncset.done $0x0  }
0x3d: {  	s30 =	sadd.s32 s5, s30;
	[sflag:s29] =	ssyncadd.s32 $0xFFFFD800  }
0x3e: {  	[tilespmem:s21], [sflag:$0x4] =	stream.linear.gather [hbm4b:s30+s3], $0x80, $0x38;
	[tilespmem:$0x1C980] =	vst v63  }
0x3f: {  	_ = 	snop  }
0x40: {  	[tilespmem:s24], [sflag:$0x1] =	stream.indirect.gather [hbm4b:s4+s23], $0x80, s3, s23, $0xb8;
	[tilespmem:$0x1C980] =	vst v63  }
0x41: {  	_ = 	snop  }
0x42: {  	[spmem:s1] =	stream.indirect.scatter.add.f32 [tilespmem:s28], [sflag:$0x5], $0x80, s20, s23, $0xb8;
	[tilespmem:$0x1C980] =	vst v63  }
0x43: {  	_ =	swait.ge [sflag:s18], $0x2800  }
0x44: {  	s30 =	simm.s32 $0x280;
	[sflag:s18] =	ssyncset.done $0x0  }
.LBB2_2:
0x45: {  	p1 =	sne.s32 s30, $0x3D80;
	[sflag:s18] =	ssyncadd.s32 $0xFFFFD800;
	s20 =	sadd.s32 $0x100, s20  }
0x46: {  	s31 =	smov.u32 s30;
	s30 =	sadd.s32 $0x100, s30;
	_ =	swait.ge [sflag:s25], $0x80  }
0x47: {  	s0 =	sadd.s32 $0xFFFFFF80, s31;
	[sflag:s25] =	ssyncset.done $0x0  }
0x48: {  	s7 =	sand.u32 $0x7C00, s0;
	[sflag:s25] =	ssyncadd.s32 $0xFFFFFF80  }
0x49: {  	s0 =	sand.u32 $0x300, s0;
	s7 =	sadd.s32 s6, s7  }
0x4a: {  	s0 =	sor.u32 s0, s7;
	_ =	swait.ge [sflag:s26], $0x2800  }
0x4b: {  	s0 =	sshrl.u32 s0, $0x3;
	[sflag:s26] =	ssyncset.done $0x0  }
0x4c: {  	s0 =	sadd.s32 s5, s0;
	[sflag:s26] =	ssyncadd.s32 $0xFFFFD800  }
0x4d: {  	[tilespmem:s3], [sflag:$0x3] =	stream.linear.gather [hbm4b:s0+s3], $0x80, $0x38;
	[tilespmem:$0x1C980] =	vst v63  }
0x4e: {  	_ = 	snop  }
0x4f: {  	[tilespmem:s28], [sflag:$0x2] =	stream.indirect.gather [hbm4b:s4+s23], $0x80, s21, s23, $0xb8;
	[tilespmem:$0x1C980] =	vst v63  }
0x50: {  	s0 =	sadd.s32 $0xFFFFFF80, s20  }
0x51: {  	[spmem:s1] =	stream.indirect.scatter.add.f32 [tilespmem:s24], [sflag:$0x5], $0x80, s0, s23, $0xb8;
	[tilespmem:$0x1C980] =	vst v63  }
0x52: {  	_ =	swait.ge [sflag:s18], $0x2800  }
0x53: {  	[sflag:s18] =	ssyncset.done $0x0  }
0x54: {  	[sflag:s18] =	ssyncadd.s32 $0xFFFFD800  }
0x55: {  	_ =	swait.ge [sflag:s22], $0x80  }
0x56: {  	s0 =	sand.u32 $0x7C00, s31;
	[sflag:s22] =	ssyncset.done $0x0  }
0x57: {  	s7 =	sand.u32 $0x380, s31;
	s0 =	sadd.s32 s6, s0;
	[sflag:s22] =	ssyncadd.s32 $0xFFFFFF80  }
0x58: {  	s0 =	sor.u32 s7, s0;
	_ =	swait.ge [sflag:s29], $0x2800  }
0x59: {  	s0 =	sshrl.u32 s0, $0x3;
	[sflag:s29] =	ssyncset.done $0x0  }
0x5a: {  	s0 =	sadd.s32 s5, s0;
	[sflag:s29] =	ssyncadd.s32 $0xFFFFD800  }
0x5b: {  	[tilespmem:s21], [sflag:$0x4] =	stream.linear.gather [hbm4b:s0+s3], $0x80, $0x38;
	[tilespmem:$0x1C980] =	vst v63  }
0x5c: {  	_ = 	snop  }
0x5d: {  	[tilespmem:s24], [sflag:$0x1] =	stream.indirect.gather [hbm4b:s4+s23], $0x80, s3, s23, $0xb8;
	[tilespmem:$0x1C980] =	vst v63  }
.Ltmp0:
0x5e: {  	_ = 	snop;
	(pc) =	sbr.rel @p1 .LBB2_2-.Ltmp0, $4  }
0x5f: {  	_ = 	snop  }
0x60: {  	[spmem:s1] =	stream.indirect.scatter.add.f32 [tilespmem:s28], [sflag:$0x5], $0x80, s20, s23, $0xb8;
	[tilespmem:$0x1C980] =	vst v63  }
0x61: {  	_ =	swait.ge [sflag:s18], $0x2800  }
0x62: {  	[sflag:s18] =	ssyncset.done $0x0  }
0x63: {  	[sflag:s18] =	ssyncadd.s32 $0xFFFFD800  }
0x64: {  	_ =	swait.ge [sflag:s25], $0x80  }
0x65: {  	[sflag:s25] =	ssyncset.done $0x0  }
0x66: {  	[sflag:s25] =	ssyncadd.s32 $0xFFFFFF80  }
0x67: {  	_ =	swait.ge [sflag:s26], $0x2800  }
0x68: {  	[sflag:s26] =	ssyncset.done $0x0  }
0x69: {  	[sflag:s26] =	ssyncadd.s32 $0xFFFFD800  }
0x6a: {  	[tilespmem:s3], [sflag:$0x3] =	stream.linear.gather [hbm4b:s16+s3], $0x80, $0x38;
	[tilespmem:$0x1C980] =	vst v63  }
0x6b: {  	_ = 	snop  }
0x6c: {  	[tilespmem:s28], [sflag:$0x2] =	stream.indirect.gather [hbm4b:s4+s23], $0x80, s21, s23, $0xb8;
	[tilespmem:$0x1C980] =	vst v63  }
0x6d: {  	s0 =	simm.s32 $0x3E00  }
0x6e: {  	[spmem:s1] =	stream.indirect.scatter.add.f32 [tilespmem:s24], [sflag:$0x5], $0x80, s0, s23, $0xb8;
	[tilespmem:$0x1C980] =	vst v63  }
0x6f: {  	_ =	swait.ge [sflag:s18], $0x2800  }
0x70: {  	[sflag:s18] =	ssyncset.done $0x0  }
0x71: {  	[sflag:s18] =	ssyncadd.s32 $0xFFFFD800  }
0x72: {  	_ =	swait.ge [sflag:s22], $0x80  }
0x73: {  	[sflag:s22] =	ssyncset.done $0x0  }
0x74: {  	[sflag:s22] =	ssyncadd.s32 $0xFFFFFF80  }
0x75: {  	_ =	swait.ge [sflag:s29], $0x2800  }
0x76: {  	[sflag:s29] =	ssyncset.done $0x0  }
0x77: {  	[sflag:s29] =	ssyncadd.s32 $0xFFFFD800  }
0x78: {  	[tilespmem:s21], [sflag:$0x4] =	stream.linear.gather [hbm4b:s16+s3], $0x80, $0x38;
	[tilespmem:$0x1C980] =	vst v63  }
0x79: {  	_ = 	snop  }
0x7a: {  	[tilespmem:s24], [sflag:$0x1] =	stream.indirect.gather [hbm4b:s4+s23], $0x80, s3, s23, $0xb8;
	[tilespmem:$0x1C980] =	vst v63  }
0x7b: {  	s30 =	simm.s32 $0x3E80  }
0x7c: {  	[spmem:s1] =	stream.indirect.scatter.add.f32 [tilespmem:s28], [sflag:$0x5], $0x80, s30, s23, $0xb8;
	[tilespmem:$0x1C980] =	vst v63  }
0x7d: {  	_ =	swait.ge [sflag:s18], $0x2800  }
0x7e: {  	[sflag:s18] =	ssyncset.done $0x0  }
0x7f: {  	[sflag:s18] =	ssyncadd.s32 $0xFFFFD800  }
0x80: {  	_ =	swait.ge [sflag:s25], $0x80  }
0x81: {  	[sflag:s25] =	ssyncset.done $0x0  }
0x82: {  	[sflag:s25] =	ssyncadd.s32 $0xFFFFFF80  }
0x83: {  	_ =	swait.ge [sflag:s26], $0x2800  }
0x84: {  	[sflag:s26] =	ssyncset.done $0x0  }
0x85: {  	s31 =	simm.s32 $0x3F00;
	[sflag:s26] =	ssyncadd.s32 $0xFFFFD800  }
0x86: {  	[spmem:s1] =	stream.indirect.scatter.add.f32 [tilespmem:s24], [sflag:$0x5], $0x80, s31, s23, $0xb8;
	[tilespmem:$0x1C980] =	vst v63  }
0x87: {  	_ =	swait.ge [sflag:s18], $0x2800  }
0x88: {  	[sflag:s18] =	ssyncset.done $0x0  }
0x89: {  	[sflag:s18] =	ssyncadd.s32 $0xFFFFD800  }
0x8a: {  	[bflag:$0x0] =	sbarrier.arrive $0xFFFF  }
0x8b: {  	[hbm:s13], [sflag:s8] =	dma.local [spmem:s17], $0x2700  }
0x8c: {  	s2 =	sadd.s32 $0x1, s2;
	_ =	swait.ge [sflag:s18], $0x2700  }
0x8d: {  	p1 =	sne.s32 s2, s15;
	[sflag:s18] =	ssyncset.done $0x0  }
.Ltmp1:
0x8e: {  	s0 =	simm.s32 @!p0 $0x5;
	[sflag:s18] =	ssyncadd.s32 $0xFFFFD900;
	(pc) =	sbr.rel @p1 .LBB2_1-.Ltmp1, $4  }
0x8f: {  	[hbm:s14], [sflag:s8] =	dma.local @!p0 [spmem:s19], $0x100  }
0x90: {  	_ =	swait.ge @!p0 [sflag:s0], $0x100  }
0x91: {  	[sflag:s0] =	ssyncset.done @!p0 $0x0  }
0x92: {  	[sflag:s0] =	ssyncadd.s32 @!p0 $0xFFFFFF00  }
0x93: {  	_ =	sfence.sel $0x180000  }
0x94: {  	[bflag:$0x0] =	sbarrier.arrive $0xFFFF  }
0x95: {  	_ =	strace $0x9000004D  }
0x96: {  	s0 =	stileid.u32;
	[bflag:$0x2] =	sbarrier.arrive $0xFFFF  }
0x97: {  	p0 =	sne.s32 s0, $0x0;
	s0 =	rddreg [dreg:$0x2]  }
0x98: {  	s0 =	sadd.s32 @!p0 $0x100000, s0  }
0x99: {  	[sflag:s0] =	ssyncadd.tile.s32 @!p0 $0x1;
	_ =	shalt  }
.Lfunc_end2:
_tile_overlayer_lowered:
.L_overlay_start_2:
0x9a: {  	(tag) =	ssettag $0x2  }
0x9b: {  	s0 =	rddreg [dreg:$0x0];
	s2 =	stileid.u32  }
0x9c: {  	s1 =	rddreg [dreg:$0x1];
	p0 =	sne.s32 s2, $0x0  }
0x9d: {  	s3 =	rddreg [dreg:$0x2];
	[bflag:$0x3] =	sbarrier.arrive $0xFFFF;
	s2 =	simm.s32 @!p0 $0x1C05  }
0x9e: {  	[timem:s3], [sflag:s2] =	dma.local @!p0 [hbm:s0], s1  }
0x9f: {  	s0 =	simm.s32 @!p0 $0x5  }
0xa0: {  	_ =	swait.ge @!p0 [sflag:s0], s1  }
0xa1: {  	s1 =	ssub.s32 @!p0 $0x0, s1;
	[sflag:s0] =	ssyncset.done @!p0 $0x0  }
0xa2: {  	[sflag:s0] =	ssyncadd.s32 @!p0 s1  }
0xa3: {  	[bflag:$0x3] =	sbarrier.arrive $0xFFFF  }
0xa4: {  	_ =	shalt  }

// kernel: kernel.18.cloned.1.call-start
scs
__scs_entry_jumppad:
0x0: {  	(pc) =	sbr.rel $0x88, $3  }
0x1: {  	(tag) =	ssettag $0x0;
	lr =	simm.s32 $0x1  }
0x2: {  	[smem:$0x3F8B] =	sst lr;
	_ =	strace $0xD0000000  }
0x3: {  	_ = 	snop  }
0x4: {  	_ = 	snop  }
0x5: {  	_ = 	snop  }
0x6: {  	_ = 	snop  }
0x7: {  	_ = 	snop  }
__scs_overlays_trampoline_lowered:
0x8: {  	[smem:$0x3F9A] =	sst s0  }
0x9: {  	[smem:$0x3F9B] =	sst s1  }
0xa: {  	[smem:$0x3F9C] =	sst s2  }
0xb: {  	[smem:$0x3F9D] =	sst s3  }
0xc: {  	[smem:$0x3F9E] =	sst s4  }
0xd: {  	[smem:$0x3F9F] =	sst s5  }
0xe: {  	[smem:$0x3FA0] =	sst s6  }
0xf: {  	[smem:$0x3FA1] =	sst s7  }
0x10: {  	[smem:$0x3FA2] =	sst s8  }
0x11: {  	[smem:$0x3FA3] =	sst s9;
	s0 =	simm.s32 @!p0 $0x0  }
0x12: {  	s1 =	sld [smem:$0x3F89];
	s0 =	simm.s32 @p0 $0x1  }
0x13: {  	[smem:$0x3FA4] =	sst s0;
	s0 =	simm.s32 @!p1 $0x0  }
0x14: {  	s2 =	sld [smem:$0x3F88];
	s0 =	simm.s32 @p1 $0x1  }
0x15: {  	[smem:$0x3FA5] =	sst s0;
	s0 =	simm.s32 @!p2 $0x0  }
0x16: {  	s3 =	sld [smem:$0x3FDB];
	s0 =	simm.s32 @p2 $0x1  }
0x17: {  	s4 =	simm.s32 $0x1BF5;
	[smem:$0x3FA7] =	sst s0  }
0x18: {  	s0 =	sld [smem:$0x3F8A];
	_ =	swait.ge [sflag:s4], $0x0  }
0x19: {  	s7 =	sld [smem:$0x3F8B]  }
0x1a: {  	s8 =	sadd.s32 $0xFFFFE003, lr  }
0x1b: {  	s9 =	sadd.s32 $0xFFFFFEF7, lr;
	s5 =	simm.s32 $0xFFFFFFFF;
	p2 =	slt.u32 s8, $0xFFFFF086  }
0x1c: {  	p1 =	slt.u32 s9, $0xF7A;
	s5 =	simm.s32 @!p2 $0x0  }
0x1d: {  	s5 =	simm.s32 @p1 $0x1;
	p0 =	seq.s32 s7, s2  }
0x1e: {  	s7 =	smul.u32 @!p0 $0xF7A, s2;
	p2 =	seq.s32 @!p0 s5, $0x0  }
0x1f: {  	s9 =	smul.u32 $0xF7A, s1;
	s8 =	simm.s32 @!p0 $0x1BF5;
	p2 =	por !p2, p0  }
0x20: {  	[sflag:s8] =	ssyncset.s32 @!p0 $0xFFFFF086;
	s6 =	sadd.s32 @!p0 s3, s7;
	s7 =	simm.s32 @!p0 $0x108  }
0x21: {  	s3 =	sadd.s32 s3, s9;
	s6 =	sadd.s32 @!p0 $0x88, s6;
	s7 =	simm.s32 @p2 $0x1082  }
0x22: {  	[simem:s7], [sflag:s8] =	dma.local @!p0 [hbm:s6], $0xF7A  }
0x23: {  	s9 =	sor.u32 $0xD0000000, s2;
	s6 =	simm.s32 $0x108;
	_ =	swait.ge @!p0 [sflag:s8], $0x0  }
0x24: {  	s3 =	sadd.s32 $0x88, s3;
	s6 =	simm.s32 @!p1 $0x1082;
	[sflag:s4] =	ssyncset.s32 $0xFFFFF086  }
0x25: {  	[simem:s6], [sflag:s4] =	dma.local [hbm:s3], $0xF7A  }
0x26: {  	[smem:$0x3F8B] =	sst s1;
	(tag) =	ssettag s2;
	_ =	strace s9  }
0x27: {  	s1 =	sld [smem:$0x3F9B]  }
0x28: {  	s2 =	sld [smem:$0x3F9C]  }
0x29: {  	s4 =	sld [smem:$0x3F9E]  }
0x2a: {  	p0 =	seq.s32 s5, $0x0;
	s5 =	sld [smem:$0x3F9F]  }
0x2b: {  	s6 =	sld [smem:$0x3FA0]  }
0x2c: {  	s7 =	sld [smem:$0x3FA1]  }
0x2d: {  	s3 =	simm.s32 $0x108;
	s8 =	sld [smem:$0x3FA2]  }
0x2e: {  	s3 =	simm.s32 @!p0 $0x1082;
	s9 =	sld [smem:$0x3FA3]  }
0x2f: {  	lr =	sadd.s32 s0, s3;
	s0 =	sld [smem:$0x3F9A]  }
0x30: {  	s3 =	sld [smem:$0x3F9D]  }
0x31: {  	[smem:$0x3FA6] =	sst s10  }
0x32: {  	s10 =	sld [smem:$0x3FA4];
	_ =	sdelay $0x3  }
0x33: {  	p0 =	seq.s32 s10, $0x1;
	s10 =	sld [smem:$0x3FA6];
	_ =	sdelay $0x3  }
0x34: {  	[smem:$0x3FA6] =	sst s10  }
0x35: {  	s10 =	sld [smem:$0x3FA5];
	_ =	sdelay $0x3  }
0x36: {  	p1 =	seq.s32 s10, $0x1;
	s10 =	sld [smem:$0x3FA6];
	_ =	sdelay $0x3  }
0x37: {  	[smem:$0x3FA6] =	sst s10  }
0x38: {  	s10 =	sld [smem:$0x3FA7]  }
0x39: {  	_ = 	snop;
	(pc) =	sbr.ind lr, $3  }
0x3a: {  	_ = 	snop  }
0x3b: {  	_ = 	snop  }
0x3c: {  	p2 =	seq.s32 s10, $0x1;
	s10 =	sld [smem:$0x3FA6]  }
0x3d: {  	_ =	shalt  }
0x3e: {  	_ =	shalt  }
0x3f: {  	_ =	shalt  }
0x40: {  	_ =	shalt  }
0x41: {  	_ =	shalt  }
0x42: {  	_ =	shalt  }
0x43: {  	_ =	shalt  }
0x44: {  	_ =	shalt  }
0x45: {  	_ =	shalt  }
0x46: {  	_ =	shalt  }
0x47: {  	_ =	shalt  }
0x48: {  	_ =	shalt  }
0x49: {  	_ =	shalt  }
0x4a: {  	_ =	shalt  }
0x4b: {  	_ =	shalt  }
0x4c: {  	_ =	shalt  }
0x4d: {  	_ =	shalt  }
0x4e: {  	_ =	shalt  }
0x4f: {  	_ =	shalt  }
0x50: {  	_ =	shalt  }
0x51: {  	_ =	shalt  }
0x52: {  	_ =	shalt  }
0x53: {  	_ =	shalt  }
0x54: {  	_ =	shalt  }
0x55: {  	_ =	shalt  }
0x56: {  	_ =	shalt  }
0x57: {  	_ =	shalt  }
0x58: {  	_ =	shalt  }
0x59: {  	_ =	shalt  }
0x5a: {  	_ =	shalt  }
0x5b: {  	_ =	shalt  }
0x5c: {  	_ =	shalt  }
0x5d: {  	_ =	shalt  }
0x5e: {  	_ =	shalt  }
0x5f: {  	_ =	shalt  }
0x60: {  	_ =	shalt  }
0x61: {  	_ =	shalt  }
0x62: {  	_ =	shalt  }
0x63: {  	_ =	shalt  }
0x64: {  	_ =	shalt  }
0x65: {  	_ =	shalt  }
0x66: {  	_ =	shalt  }
0x67: {  	_ =	shalt  }
0x68: {  	_ =	shalt  }
0x69: {  	_ =	shalt  }
0x6a: {  	_ =	shalt  }
0x6b: {  	_ =	shalt  }
0x6c: {  	_ =	shalt  }
0x6d: {  	_ =	shalt  }
0x6e: {  	_ =	shalt  }
0x6f: {  	_ =	shalt  }
0x70: {  	_ =	shalt  }
0x71: {  	_ =	shalt  }
0x72: {  	_ =	shalt  }
0x73: {  	_ =	shalt  }
0x74: {  	_ =	shalt  }
0x75: {  	_ =	shalt  }
0x76: {  	_ =	shalt  }
0x77: {  	_ =	shalt  }
0x78: {  	_ =	shalt  }
0x79: {  	_ =	shalt  }
0x7a: {  	_ =	shalt  }
0x7b: {  	_ =	shalt  }
0x7c: {  	_ =	shalt  }
0x7d: {  	_ =	shalt  }
0x7e: {  	_ =	shalt  }
0x7f: {  	_ =	shalt  }
0x80: {  	_ =	shalt  }
0x81: {  	_ =	shalt  }
0x82: {  	_ =	shalt  }
0x83: {  	_ =	shalt  }
0x84: {  	_ =	shalt  }
0x85: {  	_ =	shalt  }
0x86: {  	_ =	shalt  }
0x87: {  	_ =	shalt  }
.Lfunc_end0:
.L_simem_size_0:
called_computation.3_lowered:
.L_overlay_start_0:
0x88: {  	s2 =	sld [smem:$0x3FD9]  }
0x89: {  	s3 =	sld [smem:$0x3FFE];
	_ =	sdelay $0x1  }
0x8a: {  	s1 =	srdreg.scid  }
0x8b: {  	s0 =	sand.u32 $0x1, s1  }
0x8c: {  	s16 =	sshll.u32 s0, $0xA;
	s2 =	sadd.s32 s3, s2  }
0x8d: {  	s2 =	sadd.s32 s2, s16  }
0x8e: {  	[smem:$0x3FB2] =	sst s2  }
0x8f: {  	_ = 	snop  }
0x90: {  	(tm) =	ssettm $0x1  }
0x91: {  	s17 =	sld [smem:$0x3FFB];
	_ =	sdelay $0x3  }
0x92: {  	_ =	strace s17  }
0x93: {  	s2 =	sld [smem:$0x3FFC];
	_ =	sdelay $0x3  }
0x94: {  	_ =	strace s2  }
0x95: {  	s2 =	sld [smem:$0x3FFD];
	_ =	sdelay $0x3  }
0x96: {  	_ =	strace s2  }
0x97: {  	_ =	strace $0x8FFFFFFF  }
0x98: {  	s18 =	sld [smem:$0x3FDB];
	_ =	sdelay $0x1  }
0x99: {  	s19 =	simm.s32 $_scs_section_size  }
0x9a: {  	s4 =	simm.s32 $_size__tile_overlayer_lowered;
	s5 =	simm.s32 $_tile_overlayer_lowered  }
0x9b: {  	s22 =	simm.s32 $0x1BFF;
	s21 =	sshll.u32 s5, $0x1;
	s2 =	sadd.s32 s19, s18  }
0x9c: {  	s6 =	simm.s32 $0x0;
	s20 =	sshll.u32 s4, $0x1;
	s4 =	sadd.s32 s21, s2  }
0x9d: {  	[timem:s6], [sflag:s22] =	dma.local [hbm:s4], s20  }
0x9e: {  	_ =	swait.ge [sflag:s22], s20  }
0x9f: {  	s3 =	ssub.s32 $0x0, s20;
	[sflag:s22] =	ssyncset.done $0x0  }
0xa0: {  	[sflag:s22] =	ssyncadd.s32 s3;
	_ =	sdelay $0x1  }
0xa1: {  	s23 =	simm.s32 $0x1B8B  }
0xa2: {  	_ =	swait.ge [sflag:s23], $0x1  }
0xa3: {  	[sflag:s23] =	ssyncset.done $0x0  }
0xa4: {  	s25 =	simm.s32 $0x1B8E;
	s24 =	sld [smem:$0x3FFE];
	[sflag:s23] =	ssyncadd.s32 $0xFFFFFFFF  }
0xa5: {  	s26 =	simm.s32 $execute0_lowered;
	[smem:$0x3FD2] =	sst s25  }
0xa6: {  	s4 =	sshll.u32 s26, $0x1;
	_ =	strace $0x8000004F;
	[dreg:$0x1] =	wrdreg $0xFFFFFFFF  }
0xa7: {  	s28 =	simm.s32 $_size_execute0_lowered;
	s2 =	sadd.s32 s2, s4;
	[dreg:$0x0] =	wrdreg $0x0  }
0xa8: {  	s4 =	sshll.u32 s28, $0x1;
	[dreg:$0x2] =	wrdreg s2  }
0xa9: {  	[dreg:$0x3] =	wrdreg s4  }
0xaa: {  	[dreg:$0x4] =	wrdreg $0xC0  }
0xab: {  	_ =	task [dreg:s6], $0x5FFFF  }
0xac: {  	[dreg:$0x1] =	wrdreg $0xFFFFFFFF  }
0xad: {  	[dreg:$0x0] =	wrdreg $0x60  }
0xae: {  	[dreg:$0x2] =	wrdreg s24  }
0xaf: {  	[dreg:$0x3] =	wrdreg $0x91000  }
0xb0: {  	[dreg:$0x4] =	wrdreg $0x9  }
0xb1: {  	_ =	task.clear_ibuf [dreg:s6], $0x5FFFF;
	_ =	strace $0x9000004F  }
0xb2: {  	s29 =	simm.s32 $0x9;
	_ =	strace $0x80000051  }
0xb3: {  	_ =	swait.ge [sflag:s29], $0x1  }
0xb4: {  	[sflag:s29] =	ssyncadd.s32 $0xFFFFFFFF  }
0xb5: {  	_ =	strace $0x90000051  }
0xb6: {  	_ =	sfence  }
0xb7: {  	s30 =	sld [smem:$0x0];
	_ =	sdelay $0x2  }
0xb8: {  	s31 =	sshll.u32 s1, $0xD;
	s1 =	sshrl.u32 s1, $0x2  }
0xb9: {  	s3 =	sand.u32 $0x4000, s31;
	s1 =	sadd.s32 s1, s30  }
0xba: {  	s0 =	sor.u32 s3, s0;
	s1 =	sshll.u32 s1, $0x11  }
0xbb: {  	s0 =	sor.u32 s1, s0  }
0xbc: {  	s0 =	sadd.s32 $0x8F2B, s0  }
0xbd: {  	[sflag:s0] =	ssyncadd.remote.s32 $0x1  }
0xbe: {  	_ =	sfence.sel $0xFFFF  }
0xbf: {  	[dreg:$0x0] =	wrdreg $0xFFFFFFFF;
	(pc) =	sbr.abs _section_cstart, $3  }
0xc0: {  	[dreg:$0x1] =	wrdreg $0xFFFFFFFF  }
0xc1: {  	_ =	task.clear_ibuf [dreg:s6], $0x2FFFF;
	_ =	strace $0x9FFFFFFF  }
0xc2: {  	(tm) =	ssettm $0x7FFFFFFF  }
0xc3: {  	_ =	shalt  }
tec
execute0_lowered:
.L_overlay_start_1:
0x0: {  	(tag) =	ssettag $0x1  }
0x1: {  	s0 =	rddreg [dreg:$0x0]  }
0x2: {  	s1 =	rddreg [dreg:$0x1]  }
0x3: {  	s3 =	simm.s32 $0x0;
	s2 =	srdreg.scid;
	s18 =	stileid.u32  }
0x4: {  	s21 =	simm.s32 $0x80;
	s22 =	simm.s32 $0x3;
	s23 =	simm.s32 $0x50  }
0x5: {  	s24 =	simm.s32 $0x4100;
	s25 =	simm.s32 $0x4;
	s28 =	simm.s32 $0x6900  }
0x6: {  	s29 =	simm.s32 $0x2;
	[smem:$0x7FF] =	sst s3;
	s2 =	sand.u32 $0x1, s2  }
0x7: {  	s6 =	sshll.u32 s18, $0xF;
	s12 =	smul.u32 $0x13800, s18;
	s4 =	sadd.s32 $0x4B600, s0  }
0x8: {  	s5 =	sadd.s32 $0x14400, s0;
	s8 =	smul.u32 $0x4E000, s18;
	s13 =	sadd.s32 $0xE8000, s0  }
0x9: {  	s30 =	sshll.u32 s18, $0x6;
	s19 =	sadd.s32 $0x138000, s1;
	p0 =	sne.s32 s18, $0xF  }
0xa: {  	s18 =	simm.s32 $0x5;
	_ =	strace $0x80000050;
	s7 =	sshll.u32 s2, $0xE  }
0xb: {  	s9 =	ssub.s32 $0x2, s2;
	s2 =	smul.u32 $0x138800, s2;
	s19 =	sshrl.u32 @!p0 s19, $0x3  }
0xc: {  	s6 =	sor.u32 s7, s6;
	s26 =	sshrl.u32 s12, $0x3;
	s14 =	sshrl.u32 s9, $0x1  }
0xd: {  	s8 =	sshrl.u32 s8, $0x2;
	s11 =	sshrl.u32 s6, $0x3;
	s7 =	sadd.s32 s26, s0  }
0xe: {  	s15 =	ssub.s32 s9, s14;
	s17 =	sadd.s32 s8, s1;
	s8 =	sor.u32 $0x1C05, s30  }
0xf: {  	s9 =	sadd.s32 $0x4B400, s0;
	s31 =	sadd.s32 s12, s2;
	s2 =	sshrl.u32 s2, $0x3  }
0x10: {  	s26 =	simm.s32 $0x1;
	s10 =	sadd.s32 s11, s0;
	s7 =	sadd.s32 $0x24400, s7  }
0x11: {  	s11 =	sadd.s32 s5, s11;
	s0 =	sshrl.u32 s31, $0x3;
	s2 =	sadd.s32 s13, s2  }
0x12: {  	s15 =	smax.u32 s15, $0x1;
	s17 =	sshrl.u32 s17, $0x3;
	[dreg:$0x3] =	wrdreg s7  }
0x13: {  	s10 =	sadd.s32 $0x4400, s10;
	s12 =	sadd.s32 $0x10, s11;
	s13 =	sadd.s32 s13, s0  }
0x14: {  	s14 =	sadd.s32 $0x27000, s2;
	s16 =	sadd.s32 $0x7C0, s11;
	s2 =	simm.s32 $0x0  }
.LBB2_1:
0x15: {  	s0 =	rddreg [dreg:$0x3]  }
0x16: {  	[spmem:s17], [sflag:s8] =	dma.local [hbm:s0], $0x2700  }
0x17: {  	_ =	swait.ge [sflag:s18], $0x2700  }
0x18: {  	[sflag:s18] =	ssyncset.done $0x0  }
0x19: {  	s20 =	simm.s32 @!p0 $0x5;
	[sflag:s18] =	ssyncadd.s32 $0xFFFFD900  }
0x1a: {  	[spmem:s19], [sflag:s8] =	dma.local @!p0 [hbm:s9], $0x100  }
0x1b: {  	_ =	swait.ge @!p0 [sflag:s20], $0x100  }
0x1c: {  	[sflag:s20] =	ssyncset.done @!p0 $0x0  }
0x1d: {  	s31 =	simm.s32 $0x100;
	[sflag:s20] =	ssyncadd.s32 @!p0 $0xFFFFFF00  }
0x1e: {  	[tilespmem:s31], [sflag:$0x5] =	stream.linear.gather [hbm4b:s10+s3], $0x3E80, $0x38;
	[tilespmem:$0x1C980] =	vst v63  }
0x1f: {  	_ =	swait.ge [sflag:s18], $0x3E80  }
0x20: {  	[sflag:s18] =	ssyncset.done $0x0  }
0x21: {  	[sflag:s18] =	ssyncadd.s32 $0xFFFFC180  }
0x22: {  	[bflag:$0x0] =	sbarrier.arrive $0xFFFF  }
0x23: {  	[tilespmem:s3], [sflag:$0x3] =	stream.linear.gather [hbm4b:s11+s3], $0x80, $0x38;
	[tilespmem:$0x1C980] =	vst v63  }
0x24: {  	_ = 	snop  }
0x25: {  	[tilespmem:s21], [sflag:$0x4] =	stream.linear.gather [hbm4b:s12+s3], $0x80, $0x38;
	[tilespmem:$0x1C980] =	vst v63  }
0x26: {  	_ =	swait.ge [sflag:s22], $0x80  }
0x27: {  	[sflag:s22] =	ssyncset.done $0x0  }
0x28: {  	[sflag:s22] =	ssyncadd.s32 $0xFFFFFF80  }
0x29: {  	[tilespmem:s24], [sflag:$0x1] =	stream.indirect.gather [hbm4b:s4+s23], $0x80, s3, s23, $0xb8;
	[tilespmem:$0x1C980] =	vst v63  }
0x2a: {  	s7 =	simm.s32 $0x100;
	_ =	swait.ge [sflag:s25], $0x80  }
0x2b: {  	s30 =	sand.u32 $0x7C00, s7;
	[sflag:s25] =	ssyncset.done $0x0  }
0x2c: {  	s30 =	sadd.s32 s6, s30;
	s20 =	sand.u32 $0x300, s7;
	[sflag:s25] =	ssyncadd.s32 $0xFFFFFF80  }
0x2d: {  	s20 =	sor.u32 s20, s30;
	_ =	swait.ge [sflag:s26], $0x2800  }
0x2e: {  	s20 =	sshrl.u32 s20, $0x3;
	[sflag:s26] =	ssyncset.done $0x0  }
0x2f: {  	s20 =	sadd.s32 s5, s20;
	[sflag:s26] =	ssyncadd.s32 $0xFFFFD800  }
0x30: {  	[tilespmem:s3], [sflag:$0x3] =	stream.linear.gather [hbm4b:s20+s3], $0x80, $0x38;
	[tilespmem:$0x1C980] =	vst v63  }
0x31: {  	_ = 	snop  }
0x32: {  	[tilespmem:s28], [sflag:$0x2] =	stream.indirect.gather [hbm4b:s4+s23], $0x80, s21, s23, $0xb8;
	[tilespmem:$0x1C980] =	vst v63  }
0x33: {  	s31 =	simm.s32 $0x100  }
0x34: {  	[spmem:s1] =	stream.indirect.scatter.add.f32 [tilespmem:s24], [sflag:$0x5], $0x80, s31, s23, $0xb8;
	[tilespmem:$0x1C980] =	vst v63  }
0x35: {  	_ =	swait.ge [sflag:s18], $0x2800  }
0x36: {  	[sflag:s18] =	ssyncset.done $0x0  }
0x37: {  	[sflag:s18] =	ssyncadd.s32 $0xFFFFD800  }
0x38: {  	s20 =	simm.s32 $0x180;
	_ =	swait.ge [sflag:s22], $0x80  }
0x39: {  	s30 =	sand.u32 $0x7C00, s20;
	[sflag:s22] =	ssyncset.done $0x0  }
0x3a: {  	s30 =	sadd.s32 s6, s30;
	s31 =	sand.u32 $0x380, s20;
	[sflag:s22] =	ssyncadd.s32 $0xFFFFFF80  }
0x3b: {  	s30 =	sor.u32 s31, s30;
	_ =	swait.ge [sflag:s29], $0x2800  }
0x3c: {  	s30 =	sshrl.u32 s30, $0x3;
	[sflag:s29] =	ssyncset.done $0x0  }
0x3d: {  	s30 =	sadd.s32 s5, s30;
	[sflag:s29] =	ssyncadd.s32 $0xFFFFD800  }
0x3e: {  	[tilespmem:s21], [sflag:$0x4] =	stream.linear.gather [hbm4b:s30+s3], $0x80, $0x38;
	[tilespmem:$0x1C980] =	vst v63  }
0x3f: {  	_ = 	snop  }
0x40: {  	[tilespmem:s24], [sflag:$0x1] =	stream.indirect.gather [hbm4b:s4+s23], $0x80, s3, s23, $0xb8;
	[tilespmem:$0x1C980] =	vst v63  }
0x41: {  	_ = 	snop  }
0x42: {  	[spmem:s1] =	stream.indirect.scatter.add.f32 [tilespmem:s28], [sflag:$0x5], $0x80, s20, s23, $0xb8;
	[tilespmem:$0x1C980] =	vst v63  }
0x43: {  	_ =	swait.ge [sflag:s18], $0x2800  }
0x44: {  	s30 =	simm.s32 $0x280;
	[sflag:s18] =	ssyncset.done $0x0  }
.LBB2_2:
0x45: {  	p1 =	sne.s32 s30, $0x3D80;
	[sflag:s18] =	ssyncadd.s32 $0xFFFFD800;
	s20 =	sadd.s32 $0x100, s20  }
0x46: {  	s31 =	smov.u32 s30;
	s30 =	sadd.s32 $0x100, s30;
	_ =	swait.ge [sflag:s25], $0x80  }
0x47: {  	s0 =	sadd.s32 $0xFFFFFF80, s31;
	[sflag:s25] =	ssyncset.done $0x0  }
0x48: {  	s7 =	sand.u32 $0x7C00, s0;
	[sflag:s25] =	ssyncadd.s32 $0xFFFFFF80  }
0x49: {  	s0 =	sand.u32 $0x300, s0;
	s7 =	sadd.s32 s6, s7  }
0x4a: {  	s0 =	sor.u32 s0, s7;
	_ =	swait.ge [sflag:s26], $0x2800  }
0x4b: {  	s0 =	sshrl.u32 s0, $0x3;
	[sflag:s26] =	ssyncset.done $0x0  }
0x4c: {  	s0 =	sadd.s32 s5, s0;
	[sflag:s26] =	ssyncadd.s32 $0xFFFFD800  }
0x4d: {  	[tilespmem:s3], [sflag:$0x3] =	stream.linear.gather [hbm4b:s0+s3], $0x80, $0x38;
	[tilespmem:$0x1C980] =	vst v63  }
0x4e: {  	_ = 	snop  }
0x4f: {  	[tilespmem:s28], [sflag:$0x2] =	stream.indirect.gather [hbm4b:s4+s23], $0x80, s21, s23, $0xb8;
	[tilespmem:$0x1C980] =	vst v63  }
0x50: {  	s0 =	sadd.s32 $0xFFFFFF80, s20  }
0x51: {  	[spmem:s1] =	stream.indirect.scatter.add.f32 [tilespmem:s24], [sflag:$0x5], $0x80, s0, s23, $0xb8;
	[tilespmem:$0x1C980] =	vst v63  }
0x52: {  	_ =	swait.ge [sflag:s18], $0x2800  }
0x53: {  	[sflag:s18] =	ssyncset.done $0x0  }
0x54: {  	[sflag:s18] =	ssyncadd.s32 $0xFFFFD800  }
0x55: {  	_ =	swait.ge [sflag:s22], $0x80  }
0x56: {  	s0 =	sand.u32 $0x7C00, s31;
	[sflag:s22] =	ssyncset.done $0x0  }
0x57: {  	s7 =	sand.u32 $0x380, s31;
	s0 =	sadd.s32 s6, s0;
	[sflag:s22] =	ssyncadd.s32 $0xFFFFFF80  }
0x58: {  	s0 =	sor.u32 s7, s0;
	_ =	swait.ge [sflag:s29], $0x2800  }
0x59: {  	s0 =	sshrl.u32 s0, $0x3;
	[sflag:s29] =	ssyncset.done $0x0  }
0x5a: {  	s0 =	sadd.s32 s5, s0;
	[sflag:s29] =	ssyncadd.s32 $0xFFFFD800  }
0x5b: {  	[tilespmem:s21], [sflag:$0x4] =	stream.linear.gather [hbm4b:s0+s3], $0x80, $0x38;
	[tilespmem:$0x1C980] =	vst v63  }
0x5c: {  	_ = 	snop  }
0x5d: {  	[tilespmem:s24], [sflag:$0x1] =	stream.indirect.gather [hbm4b:s4+s23], $0x80, s3, s23, $0xb8;
	[tilespmem:$0x1C980] =	vst v63  }
.Ltmp0:
0x5e: {  	_ = 	snop;
	(pc) =	sbr.rel @p1 .LBB2_2-.Ltmp0, $4  }
0x5f: {  	_ = 	snop  }
0x60: {  	[spmem:s1] =	stream.indirect.scatter.add.f32 [tilespmem:s28], [sflag:$0x5], $0x80, s20, s23, $0xb8;
	[tilespmem:$0x1C980] =	vst v63  }
0x61: {  	_ =	swait.ge [sflag:s18], $0x2800  }
0x62: {  	[sflag:s18] =	ssyncset.done $0x0  }
0x63: {  	[sflag:s18] =	ssyncadd.s32 $0xFFFFD800  }
0x64: {  	_ =	swait.ge [sflag:s25], $0x80  }
0x65: {  	[sflag:s25] =	ssyncset.done $0x0  }
0x66: {  	[sflag:s25] =	ssyncadd.s32 $0xFFFFFF80  }
0x67: {  	_ =	swait.ge [sflag:s26], $0x2800  }
0x68: {  	[sflag:s26] =	ssyncset.done $0x0  }
0x69: {  	[sflag:s26] =	ssyncadd.s32 $0xFFFFD800  }
0x6a: {  	[tilespmem:s3], [sflag:$0x3] =	stream.linear.gather [hbm4b:s16+s3], $0x80, $0x38;
	[tilespmem:$0x1C980] =	vst v63  }
0x6b: {  	_ = 	snop  }
0x6c: {  	[tilespmem:s28], [sflag:$0x2] =	stream.indirect.gather [hbm4b:s4+s23], $0x80, s21, s23, $0xb8;
	[tilespmem:$0x1C980] =	vst v63  }
0x6d: {  	s0 =	simm.s32 $0x3E00  }
0x6e: {  	[spmem:s1] =	stream.indirect.scatter.add.f32 [tilespmem:s24], [sflag:$0x5], $0x80, s0, s23, $0xb8;
	[tilespmem:$0x1C980] =	vst v63  }
0x6f: {  	_ =	swait.ge [sflag:s18], $0x2800  }
0x70: {  	[sflag:s18] =	ssyncset.done $0x0  }
0x71: {  	[sflag:s18] =	ssyncadd.s32 $0xFFFFD800  }
0x72: {  	_ =	swait.ge [sflag:s22], $0x80  }
0x73: {  	[sflag:s22] =	ssyncset.done $0x0  }
0x74: {  	[sflag:s22] =	ssyncadd.s32 $0xFFFFFF80  }
0x75: {  	_ =	swait.ge [sflag:s29], $0x2800  }
0x76: {  	[sflag:s29] =	ssyncset.done $0x0  }
0x77: {  	[sflag:s29] =	ssyncadd.s32 $0xFFFFD800  }
0x78: {  	[tilespmem:s21], [sflag:$0x4] =	stream.linear.gather [hbm4b:s16+s3], $0x80, $0x38;
	[tilespmem:$0x1C980] =	vst v63  }
0x79: {  	_ = 	snop  }
0x7a: {  	[tilespmem:s24], [sflag:$0x1] =	stream.indirect.gather [hbm4b:s4+s23], $0x80, s3, s23, $0xb8;
	[tilespmem:$0x1C980] =	vst v63  }
0x7b: {  	s30 =	simm.s32 $0x3E80  }
0x7c: {  	[spmem:s1] =	stream.indirect.scatter.add.f32 [tilespmem:s28], [sflag:$0x5], $0x80, s30, s23, $0xb8;
	[tilespmem:$0x1C980] =	vst v63  }
0x7d: {  	_ =	swait.ge [sflag:s18], $0x2800  }
0x7e: {  	[sflag:s18] =	ssyncset.done $0x0  }
0x7f: {  	[sflag:s18] =	ssyncadd.s32 $0xFFFFD800  }
0x80: {  	_ =	swait.ge [sflag:s25], $0x80  }
0x81: {  	[sflag:s25] =	ssyncset.done $0x0  }
0x82: {  	[sflag:s25] =	ssyncadd.s32 $0xFFFFFF80  }
0x83: {  	_ =	swait.ge [sflag:s26], $0x2800  }
0x84: {  	[sflag:s26] =	ssyncset.done $0x0  }
0x85: {  	s31 =	simm.s32 $0x3F00;
	[sflag:s26] =	ssyncadd.s32 $0xFFFFD800  }
0x86: {  	[spmem:s1] =	stream.indirect.scatter.add.f32 [tilespmem:s24], [sflag:$0x5], $0x80, s31, s23, $0xb8;
	[tilespmem:$0x1C980] =	vst v63  }
0x87: {  	_ =	swait.ge [sflag:s18], $0x2800  }
0x88: {  	[sflag:s18] =	ssyncset.done $0x0  }
0x89: {  	[sflag:s18] =	ssyncadd.s32 $0xFFFFD800  }
0x8a: {  	[bflag:$0x0] =	sbarrier.arrive $0xFFFF  }
0x8b: {  	[hbm:s13], [sflag:s8] =	dma.local [spmem:s17], $0x2700  }
0x8c: {  	s2 =	sadd.s32 $0x1, s2;
	_ =	swait.ge [sflag:s18], $0x2700  }
0x8d: {  	p1 =	sne.s32 s2, s15;
	[sflag:s18] =	ssyncset.done $0x0  }
.Ltmp1:
0x8e: {  	s0 =	simm.s32 @!p0 $0x5;
	[sflag:s18] =	ssyncadd.s32 $0xFFFFD900;
	(pc) =	sbr.rel @p1 .LBB2_1-.Ltmp1, $4  }
0x8f: {  	[hbm:s14], [sflag:s8] =	dma.local @!p0 [spmem:s19], $0x100  }
0x90: {  	_ =	swait.ge @!p0 [sflag:s0], $0x100  }
0x91: {  	[sflag:s0] =	ssyncset.done @!p0 $0x0  }
0x92: {  	[sflag:s0] =	ssyncadd.s32 @!p0 $0xFFFFFF00  }
0x93: {  	_ =	sfence.sel $0x180000  }
0x94: {  	[bflag:$0x0] =	sbarrier.arrive $0xFFFF  }
0x95: {  	_ =	strace $0x90000050  }
0x96: {  	s0 =	stileid.u32;
	[bflag:$0x2] =	sbarrier.arrive $0xFFFF  }
0x97: {  	p0 =	sne.s32 s0, $0x0;
	s0 =	rddreg [dreg:$0x2]  }
0x98: {  	s0 =	sadd.s32 @!p0 $0x100000, s0  }
0x99: {  	[sflag:s0] =	ssyncadd.tile.s32 @!p0 $0x1;
	_ =	shalt  }
.Lfunc_end2:
_tile_overlayer_lowered:
.L_overlay_start_2:
0x9a: {  	(tag) =	ssettag $0x2  }
0x9b: {  	s0 =	rddreg [dreg:$0x0];
	s2 =	stileid.u32  }
0x9c: {  	s1 =	rddreg [dreg:$0x1];
	p0 =	sne.s32 s2, $0x0  }
0x9d: {  	s3 =	rddreg [dreg:$0x2];
	[bflag:$0x3] =	sbarrier.arrive $0xFFFF;
	s2 =	simm.s32 @!p0 $0x1C05  }
0x9e: {  	[timem:s3], [sflag:s2] =	dma.local @!p0 [hbm:s0], s1  }
0x9f: {  	s0 =	simm.s32 @!p0 $0x5  }
0xa0: {  	_ =	swait.ge @!p0 [sflag:s0], s1  }
0xa1: {  	s1 =	ssub.s32 @!p0 $0x0, s1;
	[sflag:s0] =	ssyncset.done @!p0 $0x0  }
0xa2: {  	[sflag:s0] =	ssyncadd.s32 @!p0 s1  }
0xa3: {  	[bflag:$0x3] =	sbarrier.arrive $0xFFFF  }
0xa4: {  	_ =	shalt  }

// kernel: kernel.9.cloned.1.call-start
scs
__scs_entry_jumppad:
0x0: {  	(pc) =	sbr.rel $0x88, $3  }
0x1: {  	(tag) =	ssettag $0x0;
	lr =	simm.s32 $0x1  }
0x2: {  	[smem:$0x3F8B] =	sst lr;
	_ =	strace $0xD0000000  }
0x3: {  	_ = 	snop  }
0x4: {  	_ = 	snop  }
0x5: {  	_ = 	snop  }
0x6: {  	_ = 	snop  }
0x7: {  	_ = 	snop  }
__scs_overlays_trampoline_lowered:
0x8: {  	[smem:$0x3F9A] =	sst s0  }
0x9: {  	[smem:$0x3F9B] =	sst s1  }
0xa: {  	[smem:$0x3F9C] =	sst s2  }
0xb: {  	[smem:$0x3F9D] =	sst s3  }
0xc: {  	[smem:$0x3F9E] =	sst s4  }
0xd: {  	[smem:$0x3F9F] =	sst s5  }
0xe: {  	[smem:$0x3FA0] =	sst s6  }
0xf: {  	[smem:$0x3FA1] =	sst s7  }
0x10: {  	[smem:$0x3FA2] =	sst s8  }
0x11: {  	[smem:$0x3FA3] =	sst s9;
	s0 =	simm.s32 @!p0 $0x0  }
0x12: {  	s1 =	sld [smem:$0x3F89];
	s0 =	simm.s32 @p0 $0x1  }
0x13: {  	[smem:$0x3FA4] =	sst s0;
	s0 =	simm.s32 @!p1 $0x0  }
0x14: {  	s2 =	sld [smem:$0x3F88];
	s0 =	simm.s32 @p1 $0x1  }
0x15: {  	[smem:$0x3FA5] =	sst s0;
	s0 =	simm.s32 @!p2 $0x0  }
0x16: {  	s3 =	sld [smem:$0x3FDB];
	s0 =	simm.s32 @p2 $0x1  }
0x17: {  	s4 =	simm.s32 $0x1BF5;
	[smem:$0x3FA7] =	sst s0  }
0x18: {  	s0 =	sld [smem:$0x3F8A];
	_ =	swait.ge [sflag:s4], $0x0  }
0x19: {  	s7 =	sld [smem:$0x3F8B]  }
0x1a: {  	s8 =	sadd.s32 $0xFFFFE003, lr  }
0x1b: {  	s9 =	sadd.s32 $0xFFFFFEF7, lr;
	s5 =	simm.s32 $0xFFFFFFFF;
	p2 =	slt.u32 s8, $0xFFFFF086  }
0x1c: {  	p1 =	slt.u32 s9, $0xF7A;
	s5 =	simm.s32 @!p2 $0x0  }
0x1d: {  	s5 =	simm.s32 @p1 $0x1;
	p0 =	seq.s32 s7, s2  }
0x1e: {  	s7 =	smul.u32 @!p0 $0xF7A, s2;
	p2 =	seq.s32 @!p0 s5, $0x0  }
0x1f: {  	s9 =	smul.u32 $0xF7A, s1;
	s8 =	simm.s32 @!p0 $0x1BF5;
	p2 =	por !p2, p0  }
0x20: {  	[sflag:s8] =	ssyncset.s32 @!p0 $0xFFFFF086;
	s6 =	sadd.s32 @!p0 s3, s7;
	s7 =	simm.s32 @!p0 $0x108  }
0x21: {  	s3 =	sadd.s32 s3, s9;
	s6 =	sadd.s32 @!p0 $0x88, s6;
	s7 =	simm.s32 @p2 $0x1082  }
0x22: {  	[simem:s7], [sflag:s8] =	dma.local @!p0 [hbm:s6], $0xF7A  }
0x23: {  	s9 =	sor.u32 $0xD0000000, s2;
	s6 =	simm.s32 $0x108;
	_ =	swait.ge @!p0 [sflag:s8], $0x0  }
0x24: {  	s3 =	sadd.s32 $0x88, s3;
	s6 =	simm.s32 @!p1 $0x1082;
	[sflag:s4] =	ssyncset.s32 $0xFFFFF086  }
0x25: {  	[simem:s6], [sflag:s4] =	dma.local [hbm:s3], $0xF7A  }
0x26: {  	[smem:$0x3F8B] =	sst s1;
	(tag) =	ssettag s2;
	_ =	strace s9  }
0x27: {  	s1 =	sld [smem:$0x3F9B]  }
0x28: {  	s2 =	sld [smem:$0x3F9C]  }
0x29: {  	s4 =	sld [smem:$0x3F9E]  }
0x2a: {  	p0 =	seq.s32 s5, $0x0;
	s5 =	sld [smem:$0x3F9F]  }
0x2b: {  	s6 =	sld [smem:$0x3FA0]  }
0x2c: {  	s7 =	sld [smem:$0x3FA1]  }
0x2d: {  	s3 =	simm.s32 $0x108;
	s8 =	sld [smem:$0x3FA2]  }
0x2e: {  	s3 =	simm.s32 @!p0 $0x1082;
	s9 =	sld [smem:$0x3FA3]  }
0x2f: {  	lr =	sadd.s32 s0, s3;
	s0 =	sld [smem:$0x3F9A]  }
0x30: {  	s3 =	sld [smem:$0x3F9D]  }
0x31: {  	[smem:$0x3FA6] =	sst s10  }
0x32: {  	s10 =	sld [smem:$0x3FA4];
	_ =	sdelay $0x3  }
0x33: {  	p0 =	seq.s32 s10, $0x1;
	s10 =	sld [smem:$0x3FA6];
	_ =	sdelay $0x3  }
0x34: {  	[smem:$0x3FA6] =	sst s10  }
0x35: {  	s10 =	sld [smem:$0x3FA5];
	_ =	sdelay $0x3  }
0x36: {  	p1 =	seq.s32 s10, $0x1;
	s10 =	sld [smem:$0x3FA6];
	_ =	sdelay $0x3  }
0x37: {  	[smem:$0x3FA6] =	sst s10  }
0x38: {  	s10 =	sld [smem:$0x3FA7]  }
0x39: {  	_ = 	snop;
	(pc) =	sbr.ind lr, $3  }
0x3a: {  	_ = 	snop  }
0x3b: {  	_ = 	snop  }
0x3c: {  	p2 =	seq.s32 s10, $0x1;
	s10 =	sld [smem:$0x3FA6]  }
0x3d: {  	_ =	shalt  }
0x3e: {  	_ =	shalt  }
0x3f: {  	_ =	shalt  }
0x40: {  	_ =	shalt  }
0x41: {  	_ =	shalt  }
0x42: {  	_ =	shalt  }
0x43: {  	_ =	shalt  }
0x44: {  	_ =	shalt  }
0x45: {  	_ =	shalt  }
0x46: {  	_ =	shalt  }
0x47: {  	_ =	shalt  }
0x48: {  	_ =	shalt  }
0x49: {  	_ =	shalt  }
0x4a: {  	_ =	shalt  }
0x4b: {  	_ =	shalt  }
0x4c: {  	_ =	shalt  }
0x4d: {  	_ =	shalt  }
0x4e: {  	_ =	shalt  }
0x4f: {  	_ =	shalt  }
0x50: {  	_ =	shalt  }
0x51: {  	_ =	shalt  }
0x52: {  	_ =	shalt  }
0x53: {  	_ =	shalt  }
0x54: {  	_ =	shalt  }
0x55: {  	_ =	shalt  }
0x56: {  	_ =	shalt  }
0x57: {  	_ =	shalt  }
0x58: {  	_ =	shalt  }
0x59: {  	_ =	shalt  }
0x5a: {  	_ =	shalt  }
0x5b: {  	_ =	shalt  }
0x5c: {  	_ =	shalt  }
0x5d: {  	_ =	shalt  }
0x5e: {  	_ =	shalt  }
0x5f: {  	_ =	shalt  }
0x60: {  	_ =	shalt  }
0x61: {  	_ =	shalt  }
0x62: {  	_ =	shalt  }
0x63: {  	_ =	shalt  }
0x64: {  	_ =	shalt  }
0x65: {  	_ =	shalt  }
0x66: {  	_ =	shalt  }
0x67: {  	_ =	shalt  }
0x68: {  	_ =	shalt  }
0x69: {  	_ =	shalt  }
0x6a: {  	_ =	shalt  }
0x6b: {  	_ =	shalt  }
0x6c: {  	_ =	shalt  }
0x6d: {  	_ =	shalt  }
0x6e: {  	_ =	shalt  }
0x6f: {  	_ =	shalt  }
0x70: {  	_ =	shalt  }
0x71: {  	_ =	shalt  }
0x72: {  	_ =	shalt  }
0x73: {  	_ =	shalt  }
0x74: {  	_ =	shalt  }
0x75: {  	_ =	shalt  }
0x76: {  	_ =	shalt  }
0x77: {  	_ =	shalt  }
0x78: {  	_ =	shalt  }
0x79: {  	_ =	shalt  }
0x7a: {  	_ =	shalt  }
0x7b: {  	_ =	shalt  }
0x7c: {  	_ =	shalt  }
0x7d: {  	_ =	shalt  }
0x7e: {  	_ =	shalt  }
0x7f: {  	_ =	shalt  }
0x80: {  	_ =	shalt  }
0x81: {  	_ =	shalt  }
0x82: {  	_ =	shalt  }
0x83: {  	_ =	shalt  }
0x84: {  	_ =	shalt  }
0x85: {  	_ =	shalt  }
0x86: {  	_ =	shalt  }
0x87: {  	_ =	shalt  }
.Lfunc_end0:
.L_simem_size_0:
called_computation_lowered:
.L_overlay_start_0:
0x88: {  	s2 =	sld [smem:$0x3FD9]  }
0x89: {  	s3 =	sld [smem:$0x3FFE];
	_ =	sdelay $0x1  }
0x8a: {  	s1 =	srdreg.scid  }
0x8b: {  	s0 =	sand.u32 $0x1, s1  }
0x8c: {  	s17 =	sshll.u32 s0, $0xA;
	s2 =	sadd.s32 s3, s2  }
0x8d: {  	s2 =	sadd.s32 s2, s17  }
0x8e: {  	[smem:$0x3FB2] =	sst s2  }
0x8f: {  	_ = 	snop  }
0x90: {  	(tm) =	ssettm $0x1  }
0x91: {  	s18 =	sld [smem:$0x3FFB];
	_ =	sdelay $0x3  }
0x92: {  	_ =	strace s18  }
0x93: {  	s2 =	sld [smem:$0x3FFC];
	_ =	sdelay $0x3  }
0x94: {  	_ =	strace s2  }
0x95: {  	s2 =	sld [smem:$0x3FFD];
	_ =	sdelay $0x3  }
0x96: {  	_ =	strace s2  }
0x97: {  	_ =	strace $0x8FFFFFFF  }
0x98: {  	s19 =	sld [smem:$0x3FDB];
	_ =	sdelay $0x1  }
0x99: {  	s20 =	simm.s32 $_scs_section_size  }
0x9a: {  	s4 =	simm.s32 $_size__tile_overlayer_lowered;
	s5 =	simm.s32 $_tile_overlayer_lowered  }
0x9b: {  	s6 =	simm.s32 $0x1BFF;
	s21 =	sshll.u32 s5, $0x1;
	s3 =	sadd.s32 s20, s19  }
0x9c: {  	s22 =	simm.s32 $0x0;
	s4 =	sshll.u32 s4, $0x1;
	s5 =	sadd.s32 s21, s3  }
0x9d: {  	[timem:s22], [sflag:s6] =	dma.local [hbm:s5], s4  }
0x9e: {  	_ =	swait.ge [sflag:s6], s4  }
0x9f: {  	s4 =	ssub.s32 $0x0, s4;
	[sflag:s6] =	ssyncset.done $0x0  }
0xa0: {  	[sflag:s6] =	ssyncadd.s32 s4;
	_ =	sdelay $0x1  }
0xa1: {  	s23 =	simm.s32 $0x1B8B  }
0xa2: {  	_ =	swait.ge [sflag:s23], $0x1  }
0xa3: {  	[sflag:s23] =	ssyncset.done $0x0  }
0xa4: {  	[sflag:s23] =	ssyncadd.s32 $0xFFFFFFFF  }
0xa5: {  	s4 =	sld [smem:$0x0]  }
0xa6: {  	s5 =	sand.u32 $0xFFFFFFFE, s1  }
0xa7: {  	p0 =	sne.s32 s1, s5  }
0xa8: {  	s5 =	sshll.u32 @p0 s5, $0xE  }
0xa9: {  	s5 =	sadd.s32 @p0 $0x11B8D, s5;
	s6 =	sshll.u32 @p0 s4, $0x11  }
0xaa: {  	s5 =	sor.u32 @p0 s6, s5  }
0xab: {  	[sflag:s5] =	ssyncadd.remote.s32 @p0 $0x1;
	_ =	sdelay $0x1  }
0xac: {  	s5 =	simm.s32 @p0 $0x1B8D  }
0xad: {  	_ =	swait.eq @p0 [sflag:s5], $0x1  }
0xae: {  	[sflag:s5] =	ssyncadd.s32 @p0 $0xFFFFFFFF  }
0xaf: {  	s6 =	sshll.u32 @!p0 s1, $0xE  }
0xb0: {  	s6 =	sor.u32 @!p0 $0x4000, s6;
	s5 =	simm.s32 @!p0 $0x1B8D  }
0xb1: {  	s4 =	sshll.u32 @!p0 s4, $0x11;
	s6 =	sadd.s32 @!p0 $0x11B8D, s6;
	_ =	swait.eq @!p0 [sflag:s5], $0x1  }
0xb2: {  	s4 =	sor.u32 @!p0 s4, s6;
	[sflag:s5] =	ssyncadd.s32 @!p0 $0xFFFFFFFF  }
0xb3: {  	s25 =	simm.s32 $0x1B8E;
	s24 =	sld [smem:$0x3FFE];
	[sflag:s4] =	ssyncadd.remote.s32 @!p0 $0x1  }
0xb4: {  	s26 =	simm.s32 $execute0_lowered;
	[smem:$0x3FD2] =	sst s25  }
0xb5: {  	s5 =	sshll.u32 s26, $0x1;
	_ =	strace $0x80000049;
	[dreg:$0x1] =	wrdreg $0xFFFFFFFF  }
0xb6: {  	s28 =	simm.s32 $_size_execute0_lowered;
	s3 =	sadd.s32 s3, s5;
	[dreg:$0x0] =	wrdreg $0x0  }
0xb7: {  	s5 =	sshll.u32 s28, $0x1;
	[dreg:$0x2] =	wrdreg s3  }
0xb8: {  	[dreg:$0x3] =	wrdreg s5  }
0xb9: {  	[dreg:$0x4] =	wrdreg $0xC0  }
0xba: {  	_ =	task [dreg:s22], $0x5FFFF  }
0xbb: {  	[dreg:$0x1] =	wrdreg $0xFFFFFFFF  }
0xbc: {  	[dreg:$0x0] =	wrdreg $0x60  }
0xbd: {  	[dreg:$0x2] =	wrdreg s24  }
0xbe: {  	[dreg:$0x3] =	wrdreg $0x68000  }
0xbf: {  	[dreg:$0x4] =	wrdreg $0x9  }
0xc0: {  	_ =	task.clear_ibuf [dreg:s22], $0x5FFFF;
	_ =	strace $0x90000049  }
0xc1: {  	s29 =	simm.s32 $0x9;
	_ =	strace $0x8000004B  }
0xc2: {  	_ =	swait.ge [sflag:s29], $0x1  }
0xc3: {  	[sflag:s29] =	ssyncadd.s32 $0xFFFFFFFF  }
0xc4: {  	_ =	strace $0x9000004B  }
0xc5: {  	_ =	sfence  }
0xc6: {  	s30 =	sld [smem:$0x0];
	_ =	sdelay $0x2  }
0xc7: {  	s31 =	sshll.u32 s1, $0xD;
	s1 =	sshrl.u32 s1, $0x2  }
0xc8: {  	s4 =	sand.u32 $0x4000, s31;
	s1 =	sadd.s32 s1, s30  }
0xc9: {  	s0 =	sor.u32 s4, s0;
	s1 =	sshll.u32 s1, $0x11  }
0xca: {  	s0 =	sor.u32 s1, s0  }
0xcb: {  	s0 =	sadd.s32 $0x8F2B, s0  }
0xcc: {  	[sflag:s0] =	ssyncadd.remote.s32 $0x1  }
0xcd: {  	_ =	sfence.sel $0xFFFF  }
0xce: {  	[dreg:$0x0] =	wrdreg $0xFFFFFFFF;
	(pc) =	sbr.abs _section_cstart, $3  }
0xcf: {  	[dreg:$0x1] =	wrdreg $0xFFFFFFFF  }
0xd0: {  	_ =	task.clear_ibuf [dreg:s22], $0x2FFFF;
	_ =	strace $0x9FFFFFFF  }
0xd1: {  	(tm) =	ssettm $0x7FFFFFFF  }
tec
execute0_lowered:
.L_overlay_start_1:
0x0: {  	(tag) =	ssettag $0x1  }
0x1: {  	s7 =	rddreg [dreg:$0x0]  }
0x2: {  	s2 =	rddreg [dreg:$0x1]  }
0x3: {  	s0 =	rddreg [dreg:$0x2];
	s3 =	simm.s32 $0x0  }
0x4: {  	s1 =	stileid.u32;
	s4 =	srdreg.scid;
	s16 =	simm.s32 $0x50  }
0x5: {  	s17 =	simm.s32 $0x80;
	s18 =	simm.s32 $0x1;
	s19 =	simm.s32 $0x2  }
0x6: {  	s20 =	simm.s32 $0x3E00;
	s21 =	simm.s32 $0x0;
	s8 =	smul.u32 $0x13800, s1  }
0x7: {  	[smem:$0x7FF] =	sst s3;
	s6 =	sand.u32 $0x1, s4;
	s9 =	smul.u32 $0x4E000, s1  }
0x8: {  	s13 =	sadd.s32 $0x99E00, s7;
	s29 =	sshll.u32 s1, $0x6;
	s15 =	sadd.s32 $0x138000, s2  }
0x9: {  	s30 =	sshll.u32 s1, $0xC;
	p0 =	sne.s32 s1, $0xF;
	_ =	strace $0x8000004A  }
0xa: {  	s4 =	sshll.u32 s6, $0xB;
	s11 =	ssub.s32 $0x2, s6;
	s14 =	smul.u32 $0x138800, s6  }
0xb: {  	s6 =	sor.u32 $0x1C03, s29;
	s5 =	sshrl.u32 s8, $0x3;
	s10 =	sadd.s32 s4, s7  }
0xc: {  	s4 =	sadd.s32 $0x99800, s7;
	s12 =	sshrl.u32 s11, $0x1;
	s9 =	sshrl.u32 s9, $0x2  }
0xd: {  	s5 =	sadd.s32 s5, s7;
	s11 =	ssub.s32 s11, s12;
	s28 =	sadd.s32 s9, s2  }
0xe: {  	s7 =	sadd.s32 $0x4B400, s7;
	s8 =	sadd.s32 s8, s14;
	s14 =	sshrl.u32 s14, $0x3  }
0xf: {  	s9 =	sadd.s32 s30, s10;
	s5 =	sadd.s32 $0x24400, s5;
	s31 =	sshrl.u32 s8, $0x3  }
0x10: {  	s14 =	sadd.s32 s13, s14;
	s8 =	sadd.s32 $0x4400, s9;
	s11 =	smax.u32 s11, $0x1  }
0x11: {  	s12 =	sshrl.u32 s28, $0x3;
	s9 =	sadd.s32 s13, s31;
	s10 =	sadd.s32 $0x27000, s14  }
0x12: {  	s13 =	simm.s32 $0x3;
	s14 =	sshrl.u32 @!p0 s15, $0x3;
	s15 =	simm.s32 $0x4000  }
.LBB2_1:
0x13: {  	[spmem:s12], [sflag:s6] =	dma.local [hbm:s5], $0x2700  }
0x14: {  	_ =	swait.ge [sflag:s13], $0x2700  }
0x15: {  	[sflag:s13] =	ssyncset.done $0x0  }
0x16: {  	s22 =	simm.s32 @!p0 $0x3;
	[sflag:s13] =	ssyncadd.s32 $0xFFFFD900  }
0x17: {  	[spmem:s14], [sflag:s6] =	dma.local @!p0 [hbm:s7], $0x100  }
0x18: {  	_ =	swait.ge @!p0 [sflag:s22], $0x100  }
0x19: {  	[sflag:s22] =	ssyncset.done @!p0 $0x0  }
0x1a: {  	[sflag:s22] =	ssyncadd.s32 @!p0 $0xFFFFFF00  }
0x1b: {  	[tilespmem:s15], [sflag:$0x3] =	stream.linear.gather [hbm4b:s4+s3], $0x2800, $0x38;
	[tilespmem:$0x1A080] =	vst v63  }
0x1c: {  	_ =	swait.ge [sflag:s13], $0x2800  }
0x1d: {  	[sflag:s13] =	ssyncset.done $0x0  }
0x1e: {  	[sflag:s13] =	ssyncadd.s32 $0xFFFFD800  }
0x1f: {  	[tilespmem:s3], [sflag:$0x3] =	stream.linear.gather [hbm4b:s8+s3], $0x3E80, $0x38;
	[tilespmem:$0x1A080] =	vst v63  }
0x20: {  	_ =	swait.ge [sflag:s13], $0x3E80  }
0x21: {  	[sflag:s13] =	ssyncset.done $0x0  }
0x22: {  	[sflag:s13] =	ssyncadd.s32 $0xFFFFC180  }
0x23: {  	[bflag:$0x0] =	sbarrier.arrive $0xFFFF  }
0x24: {  	[spmem:s2] =	stream.indirect.scatter.add.f32 [tilespmem:s15], [sflag:$0x1], $0x80, s3, s16, $0xb8;
	[tilespmem:$0x1A080] =	vst v63  }
0x25: {  	_ = 	snop  }
0x26: {  	[spmem:s2] =	stream.indirect.scatter.add.f32 [tilespmem:s15], [sflag:$0x2], $0x80, s17, s16, $0xb8;
	[tilespmem:$0x1A080] =	vst v63  }
0x27: {  	_ =	swait.ge [sflag:s18], $0x2800  }
0x28: {  	[sflag:s18] =	ssyncset.done $0x0  }
0x29: {  	s31 =	simm.s32 $0x100;
	[sflag:s18] =	ssyncadd.s32 $0xFFFFD800  }
0x2a: {  	[spmem:s2] =	stream.indirect.scatter.add.f32 [tilespmem:s15], [sflag:$0x1], $0x80, s31, s16, $0xb8;
	[tilespmem:$0x1A080] =	vst v63  }
0x2b: {  	_ =	swait.ge [sflag:s19], $0x2800  }
0x2c: {  	[sflag:s19] =	ssyncset.done $0x0  }
0x2d: {  	s23 =	simm.s32 $0x180;
	s22 =	simm.s32 $0xFFFF1000;
	[sflag:s19] =	ssyncadd.s32 $0xFFFFD800  }
.LBB2_2:
0x2e: {  	[spmem:s2] =	stream.indirect.scatter.add.f32 [tilespmem:s15], [sflag:$0x2], $0x80, s23, s16, $0xb8;
	[tilespmem:$0x1A080] =	vst v63  }
0x2f: {  	s23 =	smov.u32 s22  }
0x30: {  	p1 =	sne.s32 s22, $0xFFFFFC00;
	s22 =	sadd.s32 $0x400, s22;
	_ =	swait.ge [sflag:s18], $0x2800  }
0x31: {  	s23 =	sshra.s32 s23, $0x2;
	[sflag:s18] =	ssyncset.done $0x0  }
.Ltmp0:
0x32: {  	s24 =	sadd.s32 $0x3E00, s23;
	[sflag:s18] =	ssyncadd.s32 $0xFFFFD800;
	(pc) =	sbr.rel @p1 .LBB2_2-.Ltmp0, $4  }
0x33: {  	[spmem:s2] =	stream.indirect.scatter.add.f32 [tilespmem:s15], [sflag:$0x1], $0x80, s24, s16, $0xb8;
	[tilespmem:$0x1A080] =	vst v63  }
0x34: {  	_ =	swait.ge [sflag:s19], $0x2800  }
0x35: {  	[sflag:s19] =	ssyncset.done $0x0  }
0x36: {  	s23 =	sadd.s32 $0x3E80, s23;
	[sflag:s19] =	ssyncadd.s32 $0xFFFFD800  }
0x37: {  	[spmem:s2] =	stream.indirect.scatter.add.f32 [tilespmem:s15], [sflag:$0x2], $0x80, s23, s16, $0xb8;
	[tilespmem:$0x1A080] =	vst v63  }
0x38: {  	_ =	swait.ge [sflag:s18], $0x2800  }
0x39: {  	[sflag:s18] =	ssyncset.done $0x0  }
0x3a: {  	[sflag:s18] =	ssyncadd.s32 $0xFFFFD800  }
0x3b: {  	[spmem:s2] =	stream.indirect.scatter.add.f32 [tilespmem:s15], [sflag:$0x1], $0x80, s20, s16, $0xb8;
	[tilespmem:$0x1A080] =	vst v63  }
0x3c: {  	_ =	swait.ge [sflag:s19], $0x2800  }
0x3d: {  	[sflag:s19] =	ssyncset.done $0x0  }
0x3e: {  	[sflag:s19] =	ssyncadd.s32 $0xFFFFD800  }
0x3f: {  	_ =	swait.ge [sflag:s18], $0x2800  }
0x40: {  	[sflag:s18] =	ssyncset.done $0x0  }
0x41: {  	[sflag:s18] =	ssyncadd.s32 $0xFFFFD800  }
0x42: {  	[bflag:$0x0] =	sbarrier.arrive $0xFFFF  }
0x43: {  	[hbm:s9], [sflag:s6] =	dma.local [spmem:s12], $0x2700  }
0x44: {  	s21 =	sadd.s32 $0x1, s21;
	_ =	swait.ge [sflag:s13], $0x2700  }
0x45: {  	p1 =	sne.s32 s21, s11;
	[sflag:s13] =	ssyncset.done $0x0  }
.Ltmp1:
0x46: {  	s22 =	simm.s32 @!p0 $0x3;
	[sflag:s13] =	ssyncadd.s32 $0xFFFFD900;
	(pc) =	sbr.rel @p1 .LBB2_1-.Ltmp1, $4  }
0x47: {  	[hbm:s10], [sflag:s6] =	dma.local @!p0 [spmem:s14], $0x100  }
0x48: {  	_ =	swait.ge @!p0 [sflag:s22], $0x100  }
0x49: {  	[sflag:s22] =	ssyncset.done @!p0 $0x0  }
0x4a: {  	[sflag:s22] =	ssyncadd.s32 @!p0 $0xFFFFFF00  }
0x4b: {  	_ =	sfence.sel $0x180000  }
0x4c: {  	[bflag:$0x0] =	sbarrier.arrive $0xFFFF  }
0x4d: {  	p0 =	sne.s32 s1, $0x0;
	_ =	strace $0x9000004A  }
0x4e: {  	s0 =	sadd.s32 @!p0 $0x100000, s0;
	[bflag:$0x2] =	sbarrier.arrive $0xFFFF  }
0x4f: {  	[sflag:s0] =	ssyncadd.tile.s32 @!p0 $0x1;
	_ =	shalt  }
.Lfunc_end2:
_tile_overlayer_lowered:
.L_overlay_start_2:
0x50: {  	(tag) =	ssettag $0x2  }
0x51: {  	s0 =	rddreg [dreg:$0x0];
	s2 =	stileid.u32  }
0x52: {  	s1 =	rddreg [dreg:$0x1];
	p0 =	sne.s32 s2, $0x0  }
0x53: {  	s3 =	rddreg [dreg:$0x2];
	[bflag:$0x3] =	sbarrier.arrive $0xFFFF;
	s2 =	simm.s32 @!p0 $0x1C03  }
0x54: {  	[timem:s3], [sflag:s2] =	dma.local @!p0 [hbm:s0], s1  }
0x55: {  	s0 =	simm.s32 @!p0 $0x3  }
0x56: {  	_ =	swait.ge @!p0 [sflag:s0], s1  }
0x57: {  	s1 =	ssub.s32 @!p0 $0x0, s1;
	[sflag:s0] =	ssyncset.done @!p0 $0x0  }
0x58: {  	[sflag:s0] =	ssyncadd.s32 @!p0 s1  }
0x59: {  	[bflag:$0x3] =	sbarrier.arrive $0xFFFF  }
0x5a: {  	_ =	shalt  }

</sc_bundles>
